<compile_context>
chip_gen: v7x
topology: tpu7x:2x2x1
jax: 0.10.2.dev20260603
libtpu: 0.0.44.dev20260713+nightly
codegen_flags: <defaults>
</compile_context>

<pallas_src>
import jax
import jax.numpy as jnp
from jax import lax
from jax.experimental import pallas as pl
from jax.experimental.pallas import tpu as pltpu
from jax.experimental.pallas import tpu_sc as plsc

_SC_PARAMS = pltpu.CompilerParams(needs_layout_passes=False)

E = 320000
N = 10000
F = 128
NP = 10240

NC = 2
NS = 16
L = 16

C1 = 40
NCH = (E // NS) // C1
NSLAB = 4
QTR = NCH // NSLAB
RPS = NP // NS

C3 = 80
NW = NC * NS
EPW = E // NW
ICH = (2 * EPW) // C3



def _seg_sum_kernel(ea_hbm, idx_hbm, acc_hbm, hist_hbm,
                    acc, idx_v, data_v, hist_v, sem0, sem1):
    c = lax.axis_index("core")
    s = lax.axis_index("subcore")
    cw = c * NS + s
    lane = lax.iota(jnp.int32, L)
    ones = jnp.ones((L,), jnp.float32)

    @pl.loop(0, C1)
    def _(i):
        @pl.loop(0, F, step=L)
        def _(l):
            data_v[0, i, pl.ds(l, L)] = jnp.zeros((L,), jnp.float32)

    @pl.loop(0, NP, step=L)
    def _(i):
        hist_v[0, pl.ds(i, L)] = jnp.zeros((L,), jnp.float32)

    @pl.loop(0, RPS // C1)
    def _(k):
        pltpu.sync_copy(data_v.at[0],
                        acc.at[pl.ds(s * RPS + k * C1, C1)])
    plsc.subcore_barrier()

    def start(g, buf, sem):
        pltpu.async_copy(ea_hbm.at[pl.ds((s * NCH + g) * C1, C1)],
                         data_v.at[buf], sem)

    def wait(buf, sem):
        pltpu.make_async_copy(ea_hbm.at[pl.ds(0, C1)],
                              data_v.at[buf], sem).wait()

    def scatter(j, buf):
        pltpu.sync_copy(data_v.at[buf], acc.at[idx_v.at[j]], add=True)

    for h in range(NSLAB):
        pltpu.sync_copy(idx_hbm.at[cw * NSLAB + h], idx_v)
        base = h * QTR
        start(base + 0, 0, sem0)
        start(base + 1, 1, sem1)

        @pl.loop(0, (QTR + 1) // 2)
        def _(k):
            wait(0, sem0)
            scatter(2 * k, 0)

            @pl.when(2 * k + 2 < QTR)
            def _():
                start(base + 2 * k + 2, 0, sem0)

            @pl.when(2 * k + 1 < QTR)
            def _():
                wait(1, sem1)
                scatter(2 * k + 1, 1)

                @pl.when(2 * k + 3 < QTR)
                def _():
                    start(base + 2 * k + 3, 1, sem1)

        @pl.loop(0, (QTR * C1 + L - 1) // L)
        def _(i):
            p = i * L + lane
            msk = p < QTR * C1
            vidx = plsc.load_gather(idx_v, [p // C1, p % C1], mask=msk)
            plsc.addupdate_scatter(hist_v, [jnp.zeros((L,), jnp.int32), vidx],
                                   ones, mask=msk)

    plsc.subcore_barrier()

    @pl.loop(0, RPS // C1)
    def _(k):
        pltpu.sync_copy(acc.at[pl.ds(s * RPS + k * C1, C1)], data_v.at[0])
        pltpu.sync_copy(data_v.at[0], acc_hbm.at[cw * (RPS // C1) + k])
    pltpu.sync_copy(hist_v, hist_hbm.at[cw])


def _seg_sums(edge_attr, idx_chunks):
    mesh = plsc.VectorSubcoreMesh(core_axis_name="core",
                                  subcore_axis_name="subcore")
    nslab = NC * NS * (RPS // C1)
    f = pl.kernel(
        _seg_sum_kernel,
        out_type=(jax.ShapeDtypeStruct((nslab, C1, F), jnp.float32),
                  jax.ShapeDtypeStruct((NC * NS, 1, NP), jnp.float32)),
        mesh=mesh,
        scratch_types=[
            pltpu.VMEM_SHARED((NP, F), jnp.float32),
            pltpu.VMEM((QTR, C1), jnp.int32),
            pltpu.VMEM((2, C1, F), jnp.float32),
            pltpu.VMEM((1, NP), jnp.float32),
            pltpu.SemaphoreType.DMA,
            pltpu.SemaphoreType.DMA,
        ],
        compiler_params=_SC_PARAMS,
    )
    accs, hist = f(edge_attr, idx_chunks)
    return accs.reshape(2 * NP, F), hist.reshape(NC * NS, NP)



BLK = 640


def _dense_kernel(sum_src, sum_dst, hist_src, hist_dst,
                  w0t, b0, w1t, b1, w2t, b2, h1_out, tt_out):
    cnt_src = jnp.sum(hist_src[...], axis=0).reshape(BLK, 1)
    cnt_dst = jnp.sum(hist_dst[...], axis=0).reshape(BLK, 1)
    mean_src = sum_src[...] / jnp.maximum(cnt_src, 1.0)
    mean_dst = sum_dst[...] / jnp.maximum(cnt_dst, 1.0)
    w0 = w0t[...]
    z0 = (jnp.dot(mean_dst, w0[:F], preferred_element_type=jnp.float32)
          + jnp.dot(mean_src, w0[F:], preferred_element_type=jnp.float32)
          + b0[...])
    h0 = 1.0 / (1.0 + jnp.exp(-z0))
    w1 = w1t[...]
    z1 = (jnp.dot(h0, w1[:F], preferred_element_type=jnp.float32)
          + jnp.dot(mean_src, w1[F:], preferred_element_type=jnp.float32)
          + b1[...])
    h1 = 1.0 / (1.0 + jnp.exp(-z1))
    h1_out[...] = h1
    w2 = w2t[...]
    sa = jnp.dot(h1, w2[:F], preferred_element_type=jnp.float32) + b2[...]
    sb = jnp.dot(h1, w2[F:], preferred_element_type=jnp.float32)
    tt_out[...] = jnp.concatenate([sa, sb], axis=1)


def _dense(sums, hist, W0, b0, W1, b1, W2, b2):
    w0t = W0.T
    w1t = W1.T
    w2t = W2.reshape(2 * F, 1)
    full = lambda shape: pl.BlockSpec(shape, lambda i: (0, 0))
    nblk = NP // BLK
    return pl.pallas_call(
        _dense_kernel,
        grid=(nblk,),
        in_specs=[
            pl.BlockSpec((BLK, F), lambda i: (i, 0)),
            pl.BlockSpec((BLK, F), lambda i: (i + nblk, 0)),
            pl.BlockSpec((NS, BLK), lambda i: (0, i)),
            pl.BlockSpec((NS, BLK), lambda i: (1, i)),
            full((2 * F, F)),
            pl.BlockSpec((F,), lambda i: (0,)),
            full((2 * F, F)),
            pl.BlockSpec((F,), lambda i: (0,)),
            full((2 * F, 1)),
            pl.BlockSpec((1,), lambda i: (0,)),
        ],
        out_specs=[
            pl.BlockSpec((BLK, F), lambda i: (i, 0)),
            pl.BlockSpec((BLK, 2), lambda i: (i, 0)),
        ],
        out_shape=[
            jax.ShapeDtypeStruct((NP, F), jnp.float32),
            jax.ShapeDtypeStruct((NP, 2), jnp.float32),
        ],
    )(sums, sums, hist, hist, w0t, b0, w1t, b1, w2t, b2)



def _gather_kernel(h1_hbm, tt_hbm, src_hbm, dst_hbm, emb_hbm, log_hbm,
                   src_v, dst_v, tt_v, log_v, ebuf, sem0, sem1):
    c = lax.axis_index("core")
    s = lax.axis_index("subcore")
    w = s * NC + c
    nch = EPW // C3

    pltpu.sync_copy(src_hbm.at[w], src_v)
    pltpu.sync_copy(dst_hbm.at[w], dst_v)
    pltpu.sync_copy(tt_hbm, tt_v)

    def start(j, buf, sem):
        pltpu.async_copy(h1_hbm.at[src_v.at[j]], ebuf.at[buf].at[0], sem)
        pltpu.async_copy(h1_hbm.at[dst_v.at[j]], ebuf.at[buf].at[1], sem)

    def wait(buf, sem):
        pltpu.make_async_copy(h1_hbm.at[pl.ds(0, 2 * C3)],
                              ebuf.at[buf], sem).wait()

    def store(j, buf):
        base = w * EPW + j * C3
        pltpu.sync_copy(ebuf.at[buf].at[0],
                        emb_hbm.at[pl.ds(base, C3), pl.ds(0, F)])
        pltpu.sync_copy(ebuf.at[buf].at[1],
                        emb_hbm.at[pl.ds(base, C3), pl.ds(F, F)])

    start(0, 0, sem0)
    start(1, 1, sem1)

    @pl.loop(0, nch)
    def _(r):
        @pl.loop(0, C3, step=L)
        def _(off):
            vs = src_v[r, pl.ds(off, L)]
            vd = dst_v[r, pl.ds(off, L)]
            va = plsc.load_gather(tt_v, [vs * 2])
            vb = plsc.load_gather(tt_v, [vd * 2 + 1])
            log_v[pl.ds(r * C3 + off, L)] = va + vb

    pltpu.sync_copy(log_v, log_hbm.at[pl.ds(w * EPW, EPW)])

    @pl.loop(0, nch // 2)
    def _(k):
        wait(0, sem0)
        store(2 * k, 0)

        @pl.when(2 * k + 2 < nch)
        def _():
            start(2 * k + 2, 0, sem0)

        wait(1, sem1)
        store(2 * k + 1, 1)

        @pl.when(2 * k + 3 < nch)
        def _():
            start(2 * k + 3, 1, sem1)

    if nch % 2:
        wait(0, sem0)
        store(nch - 1, 0)


def _gather(h1, tt, src_chunks, dst_chunks):
    mesh = plsc.VectorSubcoreMesh(core_axis_name="core",
                                  subcore_axis_name="subcore")
    f = pl.kernel(
        _gather_kernel,
        out_type=(jax.ShapeDtypeStruct((E, 2 * F), jnp.float32),
                  jax.ShapeDtypeStruct((E,), jnp.float32)),
        mesh=mesh,
        scratch_types=[
            pltpu.VMEM((EPW // C3, C3), jnp.int32),
            pltpu.VMEM((EPW // C3, C3), jnp.int32),
            pltpu.VMEM((2 * NP,), jnp.float32),
            pltpu.VMEM((EPW,), jnp.float32),
            pltpu.VMEM((2, 2, C3, F), jnp.float32),
            pltpu.SemaphoreType.DMA,
            pltpu.SemaphoreType.DMA,
        ],
        compiler_params=_SC_PARAMS,
    )
    return f(h1, tt, src_chunks, dst_chunks)



def kernel(edge_attr, edge_index, W0, b0, W1, b1, W2, b2):
    idx_chunks = edge_index.reshape(NC * NS * NSLAB, QTR, C1)
    src_chunks = edge_index[0].reshape(NW, EPW // C3, C3)
    dst_chunks = edge_index[1].reshape(NW, EPW // C3, C3)

    sums, hist = _seg_sums(edge_attr, idx_chunks)
    h1, tt = _dense(sums, hist, W0, b0, W1, b1, W2, b2)
    emb, logits = _gather(h1, tt.reshape(2 * NP), src_chunks, dst_chunks)
    return logits, emb

# --- scband reference (transcript-rebuilt; emitter-appended) ---
"""Pipeline reference for scband-egraph-sage-62723702391486 (READ-ONLY COPY).

The authoritative reference and input builder live on the scoring server;
editing this copy changes nothing except your own understanding.
"""

import jax, jax.numpy as jnp
import numpy as np

E = 320000
N = 10000
F = 128

def scatter_mean(src, index, dim_size):
    s = jax.ops.segment_sum(src, index, num_segments=dim_size)
    cnt = jax.ops.segment_sum(jnp.ones((src.shape[0],), src.dtype), index, num_segments=dim_size)
    cnt = jnp.maximum(cnt, 1.0)
    return s / cnt[:, None]

def setup_inputs(seed: int = 0):
    key = jax.random.key(seed)
    ks = jax.random.split(key, 8)
    edge_attr = jax.random.normal(ks[0], (E, F), dtype=jnp.float32)
    edge_index = jax.random.randint(ks[1], (2, E), 0, N, dtype=jnp.int32)
    # EdgeSAGELayer 0: Linear(in_channels=F + edge_features=F -> 128)
    W0 = jax.random.normal(ks[2], (128, 2 * F), dtype=jnp.float32) / np.sqrt(2 * F)
    b0 = jnp.zeros((128,), dtype=jnp.float32)
    # EdgeSAGELayer 1: Linear(128 + F -> 128)
    W1 = jax.random.normal(ks[3], (128, 128 + F), dtype=jnp.float32) / np.sqrt(128 + F)
    b1 = jnp.zeros((128,), dtype=jnp.float32)
    # final: Linear(2*128 -> 1)
    W2 = jax.random.normal(ks[4], (1, 256), dtype=jnp.float32) / np.sqrt(256)
    b2 = jnp.zeros((1,), dtype=jnp.float32)
    return {"edge_attr": edge_attr, "edge_index": edge_index, "W0": W0, "b0": b0, "W1": W1, "b1": b1, "W2": W2, "b2": b2}

def reference(edge_attr, edge_index, W0, b0, W1, b1, W2, b2):
    num_nodes = N
    src = edge_index[0]
    dst = edge_index[1]
    # node_attr = scatter_mean(edge_attr, edge_index[1]) since node_attr is None
    node_attr = scatter_mean(edge_attr, dst, num_nodes)
    # SAGE layer 0 (target_indices = edge_index[0])
    agg = scatter_mean(edge_attr, src, num_nodes)
    node_attr = jax.nn.sigmoid(jnp.concatenate([node_attr, agg], axis=1) @ W0.T + b0)
    # SAGE layer 1 (edge_attr unchanged through SAGE layers)
    agg = scatter_mean(edge_attr, src, num_nodes)
    node_attr = jax.nn.sigmoid(jnp.concatenate([node_attr, agg], axis=1) @ W1.T + b1)
    # final edge scoring layer
    edge_embs = jnp.concatenate([node_attr[src], node_attr[dst]], axis=1)
    embeddings = jax.lax.stop_gradient(edge_embs)
    logits = edge_embs @ W2.T + b2
    return (logits.reshape(-1), embeddings)

if __name__ == "__main__":
    import jax
    _d = setup_inputs()
    print(jax.jit(kernel)(*tuple(_d.values())))

</pallas_src>

<mosaic_0001>
#map = affine_map<(d0, d1) -> (0, 0)>
#map1 = affine_map<(d0, d1) -> (0, 0, 0)>
module attributes {stable_mosaic.version = 14 : i64} {
  func.func @_seg_sum_kernel(%arg0: i32, %arg1: i32, %arg2: memref<320000x128xf32, #tpu.memory_space<hbm>>, %arg3: memref<128x125x40xi32, #tpu.memory_space<hbm>>, %arg4: memref<512x40x128xf32, #tpu.memory_space<hbm>>, %arg5: memref<32x1x10240xf32, #tpu.memory_space<hbm>>, %arg6: memref<10240x128xf32, #tpu.memory_space<vmem_shared>>, %arg7: memref<125x40xi32, #tpu.memory_space<vmem>>, %arg8: memref<2x40x128xf32, #tpu.memory_space<vmem>>, %arg9: memref<1x10240xf32, #tpu.memory_space<vmem>>, %arg10: memref<!tpu.dma_semaphore, #tpu.memory_space<semaphore_mem>>, %arg11: memref<!tpu.dma_semaphore, #tpu.memory_space<semaphore_mem>>) attributes {dimension_semantics = [#tpu.dimension_semantics<core_parallel>, #tpu.dimension_semantics<subcore_parallel>], iteration_bounds = array<i64: 2, 16>, scalar_prefetch = 0 : i64, scratch_operands = 6 : i64, tpu.core_type = #tpu.core_type<sc_vector_subcore>, window_params = [{transform_indices = #map}, {transform_indices = #map1}, {transform_indices = #map1}, {transform_indices = #map1}]} {
    %mul3A = arith.constant 16 : i32
    %mul3A_0 = arith.muli %arg0, %mul3A : i32
    %add3A = arith.addi %mul3A_0, %arg1 : i32
    %iota3A = tpu.iota {dimensions = array<i32: 0>} : vector<16xi32>
    %broadcast_in_dim3A = arith.constant 1.000000e+00 : f32
    %broadcast_in_dim3A_1 = vector.broadcast %broadcast_in_dim3A : f32 to vector<16xf32>
    %scan3A = arith.constant 0 : i32
    %scan3A_2 = arith.constant 40 : i32
    %scan3A_3 = arith.addi %scan3A, %scan3A_2 : i32
    %scan3A_4 = arith.constant 1 : i32
    scf.for %scan3A_229 = %scan3A to %scan3A_3 step %scan3A_4  : i32 {
      %mul3A_230 = arith.constant 1 : i32
      %mul3A_231 = arith.muli %scan3A_229, %mul3A_230 : i32
      %add3A_232 = arith.constant 0 : i32
      %add3A_233 = arith.addi %add3A_232, %mul3A_231 : i32
      %scan3A_234 = arith.constant 0 : i32
      %scan3A_235 = arith.constant 8 : i32
      %scan3A_236 = arith.addi %scan3A_234, %scan3A_235 : i32
      %scan3A_237 = arith.constant 1 : i32
      scf.for %scan3A_239 = %scan3A_234 to %scan3A_236 step %scan3A_237  : i32 {
        %mul3A_240 = arith.constant 16 : i32
        %mul3A_241 = arith.muli %scan3A_239, %mul3A_240 : i32
        %add3A_242 = arith.constant 0 : i32
        %add3A_243 = arith.addi %add3A_242, %mul3A_241 : i32
        %broadcast_in_dim3A_244 = arith.constant 0.000000e+00 : f32
        %broadcast_in_dim3A_245 = vector.broadcast %broadcast_in_dim3A_244 : f32 to vector<16xf32>
        %swap3A = arith.constant 0 : i32
        %swap3A_246 = arith.index_cast %swap3A : i32 to index
        %swap3A_247 = arith.index_cast %add3A_233 : i32 to index
        %swap3A_248 = arith.index_cast %add3A_243 : i32 to index
        %swap3A_249 = tpu.vector_load %arg8[%swap3A_246, %swap3A_247, %swap3A_248] {strides = array<i32>} : memref<2x40x128xf32, #tpu.memory_space<vmem>>, vector<16xf32>,
        tpu.vector_store %arg8[%swap3A_246, %swap3A_247, %swap3A_248], %broadcast_in_dim3A_245 {strides = array<i32>} : memref<2x40x128xf32, #tpu.memory_space<vmem>>, vector<16xf32>,
      }
      %scan3A_238 = arith.constant 8 : i32
    }
    %scan3A_5 = arith.constant 40 : i32
    %scan3A_6 = arith.constant 0 : i32
    %scan3A_7 = arith.constant 640 : i32
    %scan3A_8 = arith.addi %scan3A_6, %scan3A_7 : i32
    %scan3A_9 = arith.constant 1 : i32
    scf.for %scan3A_229 = %scan3A_6 to %scan3A_8 step %scan3A_9  : i32 {
      %mul3A_230 = arith.constant 16 : i32
      %mul3A_231 = arith.muli %scan3A_229, %mul3A_230 : i32
      %add3A_232 = arith.constant 0 : i32
      %add3A_233 = arith.addi %add3A_232, %mul3A_231 : i32
      %broadcast_in_dim3A_234 = arith.constant 0.000000e+00 : f32
      %broadcast_in_dim3A_235 = vector.broadcast %broadcast_in_dim3A_234 : f32 to vector<16xf32>
      %swap3A = arith.constant 0 : i32
      %swap3A_236 = arith.index_cast %swap3A : i32 to index
      %swap3A_237 = arith.index_cast %add3A_233 : i32 to index
      %swap3A_238 = tpu.vector_load %arg9[%swap3A_236, %swap3A_237] {strides = array<i32>} : memref<1x10240xf32, #tpu.memory_space<vmem>>, vector<16xf32>,
      tpu.vector_store %arg9[%swap3A_236, %swap3A_237], %broadcast_in_dim3A_235 {strides = array<i32>} : memref<1x10240xf32, #tpu.memory_space<vmem>>, vector<16xf32>,
    }
    %scan3A_10 = arith.constant 640 : i32
    %scan3A_11 = arith.constant 0 : i32
    %scan3A_12 = arith.constant 16 : i32
    %scan3A_13 = arith.addi %scan3A_11, %scan3A_12 : i32
    %scan3A_14 = arith.constant 1 : i32
    scf.for %scan3A_229 = %scan3A_11 to %scan3A_13 step %scan3A_14  : i32 {
      %mul3A_230 = arith.constant 1 : i32
      %mul3A_231 = arith.muli %scan3A_229, %mul3A_230 : i32
      %add3A_232 = arith.constant 0 : i32
      %add3A_233 = arith.addi %add3A_232, %mul3A_231 : i32
      %mul3A_234 = arith.constant 640 : i32
      %mul3A_235 = arith.muli %arg1, %mul3A_234 : i32
      %mul3A_236 = arith.constant 40 : i32
      %mul3A_237 = arith.muli %add3A_233, %mul3A_236 : i32
      %add3A_238 = arith.addi %mul3A_235, %mul3A_237 : i32
      %run_scoped3A = arith.constant 0 : i32
      "tpu.region"() ({
        %run_scoped3A_239 = tpu.sem_alloc : memref<!tpu.dma_semaphore, #tpu.memory_space<semaphore_mem>>
        %dma_start3A_240 = arith.constant 0 : i32
        %dma_start3A_241 = arith.constant 0 : i32
        %dma_start3A_242 = tpu.memref_slice %arg8[%run_scoped3A, %dma_start3A_240, %dma_start3A_241] : memref<2x40x128xf32, #tpu.memory_space<vmem>> -> memref<1x40x128xf32, #tpu.memory_space<vmem>>
        %dma_start3A_243 = tpu.memref_squeeze %dma_start3A_242 : memref<1x40x128xf32, #tpu.memory_space<vmem>> -> memref<40x128xf32, #tpu.memory_space<vmem>>
        %dma_start3A_244 = arith.constant 0 : i32
        %dma_start3A_245 = tpu.memref_slice %arg6[%add3A_238, %dma_start3A_244] : memref<10240x128xf32, #tpu.memory_space<vmem_shared>> -> memref<40x128xf32, #tpu.memory_space<vmem_shared>>
        %dma_start3A_246 = arith.constant 0 : i32
        %dma_start3A_247 = tpu.memref_slice %arg6[%add3A_238, %dma_start3A_246] : memref<10240x128xf32, #tpu.memory_space<vmem_shared>> -> memref<40x128xf32, #tpu.memory_space<vmem_shared>>
        %dma_start3A_248 = arith.constant 0 : i32
        %dma_start3A_249 = arith.constant 0 : i32
        %dma_start3A_250 = tpu.memref_slice %arg8[%run_scoped3A, %dma_start3A_248, %dma_start3A_249] : memref<2x40x128xf32, #tpu.memory_space<vmem>> -> memref<1x40x128xf32, #tpu.memory_space<vmem>>
        %dma_start3A_251 = tpu.memref_squeeze %dma_start3A_250 : memref<1x40x128xf32, #tpu.memory_space<vmem>> -> memref<40x128xf32, #tpu.memory_space<vmem>>
        tpu.enqueue_dma source(%dma_start3A_251 : memref<40x128xf32, #tpu.memory_space<vmem>>) target(%dma_start3A_247 : memref<40x128xf32, #tpu.memory_space<vmem_shared>>) target_semaphore(%run_scoped3A_239 : memref<!tpu.dma_semaphore, #tpu.memory_space<semaphore_mem>>)
        %dma_wait3A = arith.constant 0 : i32
        %dma_wait3A_252 = arith.constant 0 : i32
        %dma_wait3A_253 = tpu.memref_slice %arg8[%run_scoped3A, %dma_wait3A, %dma_wait3A_252] : memref<2x40x128xf32, #tpu.memory_space<vmem>> -> memref<1x40x128xf32, #tpu.memory_space<vmem>>
        %dma_wait3A_254 = tpu.memref_squeeze %dma_wait3A_253 : memref<1x40x128xf32, #tpu.memory_space<vmem>> -> memref<40x128xf32, #tpu.memory_space<vmem>>
        %dma_wait3A_255 = arith.constant 0 : i32
        %dma_wait3A_256 = tpu.memref_slice %arg6[%add3A_238, %dma_wait3A_255] : memref<10240x128xf32, #tpu.memory_space<vmem_shared>> -> memref<40x128xf32, #tpu.memory_space<vmem_shared>>
        %dma_wait3A_257 = arith.constant 0 : i32
        %dma_wait3A_258 = tpu.memref_slice %arg6[%add3A_238, %dma_wait3A_257] : memref<10240x128xf32, #tpu.memory_space<vmem_shared>> -> memref<40x128xf32, #tpu.memory_space<vmem_shared>>
        %dma_wait3A_259 = arith.constant 0 : i32
        %dma_wait3A_260 = arith.constant 0 : i32
        %dma_wait3A_261 = tpu.memref_slice %arg8[%run_scoped3A, %dma_wait3A_259, %dma_wait3A_260] : memref<2x40x128xf32, #tpu.memory_space<vmem>> -> memref<1x40x128xf32, #tpu.memory_space<vmem>>
        %dma_wait3A_262 = tpu.memref_squeeze %dma_wait3A_261 : memref<1x40x128xf32, #tpu.memory_space<vmem>> -> memref<40x128xf32, #tpu.memory_space<vmem>>
        tpu.wait_dma2 semaphore(%run_scoped3A_239 : memref<!tpu.dma_semaphore, #tpu.memory_space<semaphore_mem>>) src(%dma_wait3A_262 : memref<40x128xf32, #tpu.memory_space<vmem>>) dst(%dma_wait3A_258 : memref<40x128xf32, #tpu.memory_space<vmem_shared>>)
        tpu.yield
      }) : () -> ()
    }
    %scan3A_15 = arith.constant 16 : i32
    %barrier3A = arith.constant 0 : index
    tpu.barrier barrier_id(%barrier3A)
    %mul3A_16 = arith.constant 4 : i32
    %mul3A_17 = arith.muli %add3A, %mul3A_16 : i32
    %add3A_18 = arith.constant 0 : i32
    %add3A_19 = arith.addi %mul3A_17, %add3A_18 : i32
    "tpu.region"() ({
      %run_scoped3A = tpu.sem_alloc : memref<!tpu.dma_semaphore, #tpu.memory_space<semaphore_mem>>
      %dma_start3A_229 = arith.constant 0 : i32
      %dma_start3A_230 = arith.constant 0 : i32
      %dma_start3A_231 = tpu.memref_slice %arg3[%add3A_19, %dma_start3A_229, %dma_start3A_230] : memref<128x125x40xi32, #tpu.memory_space<hbm>> -> memref<1x125x40xi32, #tpu.memory_space<hbm>>
      %dma_start3A_232 = tpu.memref_squeeze %dma_start3A_231 : memref<1x125x40xi32, #tpu.memory_space<hbm>> -> memref<125x40xi32, #tpu.memory_space<hbm>>
      %dma_start3A_233 = arith.constant 0 : i32
      %dma_start3A_234 = arith.constant 0 : i32
      %dma_start3A_235 = tpu.memref_slice %arg3[%add3A_19, %dma_start3A_233, %dma_start3A_234] : memref<128x125x40xi32, #tpu.memory_space<hbm>> -> memref<1x125x40xi32, #tpu.memory_space<hbm>>
      %dma_start3A_236 = tpu.memref_squeeze %dma_start3A_235 : memref<1x125x40xi32, #tpu.memory_space<hbm>> -> memref<125x40xi32, #tpu.memory_space<hbm>>
      tpu.enqueue_dma source(%dma_start3A_236 : memref<125x40xi32, #tpu.memory_space<hbm>>) target(%arg7 : memref<125x40xi32, #tpu.memory_space<vmem>>) target_semaphore(%run_scoped3A : memref<!tpu.dma_semaphore, #tpu.memory_space<semaphore_mem>>)
      %dma_wait3A = arith.constant 0 : i32
      %dma_wait3A_237 = arith.constant 0 : i32
      %dma_wait3A_238 = tpu.memref_slice %arg3[%add3A_19, %dma_wait3A, %dma_wait3A_237] : memref<128x125x40xi32, #tpu.memory_space<hbm>> -> memref<1x125x40xi32, #tpu.memory_space<hbm>>
      %dma_wait3A_239 = tpu.memref_squeeze %dma_wait3A_238 : memref<1x125x40xi32, #tpu.memory_space<hbm>> -> memref<125x40xi32, #tpu.memory_space<hbm>>
      %dma_wait3A_240 = arith.constant 0 : i32
      %dma_wait3A_241 = arith.constant 0 : i32
      %dma_wait3A_242 = tpu.memref_slice %arg3[%add3A_19, %dma_wait3A_240, %dma_wait3A_241] : memref<128x125x40xi32, #tpu.memory_space<hbm>> -> memref<1x125x40xi32, #tpu.memory_space<hbm>>
      %dma_wait3A_243 = tpu.memref_squeeze %dma_wait3A_242 : memref<1x125x40xi32, #tpu.memory_space<hbm>> -> memref<125x40xi32, #tpu.memory_space<hbm>>
      tpu.wait_dma2 semaphore(%run_scoped3A : memref<!tpu.dma_semaphore, #tpu.memory_space<semaphore_mem>>) src(%dma_wait3A_243 : memref<125x40xi32, #tpu.memory_space<hbm>>) dst(%arg7 : memref<125x40xi32, #tpu.memory_space<vmem>>)
      tpu.yield
    }) : () -> ()
    %mul3A_20 = arith.constant 500 : i32
    %mul3A_21 = arith.muli %arg1, %mul3A_20 : i32
    %add3A_22 = arith.constant 0 : i32
    %add3A_23 = arith.addi %mul3A_21, %add3A_22 : i32
    %mul3A_24 = arith.constant 40 : i32
    %mul3A_25 = arith.muli %add3A_23, %mul3A_24 : i32
    %dma_start3A = arith.constant 0 : i32
    %dma_start3A_26 = arith.constant 0 : i32
    %dma_start3A_27 = arith.constant 0 : i32
    %dma_start3A_28 = tpu.memref_slice %arg8[%dma_start3A, %dma_start3A_26, %dma_start3A_27] : memref<2x40x128xf32, #tpu.memory_space<vmem>> -> memref<1x40x128xf32, #tpu.memory_space<vmem>>
    %dma_start3A_29 = tpu.memref_squeeze %dma_start3A_28 : memref<1x40x128xf32, #tpu.memory_space<vmem>> -> memref<40x128xf32, #tpu.memory_space<vmem>>
    %dma_start3A_30 = arith.constant 0 : i32
    %dma_start3A_31 = tpu.memref_slice %arg2[%mul3A_25, %dma_start3A_30] : memref<320000x128xf32, #tpu.memory_space<hbm>> -> memref<40x128xf32, #tpu.memory_space<hbm>>
    %dma_start3A_32 = arith.constant 0 : i32
    %dma_start3A_33 = arith.constant 0 : i32
    %dma_start3A_34 = tpu.memref_slice %arg8[%dma_start3A, %dma_start3A_32, %dma_start3A_33] : memref<2x40x128xf32, #tpu.memory_space<vmem>> -> memref<1x40x128xf32, #tpu.memory_space<vmem>>
    %dma_start3A_35 = tpu.memref_squeeze %dma_start3A_34 : memref<1x40x128xf32, #tpu.memory_space<vmem>> -> memref<40x128xf32, #tpu.memory_space<vmem>>
    %dma_start3A_36 = arith.constant 0 : i32
    %dma_start3A_37 = tpu.memref_slice %arg2[%mul3A_25, %dma_start3A_36] : memref<320000x128xf32, #tpu.memory_space<hbm>> -> memref<40x128xf32, #tpu.memory_space<hbm>>
    tpu.enqueue_dma source(%dma_start3A_37 : memref<40x128xf32, #tpu.memory_space<hbm>>) target(%dma_start3A_35 : memref<40x128xf32, #tpu.memory_space<vmem>>) target_semaphore(%arg10 : memref<!tpu.dma_semaphore, #tpu.memory_space<semaphore_mem>>)
    %mul3A_38 = arith.constant 500 : i32
    %mul3A_39 = arith.muli %arg1, %mul3A_38 : i32
    %add3A_40 = arith.constant 1 : i32
    %add3A_41 = arith.addi %mul3A_39, %add3A_40 : i32
    %mul3A_42 = arith.constant 40 : i32
    %mul3A_43 = arith.muli %add3A_41, %mul3A_42 : i32
    %dma_start3A_44 = arith.constant 1 : i32
    %dma_start3A_45 = arith.constant 0 : i32
    %dma_start3A_46 = arith.constant 0 : i32
    %dma_start3A_47 = tpu.memref_slice %arg8[%dma_start3A_44, %dma_start3A_45, %dma_start3A_46] : memref<2x40x128xf32, #tpu.memory_space<vmem>> -> memref<1x40x128xf32, #tpu.memory_space<vmem>>
    %dma_start3A_48 = tpu.memref_squeeze %dma_start3A_47 : memref<1x40x128xf32, #tpu.memory_space<vmem>> -> memref<40x128xf32, #tpu.memory_space<vmem>>
    %dma_start3A_49 = arith.constant 0 : i32
    %dma_start3A_50 = tpu.memref_slice %arg2[%mul3A_43, %dma_start3A_49] : memref<320000x128xf32, #tpu.memory_space<hbm>> -> memref<40x128xf32, #tpu.memory_space<hbm>>
    %dma_start3A_51 = arith.constant 0 : i32
    %dma_start3A_52 = arith.constant 0 : i32
    %dma_start3A_53 = tpu.memref_slice %arg8[%dma_start3A_44, %dma_start3A_51, %dma_start3A_52] : memref<2x40x128xf32, #tpu.memory_space<vmem>> -> memref<1x40x128xf32, #tpu.memory_space<vmem>>
    %dma_start3A_54 = tpu.memref_squeeze %dma_start3A_53 : memref<1x40x128xf32, #tpu.memory_space<vmem>> -> memref<40x128xf32, #tpu.memory_space<vmem>>
    %dma_start3A_55 = arith.constant 0 : i32
    %dma_start3A_56 = tpu.memref_slice %arg2[%mul3A_43, %dma_start3A_55] : memref<320000x128xf32, #tpu.memory_space<hbm>> -> memref<40x128xf32, #tpu.memory_space<hbm>>
    tpu.enqueue_dma source(%dma_start3A_56 : memref<40x128xf32, #tpu.memory_space<hbm>>) target(%dma_start3A_54 : memref<40x128xf32, #tpu.memory_space<vmem>>) target_semaphore(%arg11 : memref<!tpu.dma_semaphore, #tpu.memory_space<semaphore_mem>>)
    %scan3A_57 = arith.constant 0 : i32
    %scan3A_58 = arith.constant 63 : i32
    %scan3A_59 = arith.addi %scan3A_57, %scan3A_58 : i32
    %scan3A_60 = arith.constant 1 : i32
    scf.for %scan3A_229 = %scan3A_57 to %scan3A_59 step %scan3A_60  : i32 {
      %mul3A_230 = arith.constant 1 : i32
      %mul3A_231 = arith.muli %scan3A_229, %mul3A_230 : i32
      %add3A_232 = arith.constant 0 : i32
      %add3A_233 = arith.addi %add3A_232, %mul3A_231 : i32
      %dma_wait3A = arith.constant 0 : i32
      %dma_wait3A_234 = arith.constant 0 : i32
      %dma_wait3A_235 = arith.constant 0 : i32
      %dma_wait3A_236 = tpu.memref_slice %arg8[%dma_wait3A, %dma_wait3A_234, %dma_wait3A_235] : memref<2x40x128xf32, #tpu.memory_space<vmem>> -> memref<1x40x128xf32, #tpu.memory_space<vmem>>
      %dma_wait3A_237 = tpu.memref_squeeze %dma_wait3A_236 : memref<1x40x128xf32, #tpu.memory_space<vmem>> -> memref<40x128xf32, #tpu.memory_space<vmem>>
      %dma_wait3A_238 = arith.constant 0 : i32
      %dma_wait3A_239 = arith.constant 0 : i32
      %dma_wait3A_240 = tpu.memref_slice %arg2[%dma_wait3A_238, %dma_wait3A_239] : memref<320000x128xf32, #tpu.memory_space<hbm>> -> memref<40x128xf32, #tpu.memory_space<hbm>>
      %dma_wait3A_241 = arith.constant 0 : i32
      %dma_wait3A_242 = arith.constant 0 : i32
      %dma_wait3A_243 = tpu.memref_slice %arg8[%dma_wait3A, %dma_wait3A_241, %dma_wait3A_242] : memref<2x40x128xf32, #tpu.memory_space<vmem>> -> memref<1x40x128xf32, #tpu.memory_space<vmem>>
      %dma_wait3A_244 = tpu.memref_squeeze %dma_wait3A_243 : memref<1x40x128xf32, #tpu.memory_space<vmem>> -> memref<40x128xf32, #tpu.memory_space<vmem>>
      %dma_wait3A_245 = arith.constant 0 : i32
      %dma_wait3A_246 = arith.constant 0 : i32
      %dma_wait3A_247 = tpu.memref_slice %arg2[%dma_wait3A_245, %dma_wait3A_246] : memref<320000x128xf32, #tpu.memory_space<hbm>> -> memref<40x128xf32, #tpu.memory_space<hbm>>
      tpu.wait_dma2 semaphore(%arg10 : memref<!tpu.dma_semaphore, #tpu.memory_space<semaphore_mem>>) src(%dma_wait3A_247 : memref<40x128xf32, #tpu.memory_space<hbm>>) dst(%dma_wait3A_244 : memref<40x128xf32, #tpu.memory_space<vmem>>)
      %mul3A_248 = arith.constant 2 : i32
      %mul3A_249 = arith.muli %mul3A_248, %add3A_233 : i32
      %run_scoped3A = arith.constant 0 : i32
      "tpu.region"() ({
        %run_scoped3A_265 = tpu.sem_alloc : memref<!tpu.dma_semaphore, #tpu.memory_space<semaphore_mem>>
        %dma_start3A_266 = arith.constant 0 : i32
        %dma_start3A_267 = arith.constant 0 : i32
        %dma_start3A_268 = tpu.memref_slice %arg8[%run_scoped3A, %dma_start3A_266, %dma_start3A_267] : memref<2x40x128xf32, #tpu.memory_space<vmem>> -> memref<1x40x128xf32, #tpu.memory_space<vmem>>
        %dma_start3A_269 = tpu.memref_squeeze %dma_start3A_268 : memref<1x40x128xf32, #tpu.memory_space<vmem>> -> memref<40x128xf32, #tpu.memory_space<vmem>>
        %dma_start3A_270 = arith.constant 0 : i32
        %dma_start3A_271 = tpu.memref_slice %arg7[%mul3A_249, %dma_start3A_270] : memref<125x40xi32, #tpu.memory_space<vmem>> -> memref<1x40xi32, #tpu.memory_space<vmem>>
        %dma_start3A_272 = tpu.memref_squeeze %dma_start3A_271 : memref<1x40xi32, #tpu.memory_space<vmem>> -> memref<40xi32, #tpu.memory_space<vmem>>
        %dma_start3A_273 = arith.constant 0 : i32
        %dma_start3A_274 = arith.constant 0 : i32
        %dma_start3A_275 = tpu.memref_slice %arg6[%dma_start3A_273, %dma_start3A_274] : memref<10240x128xf32, #tpu.memory_space<vmem_shared>> -> memref<10240x128xf32, #tpu.memory_space<vmem_shared>>
        tpu.enqueue_indirect_dma source(%dma_start3A_269 : memref<40x128xf32, #tpu.memory_space<vmem>>) target(%dma_start3A_275 : memref<10240x128xf32, #tpu.memory_space<vmem_shared>>) offsets(%dma_start3A_272 : memref<40xi32, #tpu.memory_space<vmem>>) semaphore(%run_scoped3A_265 : memref<!tpu.dma_semaphore, #tpu.memory_space<semaphore_mem>>) {add = true}
        %dma_wait3A_276 = arith.constant 0 : i32
        %dma_wait3A_277 = arith.constant 0 : i32
        %dma_wait3A_278 = tpu.memref_slice %arg8[%run_scoped3A, %dma_wait3A_276, %dma_wait3A_277] : memref<2x40x128xf32, #tpu.memory_space<vmem>> -> memref<1x40x128xf32, #tpu.memory_space<vmem>>
        %dma_wait3A_279 = tpu.memref_squeeze %dma_wait3A_278 : memref<1x40x128xf32, #tpu.memory_space<vmem>> -> memref<40x128xf32, #tpu.memory_space<vmem>>
        %dma_wait3A_280 = arith.constant 0 : i32
        %dma_wait3A_281 = tpu.memref_slice %arg7[%mul3A_249, %dma_wait3A_280] : memref<125x40xi32, #tpu.memory_space<vmem>> -> memref<1x40xi32, #tpu.memory_space<vmem>>
        %dma_wait3A_282 = tpu.memref_squeeze %dma_wait3A_281 : memref<1x40xi32, #tpu.memory_space<vmem>> -> memref<40xi32, #tpu.memory_space<vmem>>
        %dma_wait3A_283 = arith.constant 0 : i32
        %dma_wait3A_284 = arith.constant 0 : i32
        %dma_wait3A_285 = tpu.memref_slice %arg6[%dma_wait3A_283, %dma_wait3A_284] : memref<10240x128xf32, #tpu.memory_space<vmem_shared>> -> memref<10240x128xf32, #tpu.memory_space<vmem_shared>>
        tpu.wait_indirect_dma semaphore(%run_scoped3A_265 : memref<!tpu.dma_semaphore, #tpu.memory_space<semaphore_mem>>) src(%dma_wait3A_279 : memref<40x128xf32, #tpu.memory_space<vmem>>) dst(%dma_wait3A_285 : memref<10240x128xf32, #tpu.memory_space<vmem_shared>>)
        tpu.yield
      }) : () -> ()
      %mul3A_250 = arith.constant 2 : i32
      %mul3A_251 = arith.muli %mul3A_250, %add3A_233 : i32
      %add3A_252 = arith.constant 2 : i32
      %add3A_253 = arith.addi %mul3A_251, %add3A_252 : i32
      %lt3A = arith.constant 125 : i32
      %lt3A_254 = arith.cmpi slt, %add3A_253, %lt3A : i32
      %convert_element_type3A = arith.extui %lt3A_254 : i1 to i32
      %cond3A = arith.constant 0 : i32
      %cond3A_255 = arith.cmpi ne, %convert_element_type3A, %cond3A : i32
      scf.if %cond3A_255 {
        %mul3A_265 = arith.constant 2 : i32
        %mul3A_266 = arith.muli %mul3A_265, %add3A_233 : i32
        %add3A_267 = arith.constant 0 : i32
        %add3A_268 = arith.addi %add3A_267, %mul3A_266 : i32
        %add3A_269 = arith.constant 2 : i32
        %add3A_270 = arith.addi %add3A_268, %add3A_269 : i32
        %mul3A_271 = arith.constant 500 : i32
        %mul3A_272 = arith.muli %arg1, %mul3A_271 : i32
        %add3A_273 = arith.addi %mul3A_272, %add3A_270 : i32
        %mul3A_274 = arith.constant 40 : i32
        %mul3A_275 = arith.muli %add3A_273, %mul3A_274 : i32
        %dma_start3A_276 = arith.constant 0 : i32
        %dma_start3A_277 = arith.constant 0 : i32
        %dma_start3A_278 = arith.constant 0 : i32
        %dma_start3A_279 = tpu.memref_slice %arg8[%dma_start3A_276, %dma_start3A_277, %dma_start3A_278] : memref<2x40x128xf32, #tpu.memory_space<vmem>> -> memref<1x40x128xf32, #tpu.memory_space<vmem>>
        %dma_start3A_280 = tpu.memref_squeeze %dma_start3A_279 : memref<1x40x128xf32, #tpu.memory_space<vmem>> -> memref<40x128xf32, #tpu.memory_space<vmem>>
        %dma_start3A_281 = arith.constant 0 : i32
        %dma_start3A_282 = tpu.memref_slice %arg2[%mul3A_275, %dma_start3A_281] : memref<320000x128xf32, #tpu.memory_space<hbm>> -> memref<40x128xf32, #tpu.memory_space<hbm>>
        %dma_start3A_283 = arith.constant 0 : i32
        %dma_start3A_284 = arith.constant 0 : i32
        %dma_start3A_285 = tpu.memref_slice %arg8[%dma_start3A_276, %dma_start3A_283, %dma_start3A_284] : memref<2x40x128xf32, #tpu.memory_space<vmem>> -> memref<1x40x128xf32, #tpu.memory_space<vmem>>
        %dma_start3A_286 = tpu.memref_squeeze %dma_start3A_285 : memref<1x40x128xf32, #tpu.memory_space<vmem>> -> memref<40x128xf32, #tpu.memory_space<vmem>>
        %dma_start3A_287 = arith.constant 0 : i32
        %dma_start3A_288 = tpu.memref_slice %arg2[%mul3A_275, %dma_start3A_287] : memref<320000x128xf32, #tpu.memory_space<hbm>> -> memref<40x128xf32, #tpu.memory_space<hbm>>
        tpu.enqueue_dma source(%dma_start3A_288 : memref<40x128xf32, #tpu.memory_space<hbm>>) target(%dma_start3A_286 : memref<40x128xf32, #tpu.memory_space<vmem>>) target_semaphore(%arg10 : memref<!tpu.dma_semaphore, #tpu.memory_space<semaphore_mem>>)
      } else {
      }
      %mul3A_256 = arith.constant 2 : i32
      %mul3A_257 = arith.muli %mul3A_256, %add3A_233 : i32
      %add3A_258 = arith.constant 1 : i32
      %add3A_259 = arith.addi %mul3A_257, %add3A_258 : i32
      %lt3A_260 = arith.constant 125 : i32
      %lt3A_261 = arith.cmpi slt, %add3A_259, %lt3A_260 : i32
      %convert_element_type3A_262 = arith.extui %lt3A_261 : i1 to i32
      %cond3A_263 = arith.constant 0 : i32
      %cond3A_264 = arith.cmpi ne, %convert_element_type3A_262, %cond3A_263 : i32
      scf.if %cond3A_264 {
        %dma_wait3A_265 = arith.constant 1 : i32
        %dma_wait3A_266 = arith.constant 0 : i32
        %dma_wait3A_267 = arith.constant 0 : i32
        %dma_wait3A_268 = tpu.memref_slice %arg8[%dma_wait3A_265, %dma_wait3A_266, %dma_wait3A_267] : memref<2x40x128xf32, #tpu.memory_space<vmem>> -> memref<1x40x128xf32, #tpu.memory_space<vmem>>
        %dma_wait3A_269 = tpu.memref_squeeze %dma_wait3A_268 : memref<1x40x128xf32, #tpu.memory_space<vmem>> -> memref<40x128xf32, #tpu.memory_space<vmem>>
        %dma_wait3A_270 = arith.constant 0 : i32
        %dma_wait3A_271 = arith.constant 0 : i32
        %dma_wait3A_272 = tpu.memref_slice %arg2[%dma_wait3A_270, %dma_wait3A_271] : memref<320000x128xf32, #tpu.memory_space<hbm>> -> memref<40x128xf32, #tpu.memory_space<hbm>>
        %dma_wait3A_273 = arith.constant 0 : i32
        %dma_wait3A_274 = arith.constant 0 : i32
        %dma_wait3A_275 = tpu.memref_slice %arg8[%dma_wait3A_265, %dma_wait3A_273, %dma_wait3A_274] : memref<2x40x128xf32, #tpu.memory_space<vmem>> -> memref<1x40x128xf32, #tpu.memory_space<vmem>>
        %dma_wait3A_276 = tpu.memref_squeeze %dma_wait3A_275 : memref<1x40x128xf32, #tpu.memory_space<vmem>> -> memref<40x128xf32, #tpu.memory_space<vmem>>
        %dma_wait3A_277 = arith.constant 0 : i32
        %dma_wait3A_278 = arith.constant 0 : i32
        %dma_wait3A_279 = tpu.memref_slice %arg2[%dma_wait3A_277, %dma_wait3A_278] : memref<320000x128xf32, #tpu.memory_space<hbm>> -> memref<40x128xf32, #tpu.memory_space<hbm>>
        tpu.wait_dma2 semaphore(%arg11 : memref<!tpu.dma_semaphore, #tpu.memory_space<semaphore_mem>>) src(%dma_wait3A_279 : memref<40x128xf32, #tpu.memory_space<hbm>>) dst(%dma_wait3A_276 : memref<40x128xf32, #tpu.memory_space<vmem>>)
        %mul3A_280 = arith.constant 2 : i32
        %mul3A_281 = arith.muli %mul3A_280, %add3A_233 : i32
        %add3A_282 = arith.constant 1 : i32
        %add3A_283 = arith.addi %mul3A_281, %add3A_282 : i32
        %run_scoped3A_284 = arith.constant 1 : i32
        "tpu.region"() ({
          %run_scoped3A_294 = tpu.sem_alloc : memref<!tpu.dma_semaphore, #tpu.memory_space<semaphore_mem>>
          %dma_start3A_295 = arith.constant 0 : i32
          %dma_start3A_296 = arith.constant 0 : i32
          %dma_start3A_297 = tpu.memref_slice %arg8[%run_scoped3A_284, %dma_start3A_295, %dma_start3A_296] : memref<2x40x128xf32, #tpu.memory_space<vmem>> -> memref<1x40x128xf32, #tpu.memory_space<vmem>>
          %dma_start3A_298 = tpu.memref_squeeze %dma_start3A_297 : memref<1x40x128xf32, #tpu.memory_space<vmem>> -> memref<40x128xf32, #tpu.memory_space<vmem>>
          %dma_start3A_299 = arith.constant 0 : i32
          %dma_start3A_300 = tpu.memref_slice %arg7[%add3A_283, %dma_start3A_299] : memref<125x40xi32, #tpu.memory_space<vmem>> -> memref<1x40xi32, #tpu.memory_space<vmem>>
          %dma_start3A_301 = tpu.memref_squeeze %dma_start3A_300 : memref<1x40xi32, #tpu.memory_space<vmem>> -> memref<40xi32, #tpu.memory_space<vmem>>
          %dma_start3A_302 = arith.constant 0 : i32
          %dma_start3A_303 = arith.constant 0 : i32
          %dma_start3A_304 = tpu.memref_slice %arg6[%dma_start3A_302, %dma_start3A_303] : memref<10240x128xf32, #tpu.memory_space<vmem_shared>> -> memref<10240x128xf32, #tpu.memory_space<vmem_shared>>
          tpu.enqueue_indirect_dma source(%dma_start3A_298 : memref<40x128xf32, #tpu.memory_space<vmem>>) target(%dma_start3A_304 : memref<10240x128xf32, #tpu.memory_space<vmem_shared>>) offsets(%dma_start3A_301 : memref<40xi32, #tpu.memory_space<vmem>>) semaphore(%run_scoped3A_294 : memref<!tpu.dma_semaphore, #tpu.memory_space<semaphore_mem>>) {add = true}
          %dma_wait3A_305 = arith.constant 0 : i32
          %dma_wait3A_306 = arith.constant 0 : i32
          %dma_wait3A_307 = tpu.memref_slice %arg8[%run_scoped3A_284, %dma_wait3A_305, %dma_wait3A_306] : memref<2x40x128xf32, #tpu.memory_space<vmem>> -> memref<1x40x128xf32, #tpu.memory_space<vmem>>
          %dma_wait3A_308 = tpu.memref_squeeze %dma_wait3A_307 : memref<1x40x128xf32, #tpu.memory_space<vmem>> -> memref<40x128xf32, #tpu.memory_space<vmem>>
          %dma_wait3A_309 = arith.constant 0 : i32
          %dma_wait3A_310 = tpu.memref_slice %arg7[%add3A_283, %dma_wait3A_309] : memref<125x40xi32, #tpu.memory_space<vmem>> -> memref<1x40xi32, #tpu.memory_space<vmem>>
          %dma_wait3A_311 = tpu.memref_squeeze %dma_wait3A_310 : memref<1x40xi32, #tpu.memory_space<vmem>> -> memref<40xi32, #tpu.memory_space<vmem>>
          %dma_wait3A_312 = arith.constant 0 : i32
          %dma_wait3A_313 = arith.constant 0 : i32
          %dma_wait3A_314 = tpu.memref_slice %arg6[%dma_wait3A_312, %dma_wait3A_313] : memref<10240x128xf32, #tpu.memory_space<vmem_shared>> -> memref<10240x128xf32, #tpu.memory_space<vmem_shared>>
          tpu.wait_indirect_dma semaphore(%run_scoped3A_294 : memref<!tpu.dma_semaphore, #tpu.memory_space<semaphore_mem>>) src(%dma_wait3A_308 : memref<40x128xf32, #tpu.memory_space<vmem>>) dst(%dma_wait3A_314 : memref<10240x128xf32, #tpu.memory_space<vmem_shared>>)
          tpu.yield
        }) : () -> ()
        %mul3A_285 = arith.constant 2 : i32
        %mul3A_286 = arith.muli %mul3A_285, %add3A_233 : i32
        %add3A_287 = arith.constant 3 : i32
        %add3A_288 = arith.addi %mul3A_286, %add3A_287 : i32
        %lt3A_289 = arith.constant 125 : i32
        %lt3A_290 = arith.cmpi slt, %add3A_288, %lt3A_289 : i32
        %convert_element_type3A_291 = arith.extui %lt3A_290 : i1 to i32
        %cond3A_292 = arith.constant 0 : i32
        %cond3A_293 = arith.cmpi ne, %convert_element_type3A_291, %cond3A_292 : i32
        scf.if %cond3A_293 {
          %mul3A_294 = arith.constant 2 : i32
          %mul3A_295 = arith.muli %mul3A_294, %add3A_233 : i32
          %add3A_296 = arith.constant 0 : i32
          %add3A_297 = arith.addi %add3A_296, %mul3A_295 : i32
          %add3A_298 = arith.constant 3 : i32
          %add3A_299 = arith.addi %add3A_297, %add3A_298 : i32
          %mul3A_300 = arith.constant 500 : i32
          %mul3A_301 = arith.muli %arg1, %mul3A_300 : i32
          %add3A_302 = arith.addi %mul3A_301, %add3A_299 : i32
          %mul3A_303 = arith.constant 40 : i32
          %mul3A_304 = arith.muli %add3A_302, %mul3A_303 : i32
          %dma_start3A_305 = arith.constant 1 : i32
          %dma_start3A_306 = arith.constant 0 : i32
          %dma_start3A_307 = arith.constant 0 : i32
          %dma_start3A_308 = tpu.memref_slice %arg8[%dma_start3A_305, %dma_start3A_306, %dma_start3A_307] : memref<2x40x128xf32, #tpu.memory_space<vmem>> -> memref<1x40x128xf32, #tpu.memory_space<vmem>>
          %dma_start3A_309 = tpu.memref_squeeze %dma_start3A_308 : memref<1x40x128xf32, #tpu.memory_space<vmem>> -> memref<40x128xf32, #tpu.memory_space<vmem>>
          %dma_start3A_310 = arith.constant 0 : i32
          %dma_start3A_311 = tpu.memref_slice %arg2[%mul3A_304, %dma_start3A_310] : memref<320000x128xf32, #tpu.memory_space<hbm>> -> memref<40x128xf32, #tpu.memory_space<hbm>>
          %dma_start3A_312 = arith.constant 0 : i32
          %dma_start3A_313 = arith.constant 0 : i32
          %dma_start3A_314 = tpu.memref_slice %arg8[%dma_start3A_305, %dma_start3A_312, %dma_start3A_313] : memref<2x40x128xf32, #tpu.memory_space<vmem>> -> memref<1x40x128xf32, #tpu.memory_space<vmem>>
          %dma_start3A_315 = tpu.memref_squeeze %dma_start3A_314 : memref<1x40x128xf32, #tpu.memory_space<vmem>> -> memref<40x128xf32, #tpu.memory_space<vmem>>
          %dma_start3A_316 = arith.constant 0 : i32
          %dma_start3A_317 = tpu.memref_slice %arg2[%mul3A_304, %dma_start3A_316] : memref<320000x128xf32, #tpu.memory_space<hbm>> -> memref<40x128xf32, #tpu.memory_space<hbm>>
          tpu.enqueue_dma source(%dma_start3A_317 : memref<40x128xf32, #tpu.memory_space<hbm>>) target(%dma_start3A_315 : memref<40x128xf32, #tpu.memory_space<vmem>>) target_semaphore(%arg11 : memref<!tpu.dma_semaphore, #tpu.memory_space<semaphore_mem>>)
        } else {
        }
      } else {
      }
    }
    %scan3A_61 = arith.constant 63 : i32
    %scan3A_62 = arith.constant 0 : i32
    %scan3A_63 = arith.constant 313 : i32
    %scan3A_64 = arith.addi %scan3A_62, %scan3A_63 : i32
    %scan3A_65 = arith.constant 1 : i32
    scf.for %scan3A_229 = %scan3A_62 to %scan3A_64 step %scan3A_65  : i32 {
      %mul3A_230 = arith.constant 1 : i32
      %mul3A_231 = arith.muli %scan3A_229, %mul3A_230 : i32
      %add3A_232 = arith.constant 0 : i32
      %add3A_233 = arith.addi %add3A_232, %mul3A_231 : i32
      %mul3A_234 = arith.constant 16 : i32
      %mul3A_235 = arith.muli %add3A_233, %mul3A_234 : i32
      %add3A_236 = vector.broadcast %mul3A_235 : i32 to vector<16xi32>
      %add3A_237 = arith.addi %add3A_236, %iota3A : vector<16xi32>
      %lt3A = arith.constant 5000 : i32
      %lt3A_238 = vector.broadcast %lt3A : i32 to vector<16xi32>
      %lt3A_239 = arith.cmpi slt, %add3A_237, %lt3A_238 : vector<16xi32>
      %jit3A = arith.constant 40 : i32
      %div3A = vector.broadcast %jit3A : i32 to vector<16xi32>
      %div3A_240 = arith.divsi %add3A_237, %div3A : vector<16xi32>
      %sign3A = arith.constant 0 : i32
      %sign3A_241 = vector.broadcast %sign3A : i32 to vector<16xi32>
      %sign3A_242 = arith.cmpi sgt, %add3A_237, %sign3A_241 : vector<16xi32>
      %sign3A_243 = arith.extui %sign3A_242 : vector<16xi1> to vector<16xi32>
      %sign3A_244 = arith.constant 0 : i32
      %sign3A_245 = vector.broadcast %sign3A_244 : i32 to vector<16xi32>
      %sign3A_246 = arith.cmpi slt, %add3A_237, %sign3A_245 : vector<16xi32>
      %sign3A_247 = arith.extui %sign3A_246 : vector<16xi1> to vector<16xi32>
      %sign3A_248 = arith.subi %sign3A_243, %sign3A_247 : vector<16xi32>
      %sign3A_249 = arith.constant 0 : i32
      %sign3A_250 = arith.cmpi sgt, %jit3A, %sign3A_249 : i32
      %sign3A_251 = arith.extui %sign3A_250 : i1 to i32
      %sign3A_252 = arith.constant 0 : i32
      %sign3A_253 = arith.cmpi slt, %jit3A, %sign3A_252 : i32
      %sign3A_254 = arith.extui %sign3A_253 : i1 to i32
      %sign3A_255 = arith.subi %sign3A_251, %sign3A_254 : i32
      %ne3A = vector.broadcast %sign3A_255 : i32 to vector<16xi32>
      %ne3A_256 = arith.cmpi ne, %sign3A_248, %ne3A : vector<16xi32>
      %rem3A = vector.broadcast %jit3A : i32 to vector<16xi32>
      %rem3A_257 = arith.remsi %add3A_237, %rem3A : vector<16xi32>
      %ne3A_258 = arith.constant 0 : i32
      %ne3A_259 = vector.broadcast %ne3A_258 : i32 to vector<16xi32>
      %ne3A_260 = arith.cmpi ne, %rem3A_257, %ne3A_259 : vector<16xi32>
      %and3A = arith.andi %ne3A_256, %ne3A_260 : vector<16xi1>
      %sub3A = arith.constant 1 : i32
      %sub3A_261 = vector.broadcast %sub3A : i32 to vector<16xi32>
      %sub3A_262 = arith.subi %div3A_240, %sub3A_261 : vector<16xi32>
      %select_n3A = arith.select %and3A, %sub3A_262, %div3A_240 : vector<16xi1>, vector<16xi32>
      %jit3A_263 = arith.constant 40 : i32
      %eq3A = arith.constant 0 : i32
      %eq3A_264 = arith.cmpi eq, %jit3A_263, %eq3A : i32
      %jit3A_265 = arith.constant 1 : i32
      %select_n3A_266 = arith.select %eq3A_264, %jit3A_265, %jit3A_263 : i32
      %rem3A_267 = vector.broadcast %select_n3A_266 : i32 to vector<16xi32>
      %rem3A_268 = arith.remsi %add3A_237, %rem3A_267 : vector<16xi32>
      %ne3A_269 = arith.constant 0 : i32
      %ne3A_270 = vector.broadcast %ne3A_269 : i32 to vector<16xi32>
      %ne3A_271 = arith.cmpi ne, %rem3A_268, %ne3A_270 : vector<16xi32>
      %lt3A_272 = arith.constant 0 : i32
      %lt3A_273 = vector.broadcast %lt3A_272 : i32 to vector<16xi32>
      %lt3A_274 = arith.cmpi slt, %rem3A_268, %lt3A_273 : vector<16xi32>
      %lt3A_275 = arith.constant 0 : i32
      %lt3A_276 = arith.cmpi slt, %select_n3A_266, %lt3A_275 : i32
      %ne3A_277 = vector.broadcast %lt3A_276 : i1 to vector<16xi1>
      %ne3A_278 = vector.broadcast %ne3A_277 : vector<16xi1> to vector<16xi1>
      %ne3A_279 = arith.xori %lt3A_274, %ne3A_278 : vector<16xi1>
      %and3A_280 = arith.andi %ne3A_279, %ne3A_271 : vector<16xi1>
      %add3A_281 = vector.broadcast %select_n3A_266 : i32 to vector<16xi32>
      %add3A_282 = arith.addi %rem3A_268, %add3A_281 : vector<16xi32>
      %select_n3A_283 = arith.select %and3A_280, %add3A_282, %rem3A_268 : vector<16xi1>, vector<16xi32>
      %gather3A = tpu.vector_load_idx %arg7[%select_n3A, %select_n3A_283] masked %lt3A_239 : memref<125x40xi32, #tpu.memory_space<vmem>>[vector<16xi32>, vector<16xi32>], vector<16xi32>, vector<16xi1>
      %broadcast_in_dim3A_284 = arith.constant 0 : i32
      %broadcast_in_dim3A_285 = vector.broadcast %broadcast_in_dim3A_284 : i32 to vector<16xi32>
      tpu.vector_store_idx %arg9[%broadcast_in_dim3A_285, %gather3A], %broadcast_in_dim3A_1 masked %lt3A_239 {add = true} : memref<1x10240xf32, #tpu.memory_space<vmem>>[vector<16xi32>, vector<16xi32>], vector<16xf32>, vector<16xi1>
    }
    %scan3A_66 = arith.constant 313 : i32
    %mul3A_67 = arith.constant 4 : i32
    %mul3A_68 = arith.muli %add3A, %mul3A_67 : i32
    %add3A_69 = arith.constant 1 : i32
    %add3A_70 = arith.addi %mul3A_68, %add3A_69 : i32
    "tpu.region"() ({
      %run_scoped3A = tpu.sem_alloc : memref<!tpu.dma_semaphore, #tpu.memory_space<semaphore_mem>>
      %dma_start3A_229 = arith.constant 0 : i32
      %dma_start3A_230 = arith.constant 0 : i32
      %dma_start3A_231 = tpu.memref_slice %arg3[%add3A_70, %dma_start3A_229, %dma_start3A_230] : memref<128x125x40xi32, #tpu.memory_space<hbm>> -> memref<1x125x40xi32, #tpu.memory_space<hbm>>
      %dma_start3A_232 = tpu.memref_squeeze %dma_start3A_231 : memref<1x125x40xi32, #tpu.memory_space<hbm>> -> memref<125x40xi32, #tpu.memory_space<hbm>>
      %dma_start3A_233 = arith.constant 0 : i32
      %dma_start3A_234 = arith.constant 0 : i32
      %dma_start3A_235 = tpu.memref_slice %arg3[%add3A_70, %dma_start3A_233, %dma_start3A_234] : memref<128x125x40xi32, #tpu.memory_space<hbm>> -> memref<1x125x40xi32, #tpu.memory_space<hbm>>
      %dma_start3A_236 = tpu.memref_squeeze %dma_start3A_235 : memref<1x125x40xi32, #tpu.memory_space<hbm>> -> memref<125x40xi32, #tpu.memory_space<hbm>>
      tpu.enqueue_dma source(%dma_start3A_236 : memref<125x40xi32, #tpu.memory_space<hbm>>) target(%arg7 : memref<125x40xi32, #tpu.memory_space<vmem>>) target_semaphore(%run_scoped3A : memref<!tpu.dma_semaphore, #tpu.memory_space<semaphore_mem>>)
      %dma_wait3A = arith.constant 0 : i32
      %dma_wait3A_237 = arith.constant 0 : i32
      %dma_wait3A_238 = tpu.memref_slice %arg3[%add3A_70, %dma_wait3A, %dma_wait3A_237] : memref<128x125x40xi32, #tpu.memory_space<hbm>> -> memref<1x125x40xi32, #tpu.memory_space<hbm>>
      %dma_wait3A_239 = tpu.memref_squeeze %dma_wait3A_238 : memref<1x125x40xi32, #tpu.memory_space<hbm>> -> memref<125x40xi32, #tpu.memory_space<hbm>>
      %dma_wait3A_240 = arith.constant 0 : i32
      %dma_wait3A_241 = arith.constant 0 : i32
      %dma_wait3A_242 = tpu.memref_slice %arg3[%add3A_70, %dma_wait3A_240, %dma_wait3A_241] : memref<128x125x40xi32, #tpu.memory_space<hbm>> -> memref<1x125x40xi32, #tpu.memory_space<hbm>>
      %dma_wait3A_243 = tpu.memref_squeeze %dma_wait3A_242 : memref<1x125x40xi32, #tpu.memory_space<hbm>> -> memref<125x40xi32, #tpu.memory_space<hbm>>
      tpu.wait_dma2 semaphore(%run_scoped3A : memref<!tpu.dma_semaphore, #tpu.memory_space<semaphore_mem>>) src(%dma_wait3A_243 : memref<125x40xi32, #tpu.memory_space<hbm>>) dst(%arg7 : memref<125x40xi32, #tpu.memory_space<vmem>>)
      tpu.yield
    }) : () -> ()
    %mul3A_71 = arith.constant 500 : i32
    %mul3A_72 = arith.muli %arg1, %mul3A_71 : i32
    %add3A_73 = arith.constant 125 : i32
    %add3A_74 = arith.addi %mul3A_72, %add3A_73 : i32
    %mul3A_75 = arith.constant 40 : i32
    %mul3A_76 = arith.muli %add3A_74, %mul3A_75 : i32
    %dma_start3A_77 = arith.constant 0 : i32
    %dma_start3A_78 = arith.constant 0 : i32
    %dma_start3A_79 = arith.constant 0 : i32
    %dma_start3A_80 = tpu.memref_slice %arg8[%dma_start3A_77, %dma_start3A_78, %dma_start3A_79] : memref<2x40x128xf32, #tpu.memory_space<vmem>> -> memref<1x40x128xf32, #tpu.memory_space<vmem>>
    %dma_start3A_81 = tpu.memref_squeeze %dma_start3A_80 : memref<1x40x128xf32, #tpu.memory_space<vmem>> -> memref<40x128xf32, #tpu.memory_space<vmem>>
    %dma_start3A_82 = arith.constant 0 : i32
    %dma_start3A_83 = tpu.memref_slice %arg2[%mul3A_76, %dma_start3A_82] : memref<320000x128xf32, #tpu.memory_space<hbm>> -> memref<40x128xf32, #tpu.memory_space<hbm>>
    %dma_start3A_84 = arith.constant 0 : i32
    %dma_start3A_85 = arith.constant 0 : i32
    %dma_start3A_86 = tpu.memref_slice %arg8[%dma_start3A_77, %dma_start3A_84, %dma_start3A_85] : memref<2x40x128xf32, #tpu.memory_space<vmem>> -> memref<1x40x128xf32, #tpu.memory_space<vmem>>
    %dma_start3A_87 = tpu.memref_squeeze %dma_start3A_86 : memref<1x40x128xf32, #tpu.memory_space<vmem>> -> memref<40x128xf32, #tpu.memory_space<vmem>>
    %dma_start3A_88 = arith.constant 0 : i32
    %dma_start3A_89 = tpu.memref_slice %arg2[%mul3A_76, %dma_start3A_88] : memref<320000x128xf32, #tpu.memory_space<hbm>> -> memref<40x128xf32, #tpu.memory_space<hbm>>
    tpu.enqueue_dma source(%dma_start3A_89 : memref<40x128xf32, #tpu.memory_space<hbm>>) target(%dma_start3A_87 : memref<40x128xf32, #tpu.memory_space<vmem>>) target_semaphore(%arg10 : memref<!tpu.dma_semaphore, #tpu.memory_space<semaphore_mem>>)
    %mul3A_90 = arith.constant 500 : i32
    %mul3A_91 = arith.muli %arg1, %mul3A_90 : i32
    %add3A_92 = arith.constant 126 : i32
    %add3A_93 = arith.addi %mul3A_91, %add3A_92 : i32
    %mul3A_94 = arith.constant 40 : i32
    %mul3A_95 = arith.muli %add3A_93, %mul3A_94 : i32
    %dma_start3A_96 = arith.constant 1 : i32
    %dma_start3A_97 = arith.constant 0 : i32
    %dma_start3A_98 = arith.constant 0 : i32
    %dma_start3A_99 = tpu.memref_slice %arg8[%dma_start3A_96, %dma_start3A_97, %dma_start3A_98] : memref<2x40x128xf32, #tpu.memory_space<vmem>> -> memref<1x40x128xf32, #tpu.memory_space<vmem>>
    %dma_start3A_100 = tpu.memref_squeeze %dma_start3A_99 : memref<1x40x128xf32, #tpu.memory_space<vmem>> -> memref<40x128xf32, #tpu.memory_space<vmem>>
    %dma_start3A_101 = arith.constant 0 : i32
    %dma_start3A_102 = tpu.memref_slice %arg2[%mul3A_95, %dma_start3A_101] : memref<320000x128xf32, #tpu.memory_space<hbm>> -> memref<40x128xf32, #tpu.memory_space<hbm>>
    %dma_start3A_103 = arith.constant 0 : i32
    %dma_start3A_104 = arith.constant 0 : i32
    %dma_start3A_105 = tpu.memref_slice %arg8[%dma_start3A_96, %dma_start3A_103, %dma_start3A_104] : memref<2x40x128xf32, #tpu.memory_space<vmem>> -> memref<1x40x128xf32, #tpu.memory_space<vmem>>
    %dma_start3A_106 = tpu.memref_squeeze %dma_start3A_105 : memref<1x40x128xf32, #tpu.memory_space<vmem>> -> memref<40x128xf32, #tpu.memory_space<vmem>>
    %dma_start3A_107 = arith.constant 0 : i32
    %dma_start3A_108 = tpu.memref_slice %arg2[%mul3A_95, %dma_start3A_107] : memref<320000x128xf32, #tpu.memory_space<hbm>> -> memref<40x128xf32, #tpu.memory_space<hbm>>
    tpu.enqueue_dma source(%dma_start3A_108 : memref<40x128xf32, #tpu.memory_space<hbm>>) target(%dma_start3A_106 : memref<40x128xf32, #tpu.memory_space<vmem>>) target_semaphore(%arg11 : memref<!tpu.dma_semaphore, #tpu.memory_space<semaphore_mem>>)
    %scan3A_109 = arith.constant 0 : i32
    %scan3A_110 = arith.constant 63 : i32
    %scan3A_111 = arith.addi %scan3A_109, %scan3A_110 : i32
    %scan3A_112 = arith.constant 1 : i32
    scf.for %scan3A_229 = %scan3A_109 to %scan3A_111 step %scan3A_112  : i32 {
      %mul3A_230 = arith.constant 1 : i32
      %mul3A_231 = arith.muli %scan3A_229, %mul3A_230 : i32
      %add3A_232 = arith.constant 0 : i32
      %add3A_233 = arith.addi %add3A_232, %mul3A_231 : i32
      %dma_wait3A = arith.constant 0 : i32
      %dma_wait3A_234 = arith.constant 0 : i32
      %dma_wait3A_235 = arith.constant 0 : i32
      %dma_wait3A_236 = tpu.memref_slice %arg8[%dma_wait3A, %dma_wait3A_234, %dma_wait3A_235] : memref<2x40x128xf32, #tpu.memory_space<vmem>> -> memref<1x40x128xf32, #tpu.memory_space<vmem>>
      %dma_wait3A_237 = tpu.memref_squeeze %dma_wait3A_236 : memref<1x40x128xf32, #tpu.memory_space<vmem>> -> memref<40x128xf32, #tpu.memory_space<vmem>>
      %dma_wait3A_238 = arith.constant 0 : i32
      %dma_wait3A_239 = arith.constant 0 : i32
      %dma_wait3A_240 = tpu.memref_slice %arg2[%dma_wait3A_238, %dma_wait3A_239] : memref<320000x128xf32, #tpu.memory_space<hbm>> -> memref<40x128xf32, #tpu.memory_space<hbm>>
      %dma_wait3A_241 = arith.constant 0 : i32
      %dma_wait3A_242 = arith.constant 0 : i32
      %dma_wait3A_243 = tpu.memref_slice %arg8[%dma_wait3A, %dma_wait3A_241, %dma_wait3A_242] : memref<2x40x128xf32, #tpu.memory_space<vmem>> -> memref<1x40x128xf32, #tpu.memory_space<vmem>>
      %dma_wait3A_244 = tpu.memref_squeeze %dma_wait3A_243 : memref<1x40x128xf32, #tpu.memory_space<vmem>> -> memref<40x128xf32, #tpu.memory_space<vmem>>
      %dma_wait3A_245 = arith.constant 0 : i32
      %dma_wait3A_246 = arith.constant 0 : i32
      %dma_wait3A_247 = tpu.memref_slice %arg2[%dma_wait3A_245, %dma_wait3A_246] : memref<320000x128xf32, #tpu.memory_space<hbm>> -> memref<40x128xf32, #tpu.memory_space<hbm>>
      tpu.wait_dma2 semaphore(%arg10 : memref<!tpu.dma_semaphore, #tpu.memory_space<semaphore_mem>>) src(%dma_wait3A_247 : memref<40x128xf32, #tpu.memory_space<hbm>>) dst(%dma_wait3A_244 : memref<40x128xf32, #tpu.memory_space<vmem>>)
      %mul3A_248 = arith.constant 2 : i32
      %mul3A_249 = arith.muli %mul3A_248, %add3A_233 : i32
      %run_scoped3A = arith.constant 0 : i32
      "tpu.region"() ({
        %run_scoped3A_265 = tpu.sem_alloc : memref<!tpu.dma_semaphore, #tpu.memory_space<semaphore_mem>>
        %dma_start3A_266 = arith.constant 0 : i32
        %dma_start3A_267 = arith.constant 0 : i32
        %dma_start3A_268 = tpu.memref_slice %arg8[%run_scoped3A, %dma_start3A_266, %dma_start3A_267] : memref<2x40x128xf32, #tpu.memory_space<vmem>> -> memref<1x40x128xf32, #tpu.memory_space<vmem>>
        %dma_start3A_269 = tpu.memref_squeeze %dma_start3A_268 : memref<1x40x128xf32, #tpu.memory_space<vmem>> -> memref<40x128xf32, #tpu.memory_space<vmem>>
        %dma_start3A_270 = arith.constant 0 : i32
        %dma_start3A_271 = tpu.memref_slice %arg7[%mul3A_249, %dma_start3A_270] : memref<125x40xi32, #tpu.memory_space<vmem>> -> memref<1x40xi32, #tpu.memory_space<vmem>>
        %dma_start3A_272 = tpu.memref_squeeze %dma_start3A_271 : memref<1x40xi32, #tpu.memory_space<vmem>> -> memref<40xi32, #tpu.memory_space<vmem>>
        %dma_start3A_273 = arith.constant 0 : i32
        %dma_start3A_274 = arith.constant 0 : i32
        %dma_start3A_275 = tpu.memref_slice %arg6[%dma_start3A_273, %dma_start3A_274] : memref<10240x128xf32, #tpu.memory_space<vmem_shared>> -> memref<10240x128xf32, #tpu.memory_space<vmem_shared>>
        tpu.enqueue_indirect_dma source(%dma_start3A_269 : memref<40x128xf32, #tpu.memory_space<vmem>>) target(%dma_start3A_275 : memref<10240x128xf32, #tpu.memory_space<vmem_shared>>) offsets(%dma_start3A_272 : memref<40xi32, #tpu.memory_space<vmem>>) semaphore(%run_scoped3A_265 : memref<!tpu.dma_semaphore, #tpu.memory_space<semaphore_mem>>) {add = true}
        %dma_wait3A_276 = arith.constant 0 : i32
        %dma_wait3A_277 = arith.constant 0 : i32
        %dma_wait3A_278 = tpu.memref_slice %arg8[%run_scoped3A, %dma_wait3A_276, %dma_wait3A_277] : memref<2x40x128xf32, #tpu.memory_space<vmem>> -> memref<1x40x128xf32, #tpu.memory_space<vmem>>
        %dma_wait3A_279 = tpu.memref_squeeze %dma_wait3A_278 : memref<1x40x128xf32, #tpu.memory_space<vmem>> -> memref<40x128xf32, #tpu.memory_space<vmem>>
        %dma_wait3A_280 = arith.constant 0 : i32
        %dma_wait3A_281 = tpu.memref_slice %arg7[%mul3A_249, %dma_wait3A_280] : memref<125x40xi32, #tpu.memory_space<vmem>> -> memref<1x40xi32, #tpu.memory_space<vmem>>
        %dma_wait3A_282 = tpu.memref_squeeze %dma_wait3A_281 : memref<1x40xi32, #tpu.memory_space<vmem>> -> memref<40xi32, #tpu.memory_space<vmem>>
        %dma_wait3A_283 = arith.constant 0 : i32
        %dma_wait3A_284 = arith.constant 0 : i32
        %dma_wait3A_285 = tpu.memref_slice %arg6[%dma_wait3A_283, %dma_wait3A_284] : memref<10240x128xf32, #tpu.memory_space<vmem_shared>> -> memref<10240x128xf32, #tpu.memory_space<vmem_shared>>
        tpu.wait_indirect_dma semaphore(%run_scoped3A_265 : memref<!tpu.dma_semaphore, #tpu.memory_space<semaphore_mem>>) src(%dma_wait3A_279 : memref<40x128xf32, #tpu.memory_space<vmem>>) dst(%dma_wait3A_285 : memref<10240x128xf32, #tpu.memory_space<vmem_shared>>)
        tpu.yield
      }) : () -> ()
      %mul3A_250 = arith.constant 2 : i32
      %mul3A_251 = arith.muli %mul3A_250, %add3A_233 : i32
      %add3A_252 = arith.constant 2 : i32
      %add3A_253 = arith.addi %mul3A_251, %add3A_252 : i32
      %lt3A = arith.constant 125 : i32
      %lt3A_254 = arith.cmpi slt, %add3A_253, %lt3A : i32
      %convert_element_type3A = arith.extui %lt3A_254 : i1 to i32
      %cond3A = arith.constant 0 : i32
      %cond3A_255 = arith.cmpi ne, %convert_element_type3A, %cond3A : i32
      scf.if %cond3A_255 {
        %mul3A_265 = arith.constant 2 : i32
        %mul3A_266 = arith.muli %mul3A_265, %add3A_233 : i32
        %add3A_267 = arith.constant 125 : i32
        %add3A_268 = arith.addi %add3A_267, %mul3A_266 : i32
        %add3A_269 = arith.constant 2 : i32
        %add3A_270 = arith.addi %add3A_268, %add3A_269 : i32
        %mul3A_271 = arith.constant 500 : i32
        %mul3A_272 = arith.muli %arg1, %mul3A_271 : i32
        %add3A_273 = arith.addi %mul3A_272, %add3A_270 : i32
        %mul3A_274 = arith.constant 40 : i32
        %mul3A_275 = arith.muli %add3A_273, %mul3A_274 : i32
        %dma_start3A_276 = arith.constant 0 : i32
        %dma_start3A_277 = arith.constant 0 : i32
        %dma_start3A_278 = arith.constant 0 : i32
        %dma_start3A_279 = tpu.memref_slice %arg8[%dma_start3A_276, %dma_start3A_277, %dma_start3A_278] : memref<2x40x128xf32, #tpu.memory_space<vmem>> -> memref<1x40x128xf32, #tpu.memory_space<vmem>>
        %dma_start3A_280 = tpu.memref_squeeze %dma_start3A_279 : memref<1x40x128xf32, #tpu.memory_space<vmem>> -> memref<40x128xf32, #tpu.memory_space<vmem>>
        %dma_start3A_281 = arith.constant 0 : i32
        %dma_start3A_282 = tpu.memref_slice %arg2[%mul3A_275, %dma_start3A_281] : memref<320000x128xf32, #tpu.memory_space<hbm>> -> memref<40x128xf32, #tpu.memory_space<hbm>>
        %dma_start3A_283 = arith.constant 0 : i32
        %dma_start3A_284 = arith.constant 0 : i32
        %dma_start3A_285 = tpu.memref_slice %arg8[%dma_start3A_276, %dma_start3A_283, %dma_start3A_284] : memref<2x40x128xf32, #tpu.memory_space<vmem>> -> memref<1x40x128xf32, #tpu.memory_space<vmem>>
        %dma_start3A_286 = tpu.memref_squeeze %dma_start3A_285 : memref<1x40x128xf32, #tpu.memory_space<vmem>> -> memref<40x128xf32, #tpu.memory_space<vmem>>
        %dma_start3A_287 = arith.constant 0 : i32
        %dma_start3A_288 = tpu.memref_slice %arg2[%mul3A_275, %dma_start3A_287] : memref<320000x128xf32, #tpu.memory_space<hbm>> -> memref<40x128xf32, #tpu.memory_space<hbm>>
        tpu.enqueue_dma source(%dma_start3A_288 : memref<40x128xf32, #tpu.memory_space<hbm>>) target(%dma_start3A_286 : memref<40x128xf32, #tpu.memory_space<vmem>>) target_semaphore(%arg10 : memref<!tpu.dma_semaphore, #tpu.memory_space<semaphore_mem>>)
      } else {
      }
      %mul3A_256 = arith.constant 2 : i32
      %mul3A_257 = arith.muli %mul3A_256, %add3A_233 : i32
      %add3A_258 = arith.constant 1 : i32
      %add3A_259 = arith.addi %mul3A_257, %add3A_258 : i32
      %lt3A_260 = arith.constant 125 : i32
      %lt3A_261 = arith.cmpi slt, %add3A_259, %lt3A_260 : i32
      %convert_element_type3A_262 = arith.extui %lt3A_261 : i1 to i32
      %cond3A_263 = arith.constant 0 : i32
      %cond3A_264 = arith.cmpi ne, %convert_element_type3A_262, %cond3A_263 : i32
      scf.if %cond3A_264 {
        %dma_wait3A_265 = arith.constant 1 : i32
        %dma_wait3A_266 = arith.constant 0 : i32
        %dma_wait3A_267 = arith.constant 0 : i32
        %dma_wait3A_268 = tpu.memref_slice %arg8[%dma_wait3A_265, %dma_wait3A_266, %dma_wait3A_267] : memref<2x40x128xf32, #tpu.memory_space<vmem>> -> memref<1x40x128xf32, #tpu.memory_space<vmem>>
        %dma_wait3A_269 = tpu.memref_squeeze %dma_wait3A_268 : memref<1x40x128xf32, #tpu.memory_space<vmem>> -> memref<40x128xf32, #tpu.memory_space<vmem>>
        %dma_wait3A_270 = arith.constant 0 : i32
        %dma_wait3A_271 = arith.constant 0 : i32
        %dma_wait3A_272 = tpu.memref_slice %arg2[%dma_wait3A_270, %dma_wait3A_271] : memref<320000x128xf32, #tpu.memory_space<hbm>> -> memref<40x128xf32, #tpu.memory_space<hbm>>
        %dma_wait3A_273 = arith.constant 0 : i32
        %dma_wait3A_274 = arith.constant 0 : i32
        %dma_wait3A_275 = tpu.memref_slice %arg8[%dma_wait3A_265, %dma_wait3A_273, %dma_wait3A_274] : memref<2x40x128xf32, #tpu.memory_space<vmem>> -> memref<1x40x128xf32, #tpu.memory_space<vmem>>
        %dma_wait3A_276 = tpu.memref_squeeze %dma_wait3A_275 : memref<1x40x128xf32, #tpu.memory_space<vmem>> -> memref<40x128xf32, #tpu.memory_space<vmem>>
        %dma_wait3A_277 = arith.constant 0 : i32
        %dma_wait3A_278 = arith.constant 0 : i32
        %dma_wait3A_279 = tpu.memref_slice %arg2[%dma_wait3A_277, %dma_wait3A_278] : memref<320000x128xf32, #tpu.memory_space<hbm>> -> memref<40x128xf32, #tpu.memory_space<hbm>>
        tpu.wait_dma2 semaphore(%arg11 : memref<!tpu.dma_semaphore, #tpu.memory_space<semaphore_mem>>) src(%dma_wait3A_279 : memref<40x128xf32, #tpu.memory_space<hbm>>) dst(%dma_wait3A_276 : memref<40x128xf32, #tpu.memory_space<vmem>>)
        %mul3A_280 = arith.constant 2 : i32
        %mul3A_281 = arith.muli %mul3A_280, %add3A_233 : i32
        %add3A_282 = arith.constant 1 : i32
        %add3A_283 = arith.addi %mul3A_281, %add3A_282 : i32
        %run_scoped3A_284 = arith.constant 1 : i32
        "tpu.region"() ({
          %run_scoped3A_294 = tpu.sem_alloc : memref<!tpu.dma_semaphore, #tpu.memory_space<semaphore_mem>>
          %dma_start3A_295 = arith.constant 0 : i32
          %dma_start3A_296 = arith.constant 0 : i32
          %dma_start3A_297 = tpu.memref_slice %arg8[%run_scoped3A_284, %dma_start3A_295, %dma_start3A_296] : memref<2x40x128xf32, #tpu.memory_space<vmem>> -> memref<1x40x128xf32, #tpu.memory_space<vmem>>
          %dma_start3A_298 = tpu.memref_squeeze %dma_start3A_297 : memref<1x40x128xf32, #tpu.memory_space<vmem>> -> memref<40x128xf32, #tpu.memory_space<vmem>>
          %dma_start3A_299 = arith.constant 0 : i32
          %dma_start3A_300 = tpu.memref_slice %arg7[%add3A_283, %dma_start3A_299] : memref<125x40xi32, #tpu.memory_space<vmem>> -> memref<1x40xi32, #tpu.memory_space<vmem>>
          %dma_start3A_301 = tpu.memref_squeeze %dma_start3A_300 : memref<1x40xi32, #tpu.memory_space<vmem>> -> memref<40xi32, #tpu.memory_space<vmem>>
          %dma_start3A_302 = arith.constant 0 : i32
          %dma_start3A_303 = arith.constant 0 : i32
          %dma_start3A_304 = tpu.memref_slice %arg6[%dma_start3A_302, %dma_start3A_303] : memref<10240x128xf32, #tpu.memory_space<vmem_shared>> -> memref<10240x128xf32, #tpu.memory_space<vmem_shared>>
          tpu.enqueue_indirect_dma source(%dma_start3A_298 : memref<40x128xf32, #tpu.memory_space<vmem>>) target(%dma_start3A_304 : memref<10240x128xf32, #tpu.memory_space<vmem_shared>>) offsets(%dma_start3A_301 : memref<40xi32, #tpu.memory_space<vmem>>) semaphore(%run_scoped3A_294 : memref<!tpu.dma_semaphore, #tpu.memory_space<semaphore_mem>>) {add = true}
          %dma_wait3A_305 = arith.constant 0 : i32
          %dma_wait3A_306 = arith.constant 0 : i32
          %dma_wait3A_307 = tpu.memref_slice %arg8[%run_scoped3A_284, %dma_wait3A_305, %dma_wait3A_306] : memref<2x40x128xf32, #tpu.memory_space<vmem>> -> memref<1x40x128xf32, #tpu.memory_space<vmem>>
          %dma_wait3A_308 = tpu.memref_squeeze %dma_wait3A_307 : memref<1x40x128xf32, #tpu.memory_space<vmem>> -> memref<40x128xf32, #tpu.memory_space<vmem>>
          %dma_wait3A_309 = arith.constant 0 : i32
          %dma_wait3A_310 = tpu.memref_slice %arg7[%add3A_283, %dma_wait3A_309] : memref<125x40xi32, #tpu.memory_space<vmem>> -> memref<1x40xi32, #tpu.memory_space<vmem>>
          %dma_wait3A_311 = tpu.memref_squeeze %dma_wait3A_310 : memref<1x40xi32, #tpu.memory_space<vmem>> -> memref<40xi32, #tpu.memory_space<vmem>>
          %dma_wait3A_312 = arith.constant 0 : i32
          %dma_wait3A_313 = arith.constant 0 : i32
          %dma_wait3A_314 = tpu.memref_slice %arg6[%dma_wait3A_312, %dma_wait3A_313] : memref<10240x128xf32, #tpu.memory_space<vmem_shared>> -> memref<10240x128xf32, #tpu.memory_space<vmem_shared>>
          tpu.wait_indirect_dma semaphore(%run_scoped3A_294 : memref<!tpu.dma_semaphore, #tpu.memory_space<semaphore_mem>>) src(%dma_wait3A_308 : memref<40x128xf32, #tpu.memory_space<vmem>>) dst(%dma_wait3A_314 : memref<10240x128xf32, #tpu.memory_space<vmem_shared>>)
          tpu.yield
        }) : () -> ()
        %mul3A_285 = arith.constant 2 : i32
        %mul3A_286 = arith.muli %mul3A_285, %add3A_233 : i32
        %add3A_287 = arith.constant 3 : i32
        %add3A_288 = arith.addi %mul3A_286, %add3A_287 : i32
        %lt3A_289 = arith.constant 125 : i32
        %lt3A_290 = arith.cmpi slt, %add3A_288, %lt3A_289 : i32
        %convert_element_type3A_291 = arith.extui %lt3A_290 : i1 to i32
        %cond3A_292 = arith.constant 0 : i32
        %cond3A_293 = arith.cmpi ne, %convert_element_type3A_291, %cond3A_292 : i32
        scf.if %cond3A_293 {
          %mul3A_294 = arith.constant 2 : i32
          %mul3A_295 = arith.muli %mul3A_294, %add3A_233 : i32
          %add3A_296 = arith.constant 125 : i32
          %add3A_297 = arith.addi %add3A_296, %mul3A_295 : i32
          %add3A_298 = arith.constant 3 : i32
          %add3A_299 = arith.addi %add3A_297, %add3A_298 : i32
          %mul3A_300 = arith.constant 500 : i32
          %mul3A_301 = arith.muli %arg1, %mul3A_300 : i32
          %add3A_302 = arith.addi %mul3A_301, %add3A_299 : i32
          %mul3A_303 = arith.constant 40 : i32
          %mul3A_304 = arith.muli %add3A_302, %mul3A_303 : i32
          %dma_start3A_305 = arith.constant 1 : i32
          %dma_start3A_306 = arith.constant 0 : i32
          %dma_start3A_307 = arith.constant 0 : i32
          %dma_start3A_308 = tpu.memref_slice %arg8[%dma_start3A_305, %dma_start3A_306, %dma_start3A_307] : memref<2x40x128xf32, #tpu.memory_space<vmem>> -> memref<1x40x128xf32, #tpu.memory_space<vmem>>
          %dma_start3A_309 = tpu.memref_squeeze %dma_start3A_308 : memref<1x40x128xf32, #tpu.memory_space<vmem>> -> memref<40x128xf32, #tpu.memory_space<vmem>>
          %dma_start3A_310 = arith.constant 0 : i32
          %dma_start3A_311 = tpu.memref_slice %arg2[%mul3A_304, %dma_start3A_310] : memref<320000x128xf32, #tpu.memory_space<hbm>> -> memref<40x128xf32, #tpu.memory_space<hbm>>
          %dma_start3A_312 = arith.constant 0 : i32
          %dma_start3A_313 = arith.constant 0 : i32
          %dma_start3A_314 = tpu.memref_slice %arg8[%dma_start3A_305, %dma_start3A_312, %dma_start3A_313] : memref<2x40x128xf32, #tpu.memory_space<vmem>> -> memref<1x40x128xf32, #tpu.memory_space<vmem>>
          %dma_start3A_315 = tpu.memref_squeeze %dma_start3A_314 : memref<1x40x128xf32, #tpu.memory_space<vmem>> -> memref<40x128xf32, #tpu.memory_space<vmem>>
          %dma_start3A_316 = arith.constant 0 : i32
          %dma_start3A_317 = tpu.memref_slice %arg2[%mul3A_304, %dma_start3A_316] : memref<320000x128xf32, #tpu.memory_space<hbm>> -> memref<40x128xf32, #tpu.memory_space<hbm>>
          tpu.enqueue_dma source(%dma_start3A_317 : memref<40x128xf32, #tpu.memory_space<hbm>>) target(%dma_start3A_315 : memref<40x128xf32, #tpu.memory_space<vmem>>) target_semaphore(%arg11 : memref<!tpu.dma_semaphore, #tpu.memory_space<semaphore_mem>>)
        } else {
        }
      } else {
      }
    }
    %scan3A_113 = arith.constant 63 : i32
    %scan3A_114 = arith.constant 0 : i32
    %scan3A_115 = arith.constant 313 : i32
    %scan3A_116 = arith.addi %scan3A_114, %scan3A_115 : i32
    %scan3A_117 = arith.constant 1 : i32
    scf.for %scan3A_229 = %scan3A_114 to %scan3A_116 step %scan3A_117  : i32 {
      %mul3A_230 = arith.constant 1 : i32
      %mul3A_231 = arith.muli %scan3A_229, %mul3A_230 : i32
      %add3A_232 = arith.constant 0 : i32
      %add3A_233 = arith.addi %add3A_232, %mul3A_231 : i32
      %mul3A_234 = arith.constant 16 : i32
      %mul3A_235 = arith.muli %add3A_233, %mul3A_234 : i32
      %add3A_236 = vector.broadcast %mul3A_235 : i32 to vector<16xi32>
      %add3A_237 = arith.addi %add3A_236, %iota3A : vector<16xi32>
      %lt3A = arith.constant 5000 : i32
      %lt3A_238 = vector.broadcast %lt3A : i32 to vector<16xi32>
      %lt3A_239 = arith.cmpi slt, %add3A_237, %lt3A_238 : vector<16xi32>
      %jit3A = arith.constant 40 : i32
      %div3A = vector.broadcast %jit3A : i32 to vector<16xi32>
      %div3A_240 = arith.divsi %add3A_237, %div3A : vector<16xi32>
      %sign3A = arith.constant 0 : i32
      %sign3A_241 = vector.broadcast %sign3A : i32 to vector<16xi32>
      %sign3A_242 = arith.cmpi sgt, %add3A_237, %sign3A_241 : vector<16xi32>
      %sign3A_243 = arith.extui %sign3A_242 : vector<16xi1> to vector<16xi32>
      %sign3A_244 = arith.constant 0 : i32
      %sign3A_245 = vector.broadcast %sign3A_244 : i32 to vector<16xi32>
      %sign3A_246 = arith.cmpi slt, %add3A_237, %sign3A_245 : vector<16xi32>
      %sign3A_247 = arith.extui %sign3A_246 : vector<16xi1> to vector<16xi32>
      %sign3A_248 = arith.subi %sign3A_243, %sign3A_247 : vector<16xi32>
      %sign3A_249 = arith.constant 0 : i32
      %sign3A_250 = arith.cmpi sgt, %jit3A, %sign3A_249 : i32
      %sign3A_251 = arith.extui %sign3A_250 : i1 to i32
      %sign3A_252 = arith.constant 0 : i32
      %sign3A_253 = arith.cmpi slt, %jit3A, %sign3A_252 : i32
      %sign3A_254 = arith.extui %sign3A_253 : i1 to i32
      %sign3A_255 = arith.subi %sign3A_251, %sign3A_254 : i32
      %ne3A = vector.broadcast %sign3A_255 : i32 to vector<16xi32>
      %ne3A_256 = arith.cmpi ne, %sign3A_248, %ne3A : vector<16xi32>
      %rem3A = vector.broadcast %jit3A : i32 to vector<16xi32>
      %rem3A_257 = arith.remsi %add3A_237, %rem3A : vector<16xi32>
      %ne3A_258 = arith.constant 0 : i32
      %ne3A_259 = vector.broadcast %ne3A_258 : i32 to vector<16xi32>
      %ne3A_260 = arith.cmpi ne, %rem3A_257, %ne3A_259 : vector<16xi32>
      %and3A = arith.andi %ne3A_256, %ne3A_260 : vector<16xi1>
      %sub3A = arith.constant 1 : i32
      %sub3A_261 = vector.broadcast %sub3A : i32 to vector<16xi32>
      %sub3A_262 = arith.subi %div3A_240, %sub3A_261 : vector<16xi32>
      %select_n3A = arith.select %and3A, %sub3A_262, %div3A_240 : vector<16xi1>, vector<16xi32>
      %jit3A_263 = arith.constant 40 : i32
      %eq3A = arith.constant 0 : i32
      %eq3A_264 = arith.cmpi eq, %jit3A_263, %eq3A : i32
      %jit3A_265 = arith.constant 1 : i32
      %select_n3A_266 = arith.select %eq3A_264, %jit3A_265, %jit3A_263 : i32
      %rem3A_267 = vector.broadcast %select_n3A_266 : i32 to vector<16xi32>
      %rem3A_268 = arith.remsi %add3A_237, %rem3A_267 : vector<16xi32>
      %ne3A_269 = arith.constant 0 : i32
      %ne3A_270 = vector.broadcast %ne3A_269 : i32 to vector<16xi32>
      %ne3A_271 = arith.cmpi ne, %rem3A_268, %ne3A_270 : vector<16xi32>
      %lt3A_272 = arith.constant 0 : i32
      %lt3A_273 = vector.broadcast %lt3A_272 : i32 to vector<16xi32>
      %lt3A_274 = arith.cmpi slt, %rem3A_268, %lt3A_273 : vector<16xi32>
      %lt3A_275 = arith.constant 0 : i32
      %lt3A_276 = arith.cmpi slt, %select_n3A_266, %lt3A_275 : i32
      %ne3A_277 = vector.broadcast %lt3A_276 : i1 to vector<16xi1>
      %ne3A_278 = vector.broadcast %ne3A_277 : vector<16xi1> to vector<16xi1>
      %ne3A_279 = arith.xori %lt3A_274, %ne3A_278 : vector<16xi1>
      %and3A_280 = arith.andi %ne3A_279, %ne3A_271 : vector<16xi1>
      %add3A_281 = vector.broadcast %select_n3A_266 : i32 to vector<16xi32>
      %add3A_282 = arith.addi %rem3A_268, %add3A_281 : vector<16xi32>
      %select_n3A_283 = arith.select %and3A_280, %add3A_282, %rem3A_268 : vector<16xi1>, vector<16xi32>
      %gather3A = tpu.vector_load_idx %arg7[%select_n3A, %select_n3A_283] masked %lt3A_239 : memref<125x40xi32, #tpu.memory_space<vmem>>[vector<16xi32>, vector<16xi32>], vector<16xi32>, vector<16xi1>
      %broadcast_in_dim3A_284 = arith.constant 0 : i32
      %broadcast_in_dim3A_285 = vector.broadcast %broadcast_in_dim3A_284 : i32 to vector<16xi32>
      tpu.vector_store_idx %arg9[%broadcast_in_dim3A_285, %gather3A], %broadcast_in_dim3A_1 masked %lt3A_239 {add = true} : memref<1x10240xf32, #tpu.memory_space<vmem>>[vector<16xi32>, vector<16xi32>], vector<16xf32>, vector<16xi1>
    }
    %scan3A_118 = arith.constant 313 : i32
    %mul3A_119 = arith.constant 4 : i32
    %mul3A_120 = arith.muli %add3A, %mul3A_119 : i32
    %add3A_121 = arith.constant 2 : i32
    %add3A_122 = arith.addi %mul3A_120, %add3A_121 : i32
    "tpu.region"() ({
      %run_scoped3A = tpu.sem_alloc : memref<!tpu.dma_semaphore, #tpu.memory_space<semaphore_mem>>
      %dma_start3A_229 = arith.constant 0 : i32
      %dma_start3A_230 = arith.constant 0 : i32
      %dma_start3A_231 = tpu.memref_slice %arg3[%add3A_122, %dma_start3A_229, %dma_start3A_230] : memref<128x125x40xi32, #tpu.memory_space<hbm>> -> memref<1x125x40xi32, #tpu.memory_space<hbm>>
      %dma_start3A_232 = tpu.memref_squeeze %dma_start3A_231 : memref<1x125x40xi32, #tpu.memory_space<hbm>> -> memref<125x40xi32, #tpu.memory_space<hbm>>
      %dma_start3A_233 = arith.constant 0 : i32
      %dma_start3A_234 = arith.constant 0 : i32
      %dma_start3A_235 = tpu.memref_slice %arg3[%add3A_122, %dma_start3A_233, %dma_start3A_234] : memref<128x125x40xi32, #tpu.memory_space<hbm>> -> memref<1x125x40xi32, #tpu.memory_space<hbm>>
      %dma_start3A_236 = tpu.memref_squeeze %dma_start3A_235 : memref<1x125x40xi32, #tpu.memory_space<hbm>> -> memref<125x40xi32, #tpu.memory_space<hbm>>
      tpu.enqueue_dma source(%dma_start3A_236 : memref<125x40xi32, #tpu.memory_space<hbm>>) target(%arg7 : memref<125x40xi32, #tpu.memory_space<vmem>>) target_semaphore(%run_scoped3A : memref<!tpu.dma_semaphore, #tpu.memory_space<semaphore_mem>>)
      %dma_wait3A = arith.constant 0 : i32
      %dma_wait3A_237 = arith.constant 0 : i32
      %dma_wait3A_238 = tpu.memref_slice %arg3[%add3A_122, %dma_wait3A, %dma_wait3A_237] : memref<128x125x40xi32, #tpu.memory_space<hbm>> -> memref<1x125x40xi32, #tpu.memory_space<hbm>>
      %dma_wait3A_239 = tpu.memref_squeeze %dma_wait3A_238 : memref<1x125x40xi32, #tpu.memory_space<hbm>> -> memref<125x40xi32, #tpu.memory_space<hbm>>
      %dma_wait3A_240 = arith.constant 0 : i32
      %dma_wait3A_241 = arith.constant 0 : i32
      %dma_wait3A_242 = tpu.memref_slice %arg3[%add3A_122, %dma_wait3A_240, %dma_wait3A_241] : memref<128x125x40xi32, #tpu.memory_space<hbm>> -> memref<1x125x40xi32, #tpu.memory_space<hbm>>
      %dma_wait3A_243 = tpu.memref_squeeze %dma_wait3A_242 : memref<1x125x40xi32, #tpu.memory_space<hbm>> -> memref<125x40xi32, #tpu.memory_space<hbm>>
      tpu.wait_dma2 semaphore(%run_scoped3A : memref<!tpu.dma_semaphore, #tpu.memory_space<semaphore_mem>>) src(%dma_wait3A_243 : memref<125x40xi32, #tpu.memory_space<hbm>>) dst(%arg7 : memref<125x40xi32, #tpu.memory_space<vmem>>)
      tpu.yield
    }) : () -> ()
    %mul3A_123 = arith.constant 500 : i32
    %mul3A_124 = arith.muli %arg1, %mul3A_123 : i32
    %add3A_125 = arith.constant 250 : i32
    %add3A_126 = arith.addi %mul3A_124, %add3A_125 : i32
    %mul3A_127 = arith.constant 40 : i32
    %mul3A_128 = arith.muli %add3A_126, %mul3A_127 : i32
    %dma_start3A_129 = arith.constant 0 : i32
    %dma_start3A_130 = arith.constant 0 : i32
    %dma_start3A_131 = arith.constant 0 : i32
    %dma_start3A_132 = tpu.memref_slice %arg8[%dma_start3A_129, %dma_start3A_130, %dma_start3A_131] : memref<2x40x128xf32, #tpu.memory_space<vmem>> -> memref<1x40x128xf32, #tpu.memory_space<vmem>>
    %dma_start3A_133 = tpu.memref_squeeze %dma_start3A_132 : memref<1x40x128xf32, #tpu.memory_space<vmem>> -> memref<40x128xf32, #tpu.memory_space<vmem>>
    %dma_start3A_134 = arith.constant 0 : i32
    %dma_start3A_135 = tpu.memref_slice %arg2[%mul3A_128, %dma_start3A_134] : memref<320000x128xf32, #tpu.memory_space<hbm>> -> memref<40x128xf32, #tpu.memory_space<hbm>>
    %dma_start3A_136 = arith.constant 0 : i32
    %dma_start3A_137 = arith.constant 0 : i32
    %dma_start3A_138 = tpu.memref_slice %arg8[%dma_start3A_129, %dma_start3A_136, %dma_start3A_137] : memref<2x40x128xf32, #tpu.memory_space<vmem>> -> memref<1x40x128xf32, #tpu.memory_space<vmem>>
    %dma_start3A_139 = tpu.memref_squeeze %dma_start3A_138 : memref<1x40x128xf32, #tpu.memory_space<vmem>> -> memref<40x128xf32, #tpu.memory_space<vmem>>
    %dma_start3A_140 = arith.constant 0 : i32
    %dma_start3A_141 = tpu.memref_slice %arg2[%mul3A_128, %dma_start3A_140] : memref<320000x128xf32, #tpu.memory_space<hbm>> -> memref<40x128xf32, #tpu.memory_space<hbm>>
    tpu.enqueue_dma source(%dma_start3A_141 : memref<40x128xf32, #tpu.memory_space<hbm>>) target(%dma_start3A_139 : memref<40x128xf32, #tpu.memory_space<vmem>>) target_semaphore(%arg10 : memref<!tpu.dma_semaphore, #tpu.memory_space<semaphore_mem>>)
    %mul3A_142 = arith.constant 500 : i32
    %mul3A_143 = arith.muli %arg1, %mul3A_142 : i32
    %add3A_144 = arith.constant 251 : i32
    %add3A_145 = arith.addi %mul3A_143, %add3A_144 : i32
    %mul3A_146 = arith.constant 40 : i32
    %mul3A_147 = arith.muli %add3A_145, %mul3A_146 : i32
    %dma_start3A_148 = arith.constant 1 : i32
    %dma_start3A_149 = arith.constant 0 : i32
    %dma_start3A_150 = arith.constant 0 : i32
    %dma_start3A_151 = tpu.memref_slice %arg8[%dma_start3A_148, %dma_start3A_149, %dma_start3A_150] : memref<2x40x128xf32, #tpu.memory_space<vmem>> -> memref<1x40x128xf32, #tpu.memory_space<vmem>>
    %dma_start3A_152 = tpu.memref_squeeze %dma_start3A_151 : memref<1x40x128xf32, #tpu.memory_space<vmem>> -> memref<40x128xf32, #tpu.memory_space<vmem>>
    %dma_start3A_153 = arith.constant 0 : i32
    %dma_start3A_154 = tpu.memref_slice %arg2[%mul3A_147, %dma_start3A_153] : memref<320000x128xf32, #tpu.memory_space<hbm>> -> memref<40x128xf32, #tpu.memory_space<hbm>>
    %dma_start3A_155 = arith.constant 0 : i32
    %dma_start3A_156 = arith.constant 0 : i32
    %dma_start3A_157 = tpu.memref_slice %arg8[%dma_start3A_148, %dma_start3A_155, %dma_start3A_156] : memref<2x40x128xf32, #tpu.memory_space<vmem>> -> memref<1x40x128xf32, #tpu.memory_space<vmem>>
    %dma_start3A_158 = tpu.memref_squeeze %dma_start3A_157 : memref<1x40x128xf32, #tpu.memory_space<vmem>> -> memref<40x128xf32, #tpu.memory_space<vmem>>
    %dma_start3A_159 = arith.constant 0 : i32
    %dma_start3A_160 = tpu.memref_slice %arg2[%mul3A_147, %dma_start3A_159] : memref<320000x128xf32, #tpu.memory_space<hbm>> -> memref<40x128xf32, #tpu.memory_space<hbm>>
    tpu.enqueue_dma source(%dma_start3A_160 : memref<40x128xf32, #tpu.memory_space<hbm>>) target(%dma_start3A_158 : memref<40x128xf32, #tpu.memory_space<vmem>>) target_semaphore(%arg11 : memref<!tpu.dma_semaphore, #tpu.memory_space<semaphore_mem>>)
    %scan3A_161 = arith.constant 0 : i32
    %scan3A_162 = arith.constant 63 : i32
    %scan3A_163 = arith.addi %scan3A_161, %scan3A_162 : i32
    %scan3A_164 = arith.constant 1 : i32
    scf.for %scan3A_229 = %scan3A_161 to %scan3A_163 step %scan3A_164  : i32 {
      %mul3A_230 = arith.constant 1 : i32
      %mul3A_231 = arith.muli %scan3A_229, %mul3A_230 : i32
      %add3A_232 = arith.constant 0 : i32
      %add3A_233 = arith.addi %add3A_232, %mul3A_231 : i32
      %dma_wait3A = arith.constant 0 : i32
      %dma_wait3A_234 = arith.constant 0 : i32
      %dma_wait3A_235 = arith.constant 0 : i32
      %dma_wait3A_236 = tpu.memref_slice %arg8[%dma_wait3A, %dma_wait3A_234, %dma_wait3A_235] : memref<2x40x128xf32, #tpu.memory_space<vmem>> -> memref<1x40x128xf32, #tpu.memory_space<vmem>>
      %dma_wait3A_237 = tpu.memref_squeeze %dma_wait3A_236 : memref<1x40x128xf32, #tpu.memory_space<vmem>> -> memref<40x128xf32, #tpu.memory_space<vmem>>
      %dma_wait3A_238 = arith.constant 0 : i32
      %dma_wait3A_239 = arith.constant 0 : i32
      %dma_wait3A_240 = tpu.memref_slice %arg2[%dma_wait3A_238, %dma_wait3A_239] : memref<320000x128xf32, #tpu.memory_space<hbm>> -> memref<40x128xf32, #tpu.memory_space<hbm>>
      %dma_wait3A_241 = arith.constant 0 : i32
      %dma_wait3A_242 = arith.constant 0 : i32
      %dma_wait3A_243 = tpu.memref_slice %arg8[%dma_wait3A, %dma_wait3A_241, %dma_wait3A_242] : memref<2x40x128xf32, #tpu.memory_space<vmem>> -> memref<1x40x128xf32, #tpu.memory_space<vmem>>
      %dma_wait3A_244 = tpu.memref_squeeze %dma_wait3A_243 : memref<1x40x128xf32, #tpu.memory_space<vmem>> -> memref<40x128xf32, #tpu.memory_space<vmem>>
      %dma_wait3A_245 = arith.constant 0 : i32
      %dma_wait3A_246 = arith.constant 0 : i32
      %dma_wait3A_247 = tpu.memref_slice %arg2[%dma_wait3A_245, %dma_wait3A_246] : memref<320000x128xf32, #tpu.memory_space<hbm>> -> memref<40x128xf32, #tpu.memory_space<hbm>>
      tpu.wait_dma2 semaphore(%arg10 : memref<!tpu.dma_semaphore, #tpu.memory_space<semaphore_mem>>) src(%dma_wait3A_247 : memref<40x128xf32, #tpu.memory_space<hbm>>) dst(%dma_wait3A_244 : memref<40x128xf32, #tpu.memory_space<vmem>>)
      %mul3A_248 = arith.constant 2 : i32
      %mul3A_249 = arith.muli %mul3A_248, %add3A_233 : i32
      %run_scoped3A = arith.constant 0 : i32
      "tpu.region"() ({
        %run_scoped3A_265 = tpu.sem_alloc : memref<!tpu.dma_semaphore, #tpu.memory_space<semaphore_mem>>
        %dma_start3A_266 = arith.constant 0 : i32
        %dma_start3A_267 = arith.constant 0 : i32
        %dma_start3A_268 = tpu.memref_slice %arg8[%run_scoped3A, %dma_start3A_266, %dma_start3A_267] : memref<2x40x128xf32, #tpu.memory_space<vmem>> -> memref<1x40x128xf32, #tpu.memory_space<vmem>>
        %dma_start3A_269 = tpu.memref_squeeze %dma_start3A_268 : memref<1x40x128xf32, #tpu.memory_space<vmem>> -> memref<40x128xf32, #tpu.memory_space<vmem>>
        %dma_start3A_270 = arith.constant 0 : i32
        %dma_start3A_271 = tpu.memref_slice %arg7[%mul3A_249, %dma_start3A_270] : memref<125x40xi32, #tpu.memory_space<vmem>> -> memref<1x40xi32, #tpu.memory_space<vmem>>
        %dma_start3A_272 = tpu.memref_squeeze %dma_start3A_271 : memref<1x40xi32, #tpu.memory_space<vmem>> -> memref<40xi32, #tpu.memory_space<vmem>>
        %dma_start3A_273 = arith.constant 0 : i32
        %dma_start3A_274 = arith.constant 0 : i32
        %dma_start3A_275 = tpu.memref_slice %arg6[%dma_start3A_273, %dma_start3A_274] : memref<10240x128xf32, #tpu.memory_space<vmem_shared>> -> memref<10240x128xf32, #tpu.memory_space<vmem_shared>>
        tpu.enqueue_indirect_dma source(%dma_start3A_269 : memref<40x128xf32, #tpu.memory_space<vmem>>) target(%dma_start3A_275 : memref<10240x128xf32, #tpu.memory_space<vmem_shared>>) offsets(%dma_start3A_272 : memref<40xi32, #tpu.memory_space<vmem>>) semaphore(%run_scoped3A_265 : memref<!tpu.dma_semaphore, #tpu.memory_space<semaphore_mem>>) {add = true}
        %dma_wait3A_276 = arith.constant 0 : i32
        %dma_wait3A_277 = arith.constant 0 : i32
        %dma_wait3A_278 = tpu.memref_slice %arg8[%run_scoped3A, %dma_wait3A_276, %dma_wait3A_277] : memref<2x40x128xf32, #tpu.memory_space<vmem>> -> memref<1x40x128xf32, #tpu.memory_space<vmem>>
        %dma_wait3A_279 = tpu.memref_squeeze %dma_wait3A_278 : memref<1x40x128xf32, #tpu.memory_space<vmem>> -> memref<40x128xf32, #tpu.memory_space<vmem>>
        %dma_wait3A_280 = arith.constant 0 : i32
        %dma_wait3A_281 = tpu.memref_slice %arg7[%mul3A_249, %dma_wait3A_280] : memref<125x40xi32, #tpu.memory_space<vmem>> -> memref<1x40xi32, #tpu.memory_space<vmem>>
        %dma_wait3A_282 = tpu.memref_squeeze %dma_wait3A_281 : memref<1x40xi32, #tpu.memory_space<vmem>> -> memref<40xi32, #tpu.memory_space<vmem>>
        %dma_wait3A_283 = arith.constant 0 : i32
        %dma_wait3A_284 = arith.constant 0 : i32
        %dma_wait3A_285 = tpu.memref_slice %arg6[%dma_wait3A_283, %dma_wait3A_284] : memref<10240x128xf32, #tpu.memory_space<vmem_shared>> -> memref<10240x128xf32, #tpu.memory_space<vmem_shared>>
        tpu.wait_indirect_dma semaphore(%run_scoped3A_265 : memref<!tpu.dma_semaphore, #tpu.memory_space<semaphore_mem>>) src(%dma_wait3A_279 : memref<40x128xf32, #tpu.memory_space<vmem>>) dst(%dma_wait3A_285 : memref<10240x128xf32, #tpu.memory_space<vmem_shared>>)
        tpu.yield
      }) : () -> ()
      %mul3A_250 = arith.constant 2 : i32
      %mul3A_251 = arith.muli %mul3A_250, %add3A_233 : i32
      %add3A_252 = arith.constant 2 : i32
      %add3A_253 = arith.addi %mul3A_251, %add3A_252 : i32
      %lt3A = arith.constant 125 : i32
      %lt3A_254 = arith.cmpi slt, %add3A_253, %lt3A : i32
      %convert_element_type3A = arith.extui %lt3A_254 : i1 to i32
      %cond3A = arith.constant 0 : i32
      %cond3A_255 = arith.cmpi ne, %convert_element_type3A, %cond3A : i32
      scf.if %cond3A_255 {
        %mul3A_265 = arith.constant 2 : i32
        %mul3A_266 = arith.muli %mul3A_265, %add3A_233 : i32
        %add3A_267 = arith.constant 250 : i32
        %add3A_268 = arith.addi %add3A_267, %mul3A_266 : i32
        %add3A_269 = arith.constant 2 : i32
        %add3A_270 = arith.addi %add3A_268, %add3A_269 : i32
        %mul3A_271 = arith.constant 500 : i32
        %mul3A_272 = arith.muli %arg1, %mul3A_271 : i32
        %add3A_273 = arith.addi %mul3A_272, %add3A_270 : i32
        %mul3A_274 = arith.constant 40 : i32
        %mul3A_275 = arith.muli %add3A_273, %mul3A_274 : i32
        %dma_start3A_276 = arith.constant 0 : i32
        %dma_start3A_277 = arith.constant 0 : i32
        %dma_start3A_278 = arith.constant 0 : i32
        %dma_start3A_279 = tpu.memref_slice %arg8[%dma_start3A_276, %dma_start3A_277, %dma_start3A_278] : memref<2x40x128xf32, #tpu.memory_space<vmem>> -> memref<1x40x128xf32, #tpu.memory_space<vmem>>
        %dma_start3A_280 = tpu.memref_squeeze %dma_start3A_279 : memref<1x40x128xf32, #tpu.memory_space<vmem>> -> memref<40x128xf32, #tpu.memory_space<vmem>>
        %dma_start3A_281 = arith.constant 0 : i32
        %dma_start3A_282 = tpu.memref_slice %arg2[%mul3A_275, %dma_start3A_281] : memref<320000x128xf32, #tpu.memory_space<hbm>> -> memref<40x128xf32, #tpu.memory_space<hbm>>
        %dma_start3A_283 = arith.constant 0 : i32
        %dma_start3A_284 = arith.constant 0 : i32
        %dma_start3A_285 = tpu.memref_slice %arg8[%dma_start3A_276, %dma_start3A_283, %dma_start3A_284] : memref<2x40x128xf32, #tpu.memory_space<vmem>> -> memref<1x40x128xf32, #tpu.memory_space<vmem>>
        %dma_start3A_286 = tpu.memref_squeeze %dma_start3A_285 : memref<1x40x128xf32, #tpu.memory_space<vmem>> -> memref<40x128xf32, #tpu.memory_space<vmem>>
        %dma_start3A_287 = arith.constant 0 : i32
        %dma_start3A_288 = tpu.memref_slice %arg2[%mul3A_275, %dma_start3A_287] : memref<320000x128xf32, #tpu.memory_space<hbm>> -> memref<40x128xf32, #tpu.memory_space<hbm>>
        tpu.enqueue_dma source(%dma_start3A_288 : memref<40x128xf32, #tpu.memory_space<hbm>>) target(%dma_start3A_286 : memref<40x128xf32, #tpu.memory_space<vmem>>) target_semaphore(%arg10 : memref<!tpu.dma_semaphore, #tpu.memory_space<semaphore_mem>>)
      } else {
      }
      %mul3A_256 = arith.constant 2 : i32
      %mul3A_257 = arith.muli %mul3A_256, %add3A_233 : i32
      %add3A_258 = arith.constant 1 : i32
      %add3A_259 = arith.addi %mul3A_257, %add3A_258 : i32
      %lt3A_260 = arith.constant 125 : i32
      %lt3A_261 = arith.cmpi slt, %add3A_259, %lt3A_260 : i32
      %convert_element_type3A_262 = arith.extui %lt3A_261 : i1 to i32
      %cond3A_263 = arith.constant 0 : i32
      %cond3A_264 = arith.cmpi ne, %convert_element_type3A_262, %cond3A_263 : i32
      scf.if %cond3A_264 {
        %dma_wait3A_265 = arith.constant 1 : i32
        %dma_wait3A_266 = arith.constant 0 : i32
        %dma_wait3A_267 = arith.constant 0 : i32
        %dma_wait3A_268 = tpu.memref_slice %arg8[%dma_wait3A_265, %dma_wait3A_266, %dma_wait3A_267] : memref<2x40x128xf32, #tpu.memory_space<vmem>> -> memref<1x40x128xf32, #tpu.memory_space<vmem>>
        %dma_wait3A_269 = tpu.memref_squeeze %dma_wait3A_268 : memref<1x40x128xf32, #tpu.memory_space<vmem>> -> memref<40x128xf32, #tpu.memory_space<vmem>>
        %dma_wait3A_270 = arith.constant 0 : i32
        %dma_wait3A_271 = arith.constant 0 : i32
        %dma_wait3A_272 = tpu.memref_slice %arg2[%dma_wait3A_270, %dma_wait3A_271] : memref<320000x128xf32, #tpu.memory_space<hbm>> -> memref<40x128xf32, #tpu.memory_space<hbm>>
        %dma_wait3A_273 = arith.constant 0 : i32
        %dma_wait3A_274 = arith.constant 0 : i32
        %dma_wait3A_275 = tpu.memref_slice %arg8[%dma_wait3A_265, %dma_wait3A_273, %dma_wait3A_274] : memref<2x40x128xf32, #tpu.memory_space<vmem>> -> memref<1x40x128xf32, #tpu.memory_space<vmem>>
        %dma_wait3A_276 = tpu.memref_squeeze %dma_wait3A_275 : memref<1x40x128xf32, #tpu.memory_space<vmem>> -> memref<40x128xf32, #tpu.memory_space<vmem>>
        %dma_wait3A_277 = arith.constant 0 : i32
        %dma_wait3A_278 = arith.constant 0 : i32
        %dma_wait3A_279 = tpu.memref_slice %arg2[%dma_wait3A_277, %dma_wait3A_278] : memref<320000x128xf32, #tpu.memory_space<hbm>> -> memref<40x128xf32, #tpu.memory_space<hbm>>
        tpu.wait_dma2 semaphore(%arg11 : memref<!tpu.dma_semaphore, #tpu.memory_space<semaphore_mem>>) src(%dma_wait3A_279 : memref<40x128xf32, #tpu.memory_space<hbm>>) dst(%dma_wait3A_276 : memref<40x128xf32, #tpu.memory_space<vmem>>)
        %mul3A_280 = arith.constant 2 : i32
        %mul3A_281 = arith.muli %mul3A_280, %add3A_233 : i32
        %add3A_282 = arith.constant 1 : i32
        %add3A_283 = arith.addi %mul3A_281, %add3A_282 : i32
        %run_scoped3A_284 = arith.constant 1 : i32
        "tpu.region"() ({
          %run_scoped3A_294 = tpu.sem_alloc : memref<!tpu.dma_semaphore, #tpu.memory_space<semaphore_mem>>
          %dma_start3A_295 = arith.constant 0 : i32
          %dma_start3A_296 = arith.constant 0 : i32
          %dma_start3A_297 = tpu.memref_slice %arg8[%run_scoped3A_284, %dma_start3A_295, %dma_start3A_296] : memref<2x40x128xf32, #tpu.memory_space<vmem>> -> memref<1x40x128xf32, #tpu.memory_space<vmem>>
          %dma_start3A_298 = tpu.memref_squeeze %dma_start3A_297 : memref<1x40x128xf32, #tpu.memory_space<vmem>> -> memref<40x128xf32, #tpu.memory_space<vmem>>
          %dma_start3A_299 = arith.constant 0 : i32
          %dma_start3A_300 = tpu.memref_slice %arg7[%add3A_283, %dma_start3A_299] : memref<125x40xi32, #tpu.memory_space<vmem>> -> memref<1x40xi32, #tpu.memory_space<vmem>>
          %dma_start3A_301 = tpu.memref_squeeze %dma_start3A_300 : memref<1x40xi32, #tpu.memory_space<vmem>> -> memref<40xi32, #tpu.memory_space<vmem>>
          %dma_start3A_302 = arith.constant 0 : i32
          %dma_start3A_303 = arith.constant 0 : i32
          %dma_start3A_304 = tpu.memref_slice %arg6[%dma_start3A_302, %dma_start3A_303] : memref<10240x128xf32, #tpu.memory_space<vmem_shared>> -> memref<10240x128xf32, #tpu.memory_space<vmem_shared>>
          tpu.enqueue_indirect_dma source(%dma_start3A_298 : memref<40x128xf32, #tpu.memory_space<vmem>>) target(%dma_start3A_304 : memref<10240x128xf32, #tpu.memory_space<vmem_shared>>) offsets(%dma_start3A_301 : memref<40xi32, #tpu.memory_space<vmem>>) semaphore(%run_scoped3A_294 : memref<!tpu.dma_semaphore, #tpu.memory_space<semaphore_mem>>) {add = true}
          %dma_wait3A_305 = arith.constant 0 : i32
          %dma_wait3A_306 = arith.constant 0 : i32
          %dma_wait3A_307 = tpu.memref_slice %arg8[%run_scoped3A_284, %dma_wait3A_305, %dma_wait3A_306] : memref<2x40x128xf32, #tpu.memory_space<vmem>> -> memref<1x40x128xf32, #tpu.memory_space<vmem>>
          %dma_wait3A_308 = tpu.memref_squeeze %dma_wait3A_307 : memref<1x40x128xf32, #tpu.memory_space<vmem>> -> memref<40x128xf32, #tpu.memory_space<vmem>>
          %dma_wait3A_309 = arith.constant 0 : i32
          %dma_wait3A_310 = tpu.memref_slice %arg7[%add3A_283, %dma_wait3A_309] : memref<125x40xi32, #tpu.memory_space<vmem>> -> memref<1x40xi32, #tpu.memory_space<vmem>>
          %dma_wait3A_311 = tpu.memref_squeeze %dma_wait3A_310 : memref<1x40xi32, #tpu.memory_space<vmem>> -> memref<40xi32, #tpu.memory_space<vmem>>
          %dma_wait3A_312 = arith.constant 0 : i32
          %dma_wait3A_313 = arith.constant 0 : i32
          %dma_wait3A_314 = tpu.memref_slice %arg6[%dma_wait3A_312, %dma_wait3A_313] : memref<10240x128xf32, #tpu.memory_space<vmem_shared>> -> memref<10240x128xf32, #tpu.memory_space<vmem_shared>>
          tpu.wait_indirect_dma semaphore(%run_scoped3A_294 : memref<!tpu.dma_semaphore, #tpu.memory_space<semaphore_mem>>) src(%dma_wait3A_308 : memref<40x128xf32, #tpu.memory_space<vmem>>) dst(%dma_wait3A_314 : memref<10240x128xf32, #tpu.memory_space<vmem_shared>>)
          tpu.yield
        }) : () -> ()
        %mul3A_285 = arith.constant 2 : i32
        %mul3A_286 = arith.muli %mul3A_285, %add3A_233 : i32
        %add3A_287 = arith.constant 3 : i32
        %add3A_288 = arith.addi %mul3A_286, %add3A_287 : i32
        %lt3A_289 = arith.constant 125 : i32
        %lt3A_290 = arith.cmpi slt, %add3A_288, %lt3A_289 : i32
        %convert_element_type3A_291 = arith.extui %lt3A_290 : i1 to i32
        %cond3A_292 = arith.constant 0 : i32
        %cond3A_293 = arith.cmpi ne, %convert_element_type3A_291, %cond3A_292 : i32
        scf.if %cond3A_293 {
          %mul3A_294 = arith.constant 2 : i32
          %mul3A_295 = arith.muli %mul3A_294, %add3A_233 : i32
          %add3A_296 = arith.constant 250 : i32
          %add3A_297 = arith.addi %add3A_296, %mul3A_295 : i32
          %add3A_298 = arith.constant 3 : i32
          %add3A_299 = arith.addi %add3A_297, %add3A_298 : i32
          %mul3A_300 = arith.constant 500 : i32
          %mul3A_301 = arith.muli %arg1, %mul3A_300 : i32
          %add3A_302 = arith.addi %mul3A_301, %add3A_299 : i32
          %mul3A_303 = arith.constant 40 : i32
          %mul3A_304 = arith.muli %add3A_302, %mul3A_303 : i32
          %dma_start3A_305 = arith.constant 1 : i32
          %dma_start3A_306 = arith.constant 0 : i32
          %dma_start3A_307 = arith.constant 0 : i32
          %dma_start3A_308 = tpu.memref_slice %arg8[%dma_start3A_305, %dma_start3A_306, %dma_start3A_307] : memref<2x40x128xf32, #tpu.memory_space<vmem>> -> memref<1x40x128xf32, #tpu.memory_space<vmem>>
          %dma_start3A_309 = tpu.memref_squeeze %dma_start3A_308 : memref<1x40x128xf32, #tpu.memory_space<vmem>> -> memref<40x128xf32, #tpu.memory_space<vmem>>
          %dma_start3A_310 = arith.constant 0 : i32
          %dma_start3A_311 = tpu.memref_slice %arg2[%mul3A_304, %dma_start3A_310] : memref<320000x128xf32, #tpu.memory_space<hbm>> -> memref<40x128xf32, #tpu.memory_space<hbm>>
          %dma_start3A_312 = arith.constant 0 : i32
          %dma_start3A_313 = arith.constant 0 : i32
          %dma_start3A_314 = tpu.memref_slice %arg8[%dma_start3A_305, %dma_start3A_312, %dma_start3A_313] : memref<2x40x128xf32, #tpu.memory_space<vmem>> -> memref<1x40x128xf32, #tpu.memory_space<vmem>>
          %dma_start3A_315 = tpu.memref_squeeze %dma_start3A_314 : memref<1x40x128xf32, #tpu.memory_space<vmem>> -> memref<40x128xf32, #tpu.memory_space<vmem>>
          %dma_start3A_316 = arith.constant 0 : i32
          %dma_start3A_317 = tpu.memref_slice %arg2[%mul3A_304, %dma_start3A_316] : memref<320000x128xf32, #tpu.memory_space<hbm>> -> memref<40x128xf32, #tpu.memory_space<hbm>>
          tpu.enqueue_dma source(%dma_start3A_317 : memref<40x128xf32, #tpu.memory_space<hbm>>) target(%dma_start3A_315 : memref<40x128xf32, #tpu.memory_space<vmem>>) target_semaphore(%arg11 : memref<!tpu.dma_semaphore, #tpu.memory_space<semaphore_mem>>)
        } else {
        }
      } else {
      }
    }
    %scan3A_165 = arith.constant 63 : i32
    %scan3A_166 = arith.constant 0 : i32
    %scan3A_167 = arith.constant 313 : i32
    %scan3A_168 = arith.addi %scan3A_166, %scan3A_167 : i32
    %scan3A_169 = arith.constant 1 : i32
    scf.for %scan3A_229 = %scan3A_166 to %scan3A_168 step %scan3A_169  : i32 {
      %mul3A_230 = arith.constant 1 : i32
      %mul3A_231 = arith.muli %scan3A_229, %mul3A_230 : i32
      %add3A_232 = arith.constant 0 : i32
      %add3A_233 = arith.addi %add3A_232, %mul3A_231 : i32
      %mul3A_234 = arith.constant 16 : i32
      %mul3A_235 = arith.muli %add3A_233, %mul3A_234 : i32
      %add3A_236 = vector.broadcast %mul3A_235 : i32 to vector<16xi32>
      %add3A_237 = arith.addi %add3A_236, %iota3A : vector<16xi32>
      %lt3A = arith.constant 5000 : i32
      %lt3A_238 = vector.broadcast %lt3A : i32 to vector<16xi32>
      %lt3A_239 = arith.cmpi slt, %add3A_237, %lt3A_238 : vector<16xi32>
      %jit3A = arith.constant 40 : i32
      %div3A = vector.broadcast %jit3A : i32 to vector<16xi32>
      %div3A_240 = arith.divsi %add3A_237, %div3A : vector<16xi32>
      %sign3A = arith.constant 0 : i32
      %sign3A_241 = vector.broadcast %sign3A : i32 to vector<16xi32>
      %sign3A_242 = arith.cmpi sgt, %add3A_237, %sign3A_241 : vector<16xi32>
      %sign3A_243 = arith.extui %sign3A_242 : vector<16xi1> to vector<16xi32>
      %sign3A_244 = arith.constant 0 : i32
      %sign3A_245 = vector.broadcast %sign3A_244 : i32 to vector<16xi32>
      %sign3A_246 = arith.cmpi slt, %add3A_237, %sign3A_245 : vector<16xi32>
      %sign3A_247 = arith.extui %sign3A_246 : vector<16xi1> to vector<16xi32>
      %sign3A_248 = arith.subi %sign3A_243, %sign3A_247 : vector<16xi32>
      %sign3A_249 = arith.constant 0 : i32
      %sign3A_250 = arith.cmpi sgt, %jit3A, %sign3A_249 : i32
      %sign3A_251 = arith.extui %sign3A_250 : i1 to i32
      %sign3A_252 = arith.constant 0 : i32
      %sign3A_253 = arith.cmpi slt, %jit3A, %sign3A_252 : i32
      %sign3A_254 = arith.extui %sign3A_253 : i1 to i32
      %sign3A_255 = arith.subi %sign3A_251, %sign3A_254 : i32
      %ne3A = vector.broadcast %sign3A_255 : i32 to vector<16xi32>
      %ne3A_256 = arith.cmpi ne, %sign3A_248, %ne3A : vector<16xi32>
      %rem3A = vector.broadcast %jit3A : i32 to vector<16xi32>
      %rem3A_257 = arith.remsi %add3A_237, %rem3A : vector<16xi32>
      %ne3A_258 = arith.constant 0 : i32
      %ne3A_259 = vector.broadcast %ne3A_258 : i32 to vector<16xi32>
      %ne3A_260 = arith.cmpi ne, %rem3A_257, %ne3A_259 : vector<16xi32>
      %and3A = arith.andi %ne3A_256, %ne3A_260 : vector<16xi1>
      %sub3A = arith.constant 1 : i32
      %sub3A_261 = vector.broadcast %sub3A : i32 to vector<16xi32>
      %sub3A_262 = arith.subi %div3A_240, %sub3A_261 : vector<16xi32>
      %select_n3A = arith.select %and3A, %sub3A_262, %div3A_240 : vector<16xi1>, vector<16xi32>
      %jit3A_263 = arith.constant 40 : i32
      %eq3A = arith.constant 0 : i32
      %eq3A_264 = arith.cmpi eq, %jit3A_263, %eq3A : i32
      %jit3A_265 = arith.constant 1 : i32
      %select_n3A_266 = arith.select %eq3A_264, %jit3A_265, %jit3A_263 : i32
      %rem3A_267 = vector.broadcast %select_n3A_266 : i32 to vector<16xi32>
      %rem3A_268 = arith.remsi %add3A_237, %rem3A_267 : vector<16xi32>
      %ne3A_269 = arith.constant 0 : i32
      %ne3A_270 = vector.broadcast %ne3A_269 : i32 to vector<16xi32>
      %ne3A_271 = arith.cmpi ne, %rem3A_268, %ne3A_270 : vector<16xi32>
      %lt3A_272 = arith.constant 0 : i32
      %lt3A_273 = vector.broadcast %lt3A_272 : i32 to vector<16xi32>
      %lt3A_274 = arith.cmpi slt, %rem3A_268, %lt3A_273 : vector<16xi32>
      %lt3A_275 = arith.constant 0 : i32
      %lt3A_276 = arith.cmpi slt, %select_n3A_266, %lt3A_275 : i32
      %ne3A_277 = vector.broadcast %lt3A_276 : i1 to vector<16xi1>
      %ne3A_278 = vector.broadcast %ne3A_277 : vector<16xi1> to vector<16xi1>
      %ne3A_279 = arith.xori %lt3A_274, %ne3A_278 : vector<16xi1>
      %and3A_280 = arith.andi %ne3A_279, %ne3A_271 : vector<16xi1>
      %add3A_281 = vector.broadcast %select_n3A_266 : i32 to vector<16xi32>
      %add3A_282 = arith.addi %rem3A_268, %add3A_281 : vector<16xi32>
      %select_n3A_283 = arith.select %and3A_280, %add3A_282, %rem3A_268 : vector<16xi1>, vector<16xi32>
      %gather3A = tpu.vector_load_idx %arg7[%select_n3A, %select_n3A_283] masked %lt3A_239 : memref<125x40xi32, #tpu.memory_space<vmem>>[vector<16xi32>, vector<16xi32>], vector<16xi32>, vector<16xi1>
      %broadcast_in_dim3A_284 = arith.constant 0 : i32
      %broadcast_in_dim3A_285 = vector.broadcast %broadcast_in_dim3A_284 : i32 to vector<16xi32>
      tpu.vector_store_idx %arg9[%broadcast_in_dim3A_285, %gather3A], %broadcast_in_dim3A_1 masked %lt3A_239 {add = true} : memref<1x10240xf32, #tpu.memory_space<vmem>>[vector<16xi32>, vector<16xi32>], vector<16xf32>, vector<16xi1>
    }
    %scan3A_170 = arith.constant 313 : i32
    %mul3A_171 = arith.constant 4 : i32
    %mul3A_172 = arith.muli %add3A, %mul3A_171 : i32
    %add3A_173 = arith.constant 3 : i32
    %add3A_174 = arith.addi %mul3A_172, %add3A_173 : i32
    "tpu.region"() ({
      %run_scoped3A = tpu.sem_alloc : memref<!tpu.dma_semaphore, #tpu.memory_space<semaphore_mem>>
      %dma_start3A_229 = arith.constant 0 : i32
      %dma_start3A_230 = arith.constant 0 : i32
      %dma_start3A_231 = tpu.memref_slice %arg3[%add3A_174, %dma_start3A_229, %dma_start3A_230] : memref<128x125x40xi32, #tpu.memory_space<hbm>> -> memref<1x125x40xi32, #tpu.memory_space<hbm>>
      %dma_start3A_232 = tpu.memref_squeeze %dma_start3A_231 : memref<1x125x40xi32, #tpu.memory_space<hbm>> -> memref<125x40xi32, #tpu.memory_space<hbm>>
      %dma_start3A_233 = arith.constant 0 : i32
      %dma_start3A_234 = arith.constant 0 : i32
      %dma_start3A_235 = tpu.memref_slice %arg3[%add3A_174, %dma_start3A_233, %dma_start3A_234] : memref<128x125x40xi32, #tpu.memory_space<hbm>> -> memref<1x125x40xi32, #tpu.memory_space<hbm>>
      %dma_start3A_236 = tpu.memref_squeeze %dma_start3A_235 : memref<1x125x40xi32, #tpu.memory_space<hbm>> -> memref<125x40xi32, #tpu.memory_space<hbm>>
      tpu.enqueue_dma source(%dma_start3A_236 : memref<125x40xi32, #tpu.memory_space<hbm>>) target(%arg7 : memref<125x40xi32, #tpu.memory_space<vmem>>) target_semaphore(%run_scoped3A : memref<!tpu.dma_semaphore, #tpu.memory_space<semaphore_mem>>)
      %dma_wait3A = arith.constant 0 : i32
      %dma_wait3A_237 = arith.constant 0 : i32
      %dma_wait3A_238 = tpu.memref_slice %arg3[%add3A_174, %dma_wait3A, %dma_wait3A_237] : memref<128x125x40xi32, #tpu.memory_space<hbm>> -> memref<1x125x40xi32, #tpu.memory_space<hbm>>
      %dma_wait3A_239 = tpu.memref_squeeze %dma_wait3A_238 : memref<1x125x40xi32, #tpu.memory_space<hbm>> -> memref<125x40xi32, #tpu.memory_space<hbm>>
      %dma_wait3A_240 = arith.constant 0 : i32
      %dma_wait3A_241 = arith.constant 0 : i32
      %dma_wait3A_242 = tpu.memref_slice %arg3[%add3A_174, %dma_wait3A_240, %dma_wait3A_241] : memref<128x125x40xi32, #tpu.memory_space<hbm>> -> memref<1x125x40xi32, #tpu.memory_space<hbm>>
      %dma_wait3A_243 = tpu.memref_squeeze %dma_wait3A_242 : memref<1x125x40xi32, #tpu.memory_space<hbm>> -> memref<125x40xi32, #tpu.memory_space<hbm>>
      tpu.wait_dma2 semaphore(%run_scoped3A : memref<!tpu.dma_semaphore, #tpu.memory_space<semaphore_mem>>) src(%dma_wait3A_243 : memref<125x40xi32, #tpu.memory_space<hbm>>) dst(%arg7 : memref<125x40xi32, #tpu.memory_space<vmem>>)
      tpu.yield
    }) : () -> ()
    %mul3A_175 = arith.constant 500 : i32
    %mul3A_176 = arith.muli %arg1, %mul3A_175 : i32
    %add3A_177 = arith.constant 375 : i32
    %add3A_178 = arith.addi %mul3A_176, %add3A_177 : i32
    %mul3A_179 = arith.constant 40 : i32
    %mul3A_180 = arith.muli %add3A_178, %mul3A_179 : i32
    %dma_start3A_181 = arith.constant 0 : i32
    %dma_start3A_182 = arith.constant 0 : i32
    %dma_start3A_183 = arith.constant 0 : i32
    %dma_start3A_184 = tpu.memref_slice %arg8[%dma_start3A_181, %dma_start3A_182, %dma_start3A_183] : memref<2x40x128xf32, #tpu.memory_space<vmem>> -> memref<1x40x128xf32, #tpu.memory_space<vmem>>
    %dma_start3A_185 = tpu.memref_squeeze %dma_start3A_184 : memref<1x40x128xf32, #tpu.memory_space<vmem>> -> memref<40x128xf32, #tpu.memory_space<vmem>>
    %dma_start3A_186 = arith.constant 0 : i32
    %dma_start3A_187 = tpu.memref_slice %arg2[%mul3A_180, %dma_start3A_186] : memref<320000x128xf32, #tpu.memory_space<hbm>> -> memref<40x128xf32, #tpu.memory_space<hbm>>
    %dma_start3A_188 = arith.constant 0 : i32
    %dma_start3A_189 = arith.constant 0 : i32
    %dma_start3A_190 = tpu.memref_slice %arg8[%dma_start3A_181, %dma_start3A_188, %dma_start3A_189] : memref<2x40x128xf32, #tpu.memory_space<vmem>> -> memref<1x40x128xf32, #tpu.memory_space<vmem>>
    %dma_start3A_191 = tpu.memref_squeeze %dma_start3A_190 : memref<1x40x128xf32, #tpu.memory_space<vmem>> -> memref<40x128xf32, #tpu.memory_space<vmem>>
    %dma_start3A_192 = arith.constant 0 : i32
    %dma_start3A_193 = tpu.memref_slice %arg2[%mul3A_180, %dma_start3A_192] : memref<320000x128xf32, #tpu.memory_space<hbm>> -> memref<40x128xf32, #tpu.memory_space<hbm>>
    tpu.enqueue_dma source(%dma_start3A_193 : memref<40x128xf32, #tpu.memory_space<hbm>>) target(%dma_start3A_191 : memref<40x128xf32, #tpu.memory_space<vmem>>) target_semaphore(%arg10 : memref<!tpu.dma_semaphore, #tpu.memory_space<semaphore_mem>>)
    %mul3A_194 = arith.constant 500 : i32
    %mul3A_195 = arith.muli %arg1, %mul3A_194 : i32
    %add3A_196 = arith.constant 376 : i32
    %add3A_197 = arith.addi %mul3A_195, %add3A_196 : i32
    %mul3A_198 = arith.constant 40 : i32
    %mul3A_199 = arith.muli %add3A_197, %mul3A_198 : i32
    %dma_start3A_200 = arith.constant 1 : i32
    %dma_start3A_201 = arith.constant 0 : i32
    %dma_start3A_202 = arith.constant 0 : i32
    %dma_start3A_203 = tpu.memref_slice %arg8[%dma_start3A_200, %dma_start3A_201, %dma_start3A_202] : memref<2x40x128xf32, #tpu.memory_space<vmem>> -> memref<1x40x128xf32, #tpu.memory_space<vmem>>
    %dma_start3A_204 = tpu.memref_squeeze %dma_start3A_203 : memref<1x40x128xf32, #tpu.memory_space<vmem>> -> memref<40x128xf32, #tpu.memory_space<vmem>>
    %dma_start3A_205 = arith.constant 0 : i32
    %dma_start3A_206 = tpu.memref_slice %arg2[%mul3A_199, %dma_start3A_205] : memref<320000x128xf32, #tpu.memory_space<hbm>> -> memref<40x128xf32, #tpu.memory_space<hbm>>
    %dma_start3A_207 = arith.constant 0 : i32
    %dma_start3A_208 = arith.constant 0 : i32
    %dma_start3A_209 = tpu.memref_slice %arg8[%dma_start3A_200, %dma_start3A_207, %dma_start3A_208] : memref<2x40x128xf32, #tpu.memory_space<vmem>> -> memref<1x40x128xf32, #tpu.memory_space<vmem>>
    %dma_start3A_210 = tpu.memref_squeeze %dma_start3A_209 : memref<1x40x128xf32, #tpu.memory_space<vmem>> -> memref<40x128xf32, #tpu.memory_space<vmem>>
    %dma_start3A_211 = arith.constant 0 : i32
    %dma_start3A_212 = tpu.memref_slice %arg2[%mul3A_199, %dma_start3A_211] : memref<320000x128xf32, #tpu.memory_space<hbm>> -> memref<40x128xf32, #tpu.memory_space<hbm>>
    tpu.enqueue_dma source(%dma_start3A_212 : memref<40x128xf32, #tpu.memory_space<hbm>>) target(%dma_start3A_210 : memref<40x128xf32, #tpu.memory_space<vmem>>) target_semaphore(%arg11 : memref<!tpu.dma_semaphore, #tpu.memory_space<semaphore_mem>>)
    %scan3A_213 = arith.constant 0 : i32
    %scan3A_214 = arith.constant 63 : i32
    %scan3A_215 = arith.addi %scan3A_213, %scan3A_214 : i32
    %scan3A_216 = arith.constant 1 : i32
    scf.for %scan3A_229 = %scan3A_213 to %scan3A_215 step %scan3A_216  : i32 {
      %mul3A_230 = arith.constant 1 : i32
      %mul3A_231 = arith.muli %scan3A_229, %mul3A_230 : i32
      %add3A_232 = arith.constant 0 : i32
      %add3A_233 = arith.addi %add3A_232, %mul3A_231 : i32
      %dma_wait3A = arith.constant 0 : i32
      %dma_wait3A_234 = arith.constant 0 : i32
      %dma_wait3A_235 = arith.constant 0 : i32
      %dma_wait3A_236 = tpu.memref_slice %arg8[%dma_wait3A, %dma_wait3A_234, %dma_wait3A_235] : memref<2x40x128xf32, #tpu.memory_space<vmem>> -> memref<1x40x128xf32, #tpu.memory_space<vmem>>
      %dma_wait3A_237 = tpu.memref_squeeze %dma_wait3A_236 : memref<1x40x128xf32, #tpu.memory_space<vmem>> -> memref<40x128xf32, #tpu.memory_space<vmem>>
      %dma_wait3A_238 = arith.constant 0 : i32
      %dma_wait3A_239 = arith.constant 0 : i32
      %dma_wait3A_240 = tpu.memref_slice %arg2[%dma_wait3A_238, %dma_wait3A_239] : memref<320000x128xf32, #tpu.memory_space<hbm>> -> memref<40x128xf32, #tpu.memory_space<hbm>>
      %dma_wait3A_241 = arith.constant 0 : i32
      %dma_wait3A_242 = arith.constant 0 : i32
      %dma_wait3A_243 = tpu.memref_slice %arg8[%dma_wait3A, %dma_wait3A_241, %dma_wait3A_242] : memref<2x40x128xf32, #tpu.memory_space<vmem>> -> memref<1x40x128xf32, #tpu.memory_space<vmem>>
      %dma_wait3A_244 = tpu.memref_squeeze %dma_wait3A_243 : memref<1x40x128xf32, #tpu.memory_space<vmem>> -> memref<40x128xf32, #tpu.memory_space<vmem>>
      %dma_wait3A_245 = arith.constant 0 : i32
      %dma_wait3A_246 = arith.constant 0 : i32
      %dma_wait3A_247 = tpu.memref_slice %arg2[%dma_wait3A_245, %dma_wait3A_246] : memref<320000x128xf32, #tpu.memory_space<hbm>> -> memref<40x128xf32, #tpu.memory_space<hbm>>
      tpu.wait_dma2 semaphore(%arg10 : memref<!tpu.dma_semaphore, #tpu.memory_space<semaphore_mem>>) src(%dma_wait3A_247 : memref<40x128xf32, #tpu.memory_space<hbm>>) dst(%dma_wait3A_244 : memref<40x128xf32, #tpu.memory_space<vmem>>)
      %mul3A_248 = arith.constant 2 : i32
      %mul3A_249 = arith.muli %mul3A_248, %add3A_233 : i32
      %run_scoped3A = arith.constant 0 : i32
      "tpu.region"() ({
        %run_scoped3A_265 = tpu.sem_alloc : memref<!tpu.dma_semaphore, #tpu.memory_space<semaphore_mem>>
        %dma_start3A_266 = arith.constant 0 : i32
        %dma_start3A_267 = arith.constant 0 : i32
        %dma_start3A_268 = tpu.memref_slice %arg8[%run_scoped3A, %dma_start3A_266, %dma_start3A_267] : memref<2x40x128xf32, #tpu.memory_space<vmem>> -> memref<1x40x128xf32, #tpu.memory_space<vmem>>
        %dma_start3A_269 = tpu.memref_squeeze %dma_start3A_268 : memref<1x40x128xf32, #tpu.memory_space<vmem>> -> memref<40x128xf32, #tpu.memory_space<vmem>>
        %dma_start3A_270 = arith.constant 0 : i32
        %dma_start3A_271 = tpu.memref_slice %arg7[%mul3A_249, %dma_start3A_270] : memref<125x40xi32, #tpu.memory_space<vmem>> -> memref<1x40xi32, #tpu.memory_space<vmem>>
        %dma_start3A_272 = tpu.memref_squeeze %dma_start3A_271 : memref<1x40xi32, #tpu.memory_space<vmem>> -> memref<40xi32, #tpu.memory_space<vmem>>
        %dma_start3A_273 = arith.constant 0 : i32
        %dma_start3A_274 = arith.constant 0 : i32
        %dma_start3A_275 = tpu.memref_slice %arg6[%dma_start3A_273, %dma_start3A_274] : memref<10240x128xf32, #tpu.memory_space<vmem_shared>> -> memref<10240x128xf32, #tpu.memory_space<vmem_shared>>
        tpu.enqueue_indirect_dma source(%dma_start3A_269 : memref<40x128xf32, #tpu.memory_space<vmem>>) target(%dma_start3A_275 : memref<10240x128xf32, #tpu.memory_space<vmem_shared>>) offsets(%dma_start3A_272 : memref<40xi32, #tpu.memory_space<vmem>>) semaphore(%run_scoped3A_265 : memref<!tpu.dma_semaphore, #tpu.memory_space<semaphore_mem>>) {add = true}
        %dma_wait3A_276 = arith.constant 0 : i32
        %dma_wait3A_277 = arith.constant 0 : i32
        %dma_wait3A_278 = tpu.memref_slice %arg8[%run_scoped3A, %dma_wait3A_276, %dma_wait3A_277] : memref<2x40x128xf32, #tpu.memory_space<vmem>> -> memref<1x40x128xf32, #tpu.memory_space<vmem>>
        %dma_wait3A_279 = tpu.memref_squeeze %dma_wait3A_278 : memref<1x40x128xf32, #tpu.memory_space<vmem>> -> memref<40x128xf32, #tpu.memory_space<vmem>>
        %dma_wait3A_280 = arith.constant 0 : i32
        %dma_wait3A_281 = tpu.memref_slice %arg7[%mul3A_249, %dma_wait3A_280] : memref<125x40xi32, #tpu.memory_space<vmem>> -> memref<1x40xi32, #tpu.memory_space<vmem>>
        %dma_wait3A_282 = tpu.memref_squeeze %dma_wait3A_281 : memref<1x40xi32, #tpu.memory_space<vmem>> -> memref<40xi32, #tpu.memory_space<vmem>>
        %dma_wait3A_283 = arith.constant 0 : i32
        %dma_wait3A_284 = arith.constant 0 : i32
        %dma_wait3A_285 = tpu.memref_slice %arg6[%dma_wait3A_283, %dma_wait3A_284] : memref<10240x128xf32, #tpu.memory_space<vmem_shared>> -> memref<10240x128xf32, #tpu.memory_space<vmem_shared>>
        tpu.wait_indirect_dma semaphore(%run_scoped3A_265 : memref<!tpu.dma_semaphore, #tpu.memory_space<semaphore_mem>>) src(%dma_wait3A_279 : memref<40x128xf32, #tpu.memory_space<vmem>>) dst(%dma_wait3A_285 : memref<10240x128xf32, #tpu.memory_space<vmem_shared>>)
        tpu.yield
      }) : () -> ()
      %mul3A_250 = arith.constant 2 : i32
      %mul3A_251 = arith.muli %mul3A_250, %add3A_233 : i32
      %add3A_252 = arith.constant 2 : i32
      %add3A_253 = arith.addi %mul3A_251, %add3A_252 : i32
      %lt3A = arith.constant 125 : i32
      %lt3A_254 = arith.cmpi slt, %add3A_253, %lt3A : i32
      %convert_element_type3A = arith.extui %lt3A_254 : i1 to i32
      %cond3A = arith.constant 0 : i32
      %cond3A_255 = arith.cmpi ne, %convert_element_type3A, %cond3A : i32
      scf.if %cond3A_255 {
        %mul3A_265 = arith.constant 2 : i32
        %mul3A_266 = arith.muli %mul3A_265, %add3A_233 : i32
        %add3A_267 = arith.constant 375 : i32
        %add3A_268 = arith.addi %add3A_267, %mul3A_266 : i32
        %add3A_269 = arith.constant 2 : i32
        %add3A_270 = arith.addi %add3A_268, %add3A_269 : i32
        %mul3A_271 = arith.constant 500 : i32
        %mul3A_272 = arith.muli %arg1, %mul3A_271 : i32
        %add3A_273 = arith.addi %mul3A_272, %add3A_270 : i32
        %mul3A_274 = arith.constant 40 : i32
        %mul3A_275 = arith.muli %add3A_273, %mul3A_274 : i32
        %dma_start3A_276 = arith.constant 0 : i32
        %dma_start3A_277 = arith.constant 0 : i32
        %dma_start3A_278 = arith.constant 0 : i32
        %dma_start3A_279 = tpu.memref_slice %arg8[%dma_start3A_276, %dma_start3A_277, %dma_start3A_278] : memref<2x40x128xf32, #tpu.memory_space<vmem>> -> memref<1x40x128xf32, #tpu.memory_space<vmem>>
        %dma_start3A_280 = tpu.memref_squeeze %dma_start3A_279 : memref<1x40x128xf32, #tpu.memory_space<vmem>> -> memref<40x128xf32, #tpu.memory_space<vmem>>
        %dma_start3A_281 = arith.constant 0 : i32
        %dma_start3A_282 = tpu.memref_slice %arg2[%mul3A_275, %dma_start3A_281] : memref<320000x128xf32, #tpu.memory_space<hbm>> -> memref<40x128xf32, #tpu.memory_space<hbm>>
        %dma_start3A_283 = arith.constant 0 : i32
        %dma_start3A_284 = arith.constant 0 : i32
        %dma_start3A_285 = tpu.memref_slice %arg8[%dma_start3A_276, %dma_start3A_283, %dma_start3A_284] : memref<2x40x128xf32, #tpu.memory_space<vmem>> -> memref<1x40x128xf32, #tpu.memory_space<vmem>>
        %dma_start3A_286 = tpu.memref_squeeze %dma_start3A_285 : memref<1x40x128xf32, #tpu.memory_space<vmem>> -> memref<40x128xf32, #tpu.memory_space<vmem>>
        %dma_start3A_287 = arith.constant 0 : i32
        %dma_start3A_288 = tpu.memref_slice %arg2[%mul3A_275, %dma_start3A_287] : memref<320000x128xf32, #tpu.memory_space<hbm>> -> memref<40x128xf32, #tpu.memory_space<hbm>>
        tpu.enqueue_dma source(%dma_start3A_288 : memref<40x128xf32, #tpu.memory_space<hbm>>) target(%dma_start3A_286 : memref<40x128xf32, #tpu.memory_space<vmem>>) target_semaphore(%arg10 : memref<!tpu.dma_semaphore, #tpu.memory_space<semaphore_mem>>)
      } else {
      }
      %mul3A_256 = arith.constant 2 : i32
      %mul3A_257 = arith.muli %mul3A_256, %add3A_233 : i32
      %add3A_258 = arith.constant 1 : i32
      %add3A_259 = arith.addi %mul3A_257, %add3A_258 : i32
      %lt3A_260 = arith.constant 125 : i32
      %lt3A_261 = arith.cmpi slt, %add3A_259, %lt3A_260 : i32
      %convert_element_type3A_262 = arith.extui %lt3A_261 : i1 to i32
      %cond3A_263 = arith.constant 0 : i32
      %cond3A_264 = arith.cmpi ne, %convert_element_type3A_262, %cond3A_263 : i32
      scf.if %cond3A_264 {
        %dma_wait3A_265 = arith.constant 1 : i32
        %dma_wait3A_266 = arith.constant 0 : i32
        %dma_wait3A_267 = arith.constant 0 : i32
        %dma_wait3A_268 = tpu.memref_slice %arg8[%dma_wait3A_265, %dma_wait3A_266, %dma_wait3A_267] : memref<2x40x128xf32, #tpu.memory_space<vmem>> -> memref<1x40x128xf32, #tpu.memory_space<vmem>>
        %dma_wait3A_269 = tpu.memref_squeeze %dma_wait3A_268 : memref<1x40x128xf32, #tpu.memory_space<vmem>> -> memref<40x128xf32, #tpu.memory_space<vmem>>
        %dma_wait3A_270 = arith.constant 0 : i32
        %dma_wait3A_271 = arith.constant 0 : i32
        %dma_wait3A_272 = tpu.memref_slice %arg2[%dma_wait3A_270, %dma_wait3A_271] : memref<320000x128xf32, #tpu.memory_space<hbm>> -> memref<40x128xf32, #tpu.memory_space<hbm>>
        %dma_wait3A_273 = arith.constant 0 : i32
        %dma_wait3A_274 = arith.constant 0 : i32
        %dma_wait3A_275 = tpu.memref_slice %arg8[%dma_wait3A_265, %dma_wait3A_273, %dma_wait3A_274] : memref<2x40x128xf32, #tpu.memory_space<vmem>> -> memref<1x40x128xf32, #tpu.memory_space<vmem>>
        %dma_wait3A_276 = tpu.memref_squeeze %dma_wait3A_275 : memref<1x40x128xf32, #tpu.memory_space<vmem>> -> memref<40x128xf32, #tpu.memory_space<vmem>>
        %dma_wait3A_277 = arith.constant 0 : i32
        %dma_wait3A_278 = arith.constant 0 : i32
        %dma_wait3A_279 = tpu.memref_slice %arg2[%dma_wait3A_277, %dma_wait3A_278] : memref<320000x128xf32, #tpu.memory_space<hbm>> -> memref<40x128xf32, #tpu.memory_space<hbm>>
        tpu.wait_dma2 semaphore(%arg11 : memref<!tpu.dma_semaphore, #tpu.memory_space<semaphore_mem>>) src(%dma_wait3A_279 : memref<40x128xf32, #tpu.memory_space<hbm>>) dst(%dma_wait3A_276 : memref<40x128xf32, #tpu.memory_space<vmem>>)
        %mul3A_280 = arith.constant 2 : i32
        %mul3A_281 = arith.muli %mul3A_280, %add3A_233 : i32
        %add3A_282 = arith.constant 1 : i32
        %add3A_283 = arith.addi %mul3A_281, %add3A_282 : i32
        %run_scoped3A_284 = arith.constant 1 : i32
        "tpu.region"() ({
          %run_scoped3A_294 = tpu.sem_alloc : memref<!tpu.dma_semaphore, #tpu.memory_space<semaphore_mem>>
          %dma_start3A_295 = arith.constant 0 : i32
          %dma_start3A_296 = arith.constant 0 : i32
          %dma_start3A_297 = tpu.memref_slice %arg8[%run_scoped3A_284, %dma_start3A_295, %dma_start3A_296] : memref<2x40x128xf32, #tpu.memory_space<vmem>> -> memref<1x40x128xf32, #tpu.memory_space<vmem>>
          %dma_start3A_298 = tpu.memref_squeeze %dma_start3A_297 : memref<1x40x128xf32, #tpu.memory_space<vmem>> -> memref<40x128xf32, #tpu.memory_space<vmem>>
          %dma_start3A_299 = arith.constant 0 : i32
          %dma_start3A_300 = tpu.memref_slice %arg7[%add3A_283, %dma_start3A_299] : memref<125x40xi32, #tpu.memory_space<vmem>> -> memref<1x40xi32, #tpu.memory_space<vmem>>
          %dma_start3A_301 = tpu.memref_squeeze %dma_start3A_300 : memref<1x40xi32, #tpu.memory_space<vmem>> -> memref<40xi32, #tpu.memory_space<vmem>>
          %dma_start3A_302 = arith.constant 0 : i32
          %dma_start3A_303 = arith.constant 0 : i32
          %dma_start3A_304 = tpu.memref_slice %arg6[%dma_start3A_302, %dma_start3A_303] : memref<10240x128xf32, #tpu.memory_space<vmem_shared>> -> memref<10240x128xf32, #tpu.memory_space<vmem_shared>>
          tpu.enqueue_indirect_dma source(%dma_start3A_298 : memref<40x128xf32, #tpu.memory_space<vmem>>) target(%dma_start3A_304 : memref<10240x128xf32, #tpu.memory_space<vmem_shared>>) offsets(%dma_start3A_301 : memref<40xi32, #tpu.memory_space<vmem>>) semaphore(%run_scoped3A_294 : memref<!tpu.dma_semaphore, #tpu.memory_space<semaphore_mem>>) {add = true}
          %dma_wait3A_305 = arith.constant 0 : i32
          %dma_wait3A_306 = arith.constant 0 : i32
          %dma_wait3A_307 = tpu.memref_slice %arg8[%run_scoped3A_284, %dma_wait3A_305, %dma_wait3A_306] : memref<2x40x128xf32, #tpu.memory_space<vmem>> -> memref<1x40x128xf32, #tpu.memory_space<vmem>>
          %dma_wait3A_308 = tpu.memref_squeeze %dma_wait3A_307 : memref<1x40x128xf32, #tpu.memory_space<vmem>> -> memref<40x128xf32, #tpu.memory_space<vmem>>
          %dma_wait3A_309 = arith.constant 0 : i32
          %dma_wait3A_310 = tpu.memref_slice %arg7[%add3A_283, %dma_wait3A_309] : memref<125x40xi32, #tpu.memory_space<vmem>> -> memref<1x40xi32, #tpu.memory_space<vmem>>
          %dma_wait3A_311 = tpu.memref_squeeze %dma_wait3A_310 : memref<1x40xi32, #tpu.memory_space<vmem>> -> memref<40xi32, #tpu.memory_space<vmem>>
          %dma_wait3A_312 = arith.constant 0 : i32
          %dma_wait3A_313 = arith.constant 0 : i32
          %dma_wait3A_314 = tpu.memref_slice %arg6[%dma_wait3A_312, %dma_wait3A_313] : memref<10240x128xf32, #tpu.memory_space<vmem_shared>> -> memref<10240x128xf32, #tpu.memory_space<vmem_shared>>
          tpu.wait_indirect_dma semaphore(%run_scoped3A_294 : memref<!tpu.dma_semaphore, #tpu.memory_space<semaphore_mem>>) src(%dma_wait3A_308 : memref<40x128xf32, #tpu.memory_space<vmem>>) dst(%dma_wait3A_314 : memref<10240x128xf32, #tpu.memory_space<vmem_shared>>)
          tpu.yield
        }) : () -> ()
        %mul3A_285 = arith.constant 2 : i32
        %mul3A_286 = arith.muli %mul3A_285, %add3A_233 : i32
        %add3A_287 = arith.constant 3 : i32
        %add3A_288 = arith.addi %mul3A_286, %add3A_287 : i32
        %lt3A_289 = arith.constant 125 : i32
        %lt3A_290 = arith.cmpi slt, %add3A_288, %lt3A_289 : i32
        %convert_element_type3A_291 = arith.extui %lt3A_290 : i1 to i32
        %cond3A_292 = arith.constant 0 : i32
        %cond3A_293 = arith.cmpi ne, %convert_element_type3A_291, %cond3A_292 : i32
        scf.if %cond3A_293 {
          %mul3A_294 = arith.constant 2 : i32
          %mul3A_295 = arith.muli %mul3A_294, %add3A_233 : i32
          %add3A_296 = arith.constant 375 : i32
          %add3A_297 = arith.addi %add3A_296, %mul3A_295 : i32
          %add3A_298 = arith.constant 3 : i32
          %add3A_299 = arith.addi %add3A_297, %add3A_298 : i32
          %mul3A_300 = arith.constant 500 : i32
          %mul3A_301 = arith.muli %arg1, %mul3A_300 : i32
          %add3A_302 = arith.addi %mul3A_301, %add3A_299 : i32
          %mul3A_303 = arith.constant 40 : i32
          %mul3A_304 = arith.muli %add3A_302, %mul3A_303 : i32
          %dma_start3A_305 = arith.constant 1 : i32
          %dma_start3A_306 = arith.constant 0 : i32
          %dma_start3A_307 = arith.constant 0 : i32
          %dma_start3A_308 = tpu.memref_slice %arg8[%dma_start3A_305, %dma_start3A_306, %dma_start3A_307] : memref<2x40x128xf32, #tpu.memory_space<vmem>> -> memref<1x40x128xf32, #tpu.memory_space<vmem>>
          %dma_start3A_309 = tpu.memref_squeeze %dma_start3A_308 : memref<1x40x128xf32, #tpu.memory_space<vmem>> -> memref<40x128xf32, #tpu.memory_space<vmem>>
          %dma_start3A_310 = arith.constant 0 : i32
          %dma_start3A_311 = tpu.memref_slice %arg2[%mul3A_304, %dma_start3A_310] : memref<320000x128xf32, #tpu.memory_space<hbm>> -> memref<40x128xf32, #tpu.memory_space<hbm>>
          %dma_start3A_312 = arith.constant 0 : i32
          %dma_start3A_313 = arith.constant 0 : i32
          %dma_start3A_314 = tpu.memref_slice %arg8[%dma_start3A_305, %dma_start3A_312, %dma_start3A_313] : memref<2x40x128xf32, #tpu.memory_space<vmem>> -> memref<1x40x128xf32, #tpu.memory_space<vmem>>
          %dma_start3A_315 = tpu.memref_squeeze %dma_start3A_314 : memref<1x40x128xf32, #tpu.memory_space<vmem>> -> memref<40x128xf32, #tpu.memory_space<vmem>>
          %dma_start3A_316 = arith.constant 0 : i32
          %dma_start3A_317 = tpu.memref_slice %arg2[%mul3A_304, %dma_start3A_316] : memref<320000x128xf32, #tpu.memory_space<hbm>> -> memref<40x128xf32, #tpu.memory_space<hbm>>
          tpu.enqueue_dma source(%dma_start3A_317 : memref<40x128xf32, #tpu.memory_space<hbm>>) target(%dma_start3A_315 : memref<40x128xf32, #tpu.memory_space<vmem>>) target_semaphore(%arg11 : memref<!tpu.dma_semaphore, #tpu.memory_space<semaphore_mem>>)
        } else {
        }
      } else {
      }
    }
    %scan3A_217 = arith.constant 63 : i32
    %scan3A_218 = arith.constant 0 : i32
    %scan3A_219 = arith.constant 313 : i32
    %scan3A_220 = arith.addi %scan3A_218, %scan3A_219 : i32
    %scan3A_221 = arith.constant 1 : i32
    scf.for %scan3A_229 = %scan3A_218 to %scan3A_220 step %scan3A_221  : i32 {
      %mul3A_230 = arith.constant 1 : i32
      %mul3A_231 = arith.muli %scan3A_229, %mul3A_230 : i32
      %add3A_232 = arith.constant 0 : i32
      %add3A_233 = arith.addi %add3A_232, %mul3A_231 : i32
      %mul3A_234 = arith.constant 16 : i32
      %mul3A_235 = arith.muli %add3A_233, %mul3A_234 : i32
      %add3A_236 = vector.broadcast %mul3A_235 : i32 to vector<16xi32>
      %add3A_237 = arith.addi %add3A_236, %iota3A : vector<16xi32>
      %lt3A = arith.constant 5000 : i32
      %lt3A_238 = vector.broadcast %lt3A : i32 to vector<16xi32>
      %lt3A_239 = arith.cmpi slt, %add3A_237, %lt3A_238 : vector<16xi32>
      %jit3A = arith.constant 40 : i32
      %div3A = vector.broadcast %jit3A : i32 to vector<16xi32>
      %div3A_240 = arith.divsi %add3A_237, %div3A : vector<16xi32>
      %sign3A = arith.constant 0 : i32
      %sign3A_241 = vector.broadcast %sign3A : i32 to vector<16xi32>
      %sign3A_242 = arith.cmpi sgt, %add3A_237, %sign3A_241 : vector<16xi32>
      %sign3A_243 = arith.extui %sign3A_242 : vector<16xi1> to vector<16xi32>
      %sign3A_244 = arith.constant 0 : i32
      %sign3A_245 = vector.broadcast %sign3A_244 : i32 to vector<16xi32>
      %sign3A_246 = arith.cmpi slt, %add3A_237, %sign3A_245 : vector<16xi32>
      %sign3A_247 = arith.extui %sign3A_246 : vector<16xi1> to vector<16xi32>
      %sign3A_248 = arith.subi %sign3A_243, %sign3A_247 : vector<16xi32>
      %sign3A_249 = arith.constant 0 : i32
      %sign3A_250 = arith.cmpi sgt, %jit3A, %sign3A_249 : i32
      %sign3A_251 = arith.extui %sign3A_250 : i1 to i32
      %sign3A_252 = arith.constant 0 : i32
      %sign3A_253 = arith.cmpi slt, %jit3A, %sign3A_252 : i32
      %sign3A_254 = arith.extui %sign3A_253 : i1 to i32
      %sign3A_255 = arith.subi %sign3A_251, %sign3A_254 : i32
      %ne3A = vector.broadcast %sign3A_255 : i32 to vector<16xi32>
      %ne3A_256 = arith.cmpi ne, %sign3A_248, %ne3A : vector<16xi32>
      %rem3A = vector.broadcast %jit3A : i32 to vector<16xi32>
      %rem3A_257 = arith.remsi %add3A_237, %rem3A : vector<16xi32>
      %ne3A_258 = arith.constant 0 : i32
      %ne3A_259 = vector.broadcast %ne3A_258 : i32 to vector<16xi32>
      %ne3A_260 = arith.cmpi ne, %rem3A_257, %ne3A_259 : vector<16xi32>
      %and3A = arith.andi %ne3A_256, %ne3A_260 : vector<16xi1>
      %sub3A = arith.constant 1 : i32
      %sub3A_261 = vector.broadcast %sub3A : i32 to vector<16xi32>
      %sub3A_262 = arith.subi %div3A_240, %sub3A_261 : vector<16xi32>
      %select_n3A = arith.select %and3A, %sub3A_262, %div3A_240 : vector<16xi1>, vector<16xi32>
      %jit3A_263 = arith.constant 40 : i32
      %eq3A = arith.constant 0 : i32
      %eq3A_264 = arith.cmpi eq, %jit3A_263, %eq3A : i32
      %jit3A_265 = arith.constant 1 : i32
      %select_n3A_266 = arith.select %eq3A_264, %jit3A_265, %jit3A_263 : i32
      %rem3A_267 = vector.broadcast %select_n3A_266 : i32 to vector<16xi32>
      %rem3A_268 = arith.remsi %add3A_237, %rem3A_267 : vector<16xi32>
      %ne3A_269 = arith.constant 0 : i32
      %ne3A_270 = vector.broadcast %ne3A_269 : i32 to vector<16xi32>
      %ne3A_271 = arith.cmpi ne, %rem3A_268, %ne3A_270 : vector<16xi32>
      %lt3A_272 = arith.constant 0 : i32
      %lt3A_273 = vector.broadcast %lt3A_272 : i32 to vector<16xi32>
      %lt3A_274 = arith.cmpi slt, %rem3A_268, %lt3A_273 : vector<16xi32>
      %lt3A_275 = arith.constant 0 : i32
      %lt3A_276 = arith.cmpi slt, %select_n3A_266, %lt3A_275 : i32
      %ne3A_277 = vector.broadcast %lt3A_276 : i1 to vector<16xi1>
      %ne3A_278 = vector.broadcast %ne3A_277 : vector<16xi1> to vector<16xi1>
      %ne3A_279 = arith.xori %lt3A_274, %ne3A_278 : vector<16xi1>
      %and3A_280 = arith.andi %ne3A_279, %ne3A_271 : vector<16xi1>
      %add3A_281 = vector.broadcast %select_n3A_266 : i32 to vector<16xi32>
      %add3A_282 = arith.addi %rem3A_268, %add3A_281 : vector<16xi32>
      %select_n3A_283 = arith.select %and3A_280, %add3A_282, %rem3A_268 : vector<16xi1>, vector<16xi32>
      %gather3A = tpu.vector_load_idx %arg7[%select_n3A, %select_n3A_283] masked %lt3A_239 : memref<125x40xi32, #tpu.memory_space<vmem>>[vector<16xi32>, vector<16xi32>], vector<16xi32>, vector<16xi1>
      %broadcast_in_dim3A_284 = arith.constant 0 : i32
      %broadcast_in_dim3A_285 = vector.broadcast %broadcast_in_dim3A_284 : i32 to vector<16xi32>
      tpu.vector_store_idx %arg9[%broadcast_in_dim3A_285, %gather3A], %broadcast_in_dim3A_1 masked %lt3A_239 {add = true} : memref<1x10240xf32, #tpu.memory_space<vmem>>[vector<16xi32>, vector<16xi32>], vector<16xf32>, vector<16xi1>
    }
    %scan3A_222 = arith.constant 313 : i32
    %barrier3A_223 = arith.constant 0 : index
    tpu.barrier barrier_id(%barrier3A_223)
    %scan3A_224 = arith.constant 0 : i32
    %scan3A_225 = arith.constant 16 : i32
    %scan3A_226 = arith.addi %scan3A_224, %scan3A_225 : i32
    %scan3A_227 = arith.constant 1 : i32
    scf.for %scan3A_229 = %scan3A_224 to %scan3A_226 step %scan3A_227  : i32 {
      %mul3A_230 = arith.constant 1 : i32
      %mul3A_231 = arith.muli %scan3A_229, %mul3A_230 : i32
      %add3A_232 = arith.constant 0 : i32
      %add3A_233 = arith.addi %add3A_232, %mul3A_231 : i32
      %mul3A_234 = arith.constant 640 : i32
      %mul3A_235 = arith.muli %arg1, %mul3A_234 : i32
      %mul3A_236 = arith.constant 40 : i32
      %mul3A_237 = arith.muli %add3A_233, %mul3A_236 : i32
      %add3A_238 = arith.addi %mul3A_235, %mul3A_237 : i32
      %run_scoped3A = arith.constant 0 : i32
      "tpu.region"() ({
        %run_scoped3A_243 = tpu.sem_alloc : memref<!tpu.dma_semaphore, #tpu.memory_space<semaphore_mem>>
        %dma_start3A_244 = arith.constant 0 : i32
        %dma_start3A_245 = arith.constant 0 : i32
        %dma_start3A_246 = tpu.memref_slice %arg8[%run_scoped3A, %dma_start3A_244, %dma_start3A_245] : memref<2x40x128xf32, #tpu.memory_space<vmem>> -> memref<1x40x128xf32, #tpu.memory_space<vmem>>
        %dma_start3A_247 = tpu.memref_squeeze %dma_start3A_246 : memref<1x40x128xf32, #tpu.memory_space<vmem>> -> memref<40x128xf32, #tpu.memory_space<vmem>>
        %dma_start3A_248 = arith.constant 0 : i32
        %dma_start3A_249 = tpu.memref_slice %arg6[%add3A_238, %dma_start3A_248] : memref<10240x128xf32, #tpu.memory_space<vmem_shared>> -> memref<40x128xf32, #tpu.memory_space<vmem_shared>>
        %dma_start3A_250 = arith.constant 0 : i32
        %dma_start3A_251 = arith.constant 0 : i32
        %dma_start3A_252 = tpu.memref_slice %arg8[%run_scoped3A, %dma_start3A_250, %dma_start3A_251] : memref<2x40x128xf32, #tpu.memory_space<vmem>> -> memref<1x40x128xf32, #tpu.memory_space<vmem>>
        %dma_start3A_253 = tpu.memref_squeeze %dma_start3A_252 : memref<1x40x128xf32, #tpu.memory_space<vmem>> -> memref<40x128xf32, #tpu.memory_space<vmem>>
        %dma_start3A_254 = arith.constant 0 : i32
        %dma_start3A_255 = tpu.memref_slice %arg6[%add3A_238, %dma_start3A_254] : memref<10240x128xf32, #tpu.memory_space<vmem_shared>> -> memref<40x128xf32, #tpu.memory_space<vmem_shared>>
        tpu.enqueue_dma source(%dma_start3A_255 : memref<40x128xf32, #tpu.memory_space<vmem_shared>>) target(%dma_start3A_253 : memref<40x128xf32, #tpu.memory_space<vmem>>) target_semaphore(%run_scoped3A_243 : memref<!tpu.dma_semaphore, #tpu.memory_space<semaphore_mem>>)
        %dma_wait3A = arith.constant 0 : i32
        %dma_wait3A_256 = arith.constant 0 : i32
        %dma_wait3A_257 = tpu.memref_slice %arg8[%run_scoped3A, %dma_wait3A, %dma_wait3A_256] : memref<2x40x128xf32, #tpu.memory_space<vmem>> -> memref<1x40x128xf32, #tpu.memory_space<vmem>>
        %dma_wait3A_258 = tpu.memref_squeeze %dma_wait3A_257 : memref<1x40x128xf32, #tpu.memory_space<vmem>> -> memref<40x128xf32, #tpu.memory_space<vmem>>
        %dma_wait3A_259 = arith.constant 0 : i32
        %dma_wait3A_260 = tpu.memref_slice %arg6[%add3A_238, %dma_wait3A_259] : memref<10240x128xf32, #tpu.memory_space<vmem_shared>> -> memref<40x128xf32, #tpu.memory_space<vmem_shared>>
        %dma_wait3A_261 = arith.constant 0 : i32
        %dma_wait3A_262 = arith.constant 0 : i32
        %dma_wait3A_263 = tpu.memref_slice %arg8[%run_scoped3A, %dma_wait3A_261, %dma_wait3A_262] : memref<2x40x128xf32, #tpu.memory_space<vmem>> -> memref<1x40x128xf32, #tpu.memory_space<vmem>>
        %dma_wait3A_264 = tpu.memref_squeeze %dma_wait3A_263 : memref<1x40x128xf32, #tpu.memory_space<vmem>> -> memref<40x128xf32, #tpu.memory_space<vmem>>
        %dma_wait3A_265 = arith.constant 0 : i32
        %dma_wait3A_266 = tpu.memref_slice %arg6[%add3A_238, %dma_wait3A_265] : memref<10240x128xf32, #tpu.memory_space<vmem_shared>> -> memref<40x128xf32, #tpu.memory_space<vmem_shared>>
        tpu.wait_dma2 semaphore(%run_scoped3A_243 : memref<!tpu.dma_semaphore, #tpu.memory_space<semaphore_mem>>) src(%dma_wait3A_266 : memref<40x128xf32, #tpu.memory_space<vmem_shared>>) dst(%dma_wait3A_264 : memref<40x128xf32, #tpu.memory_space<vmem>>)
        tpu.yield
      }) : () -> ()
      %mul3A_239 = arith.constant 16 : i32
      %mul3A_240 = arith.muli %add3A, %mul3A_239 : i32
      %add3A_241 = arith.addi %mul3A_240, %add3A_233 : i32
      %run_scoped3A_242 = arith.constant 0 : i32
      "tpu.region"() ({
        %run_scoped3A_243 = tpu.sem_alloc : memref<!tpu.dma_semaphore, #tpu.memory_space<semaphore_mem>>
        %dma_start3A_244 = arith.constant 0 : i32
        %dma_start3A_245 = arith.constant 0 : i32
        %dma_start3A_246 = tpu.memref_slice %arg8[%run_scoped3A_242, %dma_start3A_244, %dma_start3A_245] : memref<2x40x128xf32, #tpu.memory_space<vmem>> -> memref<1x40x128xf32, #tpu.memory_space<vmem>>
        %dma_start3A_247 = tpu.memref_squeeze %dma_start3A_246 : memref<1x40x128xf32, #tpu.memory_space<vmem>> -> memref<40x128xf32, #tpu.memory_space<vmem>>
        %dma_start3A_248 = arith.constant 0 : i32
        %dma_start3A_249 = arith.constant 0 : i32
        %dma_start3A_250 = tpu.memref_slice %arg4[%add3A_241, %dma_start3A_248, %dma_start3A_249] : memref<512x40x128xf32, #tpu.memory_space<hbm>> -> memref<1x40x128xf32, #tpu.memory_space<hbm>>
        %dma_start3A_251 = tpu.memref_squeeze %dma_start3A_250 : memref<1x40x128xf32, #tpu.memory_space<hbm>> -> memref<40x128xf32, #tpu.memory_space<hbm>>
        %dma_start3A_252 = arith.constant 0 : i32
        %dma_start3A_253 = arith.constant 0 : i32
        %dma_start3A_254 = tpu.memref_slice %arg4[%add3A_241, %dma_start3A_252, %dma_start3A_253] : memref<512x40x128xf32, #tpu.memory_space<hbm>> -> memref<1x40x128xf32, #tpu.memory_space<hbm>>
        %dma_start3A_255 = tpu.memref_squeeze %dma_start3A_254 : memref<1x40x128xf32, #tpu.memory_space<hbm>> -> memref<40x128xf32, #tpu.memory_space<hbm>>
        %dma_start3A_256 = arith.constant 0 : i32
        %dma_start3A_257 = arith.constant 0 : i32
        %dma_start3A_258 = tpu.memref_slice %arg8[%run_scoped3A_242, %dma_start3A_256, %dma_start3A_257] : memref<2x40x128xf32, #tpu.memory_space<vmem>> -> memref<1x40x128xf32, #tpu.memory_space<vmem>>
        %dma_start3A_259 = tpu.memref_squeeze %dma_start3A_258 : memref<1x40x128xf32, #tpu.memory_space<vmem>> -> memref<40x128xf32, #tpu.memory_space<vmem>>
        tpu.enqueue_dma source(%dma_start3A_259 : memref<40x128xf32, #tpu.memory_space<vmem>>) target(%dma_start3A_255 : memref<40x128xf32, #tpu.memory_space<hbm>>) target_semaphore(%run_scoped3A_243 : memref<!tpu.dma_semaphore, #tpu.memory_space<semaphore_mem>>)
        %dma_wait3A = arith.constant 0 : i32
        %dma_wait3A_260 = arith.constant 0 : i32
        %dma_wait3A_261 = tpu.memref_slice %arg8[%run_scoped3A_242, %dma_wait3A, %dma_wait3A_260] : memref<2x40x128xf32, #tpu.memory_space<vmem>> -> memref<1x40x128xf32, #tpu.memory_space<vmem>>
        %dma_wait3A_262 = tpu.memref_squeeze %dma_wait3A_261 : memref<1x40x128xf32, #tpu.memory_space<vmem>> -> memref<40x128xf32, #tpu.memory_space<vmem>>
        %dma_wait3A_263 = arith.constant 0 : i32
        %dma_wait3A_264 = arith.constant 0 : i32
        %dma_wait3A_265 = tpu.memref_slice %arg4[%add3A_241, %dma_wait3A_263, %dma_wait3A_264] : memref<512x40x128xf32, #tpu.memory_space<hbm>> -> memref<1x40x128xf32, #tpu.memory_space<hbm>>
        %dma_wait3A_266 = tpu.memref_squeeze %dma_wait3A_265 : memref<1x40x128xf32, #tpu.memory_space<hbm>> -> memref<40x128xf32, #tpu.memory_space<hbm>>
        %dma_wait3A_267 = arith.constant 0 : i32
        %dma_wait3A_268 = arith.constant 0 : i32
        %dma_wait3A_269 = tpu.memref_slice %arg4[%add3A_241, %dma_wait3A_267, %dma_wait3A_268] : memref<512x40x128xf32, #tpu.memory_space<hbm>> -> memref<1x40x128xf32, #tpu.memory_space<hbm>>
        %dma_wait3A_270 = tpu.memref_squeeze %dma_wait3A_269 : memref<1x40x128xf32, #tpu.memory_space<hbm>> -> memref<40x128xf32, #tpu.memory_space<hbm>>
        %dma_wait3A_271 = arith.constant 0 : i32
        %dma_wait3A_272 = arith.constant 0 : i32
        %dma_wait3A_273 = tpu.memref_slice %arg8[%run_scoped3A_242, %dma_wait3A_271, %dma_wait3A_272] : memref<2x40x128xf32, #tpu.memory_space<vmem>> -> memref<1x40x128xf32, #tpu.memory_space<vmem>>
        %dma_wait3A_274 = tpu.memref_squeeze %dma_wait3A_273 : memref<1x40x128xf32, #tpu.memory_space<vmem>> -> memref<40x128xf32, #tpu.memory_space<vmem>>
        tpu.wait_dma2 semaphore(%run_scoped3A_243 : memref<!tpu.dma_semaphore, #tpu.memory_space<semaphore_mem>>) src(%dma_wait3A_274 : memref<40x128xf32, #tpu.memory_space<vmem>>) dst(%dma_wait3A_270 : memref<40x128xf32, #tpu.memory_space<hbm>>)
        tpu.yield
      }) : () -> ()
    }
    %scan3A_228 = arith.constant 16 : i32
    "tpu.region"() ({
      %run_scoped3A = tpu.sem_alloc : memref<!tpu.dma_semaphore, #tpu.memory_space<semaphore_mem>>
      %dma_start3A_229 = arith.constant 0 : i32
      %dma_start3A_230 = arith.constant 0 : i32
      %dma_start3A_231 = tpu.memref_slice %arg5[%add3A, %dma_start3A_229, %dma_start3A_230] : memref<32x1x10240xf32, #tpu.memory_space<hbm>> -> memref<1x1x10240xf32, #tpu.memory_space<hbm>>
      %dma_start3A_232 = tpu.memref_squeeze %dma_start3A_231 : memref<1x1x10240xf32, #tpu.memory_space<hbm>> -> memref<1x10240xf32, #tpu.memory_space<hbm>>
      %dma_start3A_233 = arith.constant 0 : i32
      %dma_start3A_234 = arith.constant 0 : i32
      %dma_start3A_235 = tpu.memref_slice %arg5[%add3A, %dma_start3A_233, %dma_start3A_234] : memref<32x1x10240xf32, #tpu.memory_space<hbm>> -> memref<1x1x10240xf32, #tpu.memory_space<hbm>>
      %dma_start3A_236 = tpu.memref_squeeze %dma_start3A_235 : memref<1x1x10240xf32, #tpu.memory_space<hbm>> -> memref<1x10240xf32, #tpu.memory_space<hbm>>
      tpu.enqueue_dma source(%arg9 : memref<1x10240xf32, #tpu.memory_space<vmem>>) target(%dma_start3A_236 : memref<1x10240xf32, #tpu.memory_space<hbm>>) target_semaphore(%run_scoped3A : memref<!tpu.dma_semaphore, #tpu.memory_space<semaphore_mem>>)
      %dma_wait3A = arith.constant 0 : i32
      %dma_wait3A_237 = arith.constant 0 : i32
      %dma_wait3A_238 = tpu.memref_slice %arg5[%add3A, %dma_wait3A, %dma_wait3A_237] : memref<32x1x10240xf32, #tpu.memory_space<hbm>> -> memref<1x1x10240xf32, #tpu.memory_space<hbm>>
      %dma_wait3A_239 = tpu.memref_squeeze %dma_wait3A_238 : memref<1x1x10240xf32, #tpu.memory_space<hbm>> -> memref<1x10240xf32, #tpu.memory_space<hbm>>
      %dma_wait3A_240 = arith.constant 0 : i32
      %dma_wait3A_241 = arith.constant 0 : i32
      %dma_wait3A_242 = tpu.memref_slice %arg5[%add3A, %dma_wait3A_240, %dma_wait3A_241] : memref<32x1x10240xf32, #tpu.memory_space<hbm>> -> memref<1x1x10240xf32, #tpu.memory_space<hbm>>
      %dma_wait3A_243 = tpu.memref_squeeze %dma_wait3A_242 : memref<1x1x10240xf32, #tpu.memory_space<hbm>> -> memref<1x10240xf32, #tpu.memory_space<hbm>>
      tpu.wait_dma2 semaphore(%run_scoped3A : memref<!tpu.dma_semaphore, #tpu.memory_space<semaphore_mem>>) src(%arg9 : memref<1x10240xf32, #tpu.memory_space<vmem>>) dst(%dma_wait3A_243 : memref<1x10240xf32, #tpu.memory_space<hbm>>)
      tpu.yield
    }) : () -> ()
    return
  }
}

#map = affine_map<(d0, d1) -> (0, 0)>
#map1 = affine_map<(d0, d1) -> (0)>
#map2 = affine_map<(d0, d1) -> (0, 0, 0)>
module attributes {stable_mosaic.version = 14 : i64} {
  func.func @_gather_kernel(%arg0: i32, %arg1: i32, %arg2: memref<10240x128xf32, #tpu.memory_space<hbm>>, %arg3: memref<20480xf32, #tpu.memory_space<hbm>>, %arg4: memref<32x125x80xi32, #tpu.memory_space<hbm>>, %arg5: memref<32x125x80xi32, #tpu.memory_space<hbm>>, %arg6: memref<320000x256xf32, #tpu.memory_space<hbm>>, %arg7: memref<320000xf32, #tpu.memory_space<hbm>>, %arg8: memref<125x80xi32, #tpu.memory_space<vmem>>, %arg9: memref<125x80xi32, #tpu.memory_space<vmem>>, %arg10: memref<20480xf32, #tpu.memory_space<vmem>>, %arg11: memref<10000xf32, #tpu.memory_space<vmem>>, %arg12: memref<2x2x80x128xf32, #tpu.memory_space<vmem>>, %arg13: memref<!tpu.dma_semaphore, #tpu.memory_space<semaphore_mem>>, %arg14: memref<!tpu.dma_semaphore, #tpu.memory_space<semaphore_mem>>) attributes {dimension_semantics = [#tpu.dimension_semantics<core_parallel>, #tpu.dimension_semantics<subcore_parallel>], iteration_bounds = array<i64: 2, 16>, scalar_prefetch = 0 : i64, scratch_operands = 7 : i64, tpu.core_type = #tpu.core_type<sc_vector_subcore>, window_params = [{transform_indices = #map}, {transform_indices = #map1}, {transform_indices = #map2}, {transform_indices = #map2}, {transform_indices = #map}, {transform_indices = #map1}]} {
    %mul3A = arith.constant 2 : i32
    %mul3A_0 = arith.muli %arg1, %mul3A : i32
    %add3A = arith.addi %mul3A_0, %arg0 : i32
    "tpu.region"() ({
      %run_scoped3A_106 = tpu.sem_alloc : memref<!tpu.dma_semaphore, #tpu.memory_space<semaphore_mem>>
      %dma_start3A_107 = arith.constant 0 : i32
      %dma_start3A_108 = arith.constant 0 : i32
      %dma_start3A_109 = tpu.memref_slice %arg4[%add3A, %dma_start3A_107, %dma_start3A_108] : memref<32x125x80xi32, #tpu.memory_space<hbm>> -> memref<1x125x80xi32, #tpu.memory_space<hbm>>
      %dma_start3A_110 = tpu.memref_squeeze %dma_start3A_109 : memref<1x125x80xi32, #tpu.memory_space<hbm>> -> memref<125x80xi32, #tpu.memory_space<hbm>>
      %dma_start3A_111 = arith.constant 0 : i32
      %dma_start3A_112 = arith.constant 0 : i32
      %dma_start3A_113 = tpu.memref_slice %arg4[%add3A, %dma_start3A_111, %dma_start3A_112] : memref<32x125x80xi32, #tpu.memory_space<hbm>> -> memref<1x125x80xi32, #tpu.memory_space<hbm>>
      %dma_start3A_114 = tpu.memref_squeeze %dma_start3A_113 : memref<1x125x80xi32, #tpu.memory_space<hbm>> -> memref<125x80xi32, #tpu.memory_space<hbm>>
      tpu.enqueue_dma source(%dma_start3A_114 : memref<125x80xi32, #tpu.memory_space<hbm>>) target(%arg8 : memref<125x80xi32, #tpu.memory_space<vmem>>) target_semaphore(%run_scoped3A_106 : memref<!tpu.dma_semaphore, #tpu.memory_space<semaphore_mem>>)
      %dma_wait3A_115 = arith.constant 0 : i32
      %dma_wait3A_116 = arith.constant 0 : i32
      %dma_wait3A_117 = tpu.memref_slice %arg4[%add3A, %dma_wait3A_115, %dma_wait3A_116] : memref<32x125x80xi32, #tpu.memory_space<hbm>> -> memref<1x125x80xi32, #tpu.memory_space<hbm>>
      %dma_wait3A_118 = tpu.memref_squeeze %dma_wait3A_117 : memref<1x125x80xi32, #tpu.memory_space<hbm>> -> memref<125x80xi32, #tpu.memory_space<hbm>>
      %dma_wait3A_119 = arith.constant 0 : i32
      %dma_wait3A_120 = arith.constant 0 : i32
      %dma_wait3A_121 = tpu.memref_slice %arg4[%add3A, %dma_wait3A_119, %dma_wait3A_120] : memref<32x125x80xi32, #tpu.memory_space<hbm>> -> memref<1x125x80xi32, #tpu.memory_space<hbm>>
      %dma_wait3A_122 = tpu.memref_squeeze %dma_wait3A_121 : memref<1x125x80xi32, #tpu.memory_space<hbm>> -> memref<125x80xi32, #tpu.memory_space<hbm>>
      tpu.wait_dma2 semaphore(%run_scoped3A_106 : memref<!tpu.dma_semaphore, #tpu.memory_space<semaphore_mem>>) src(%dma_wait3A_122 : memref<125x80xi32, #tpu.memory_space<hbm>>) dst(%arg8 : memref<125x80xi32, #tpu.memory_space<vmem>>)
      tpu.yield
    }) : () -> ()
    "tpu.region"() ({
      %run_scoped3A_106 = tpu.sem_alloc : memref<!tpu.dma_semaphore, #tpu.memory_space<semaphore_mem>>
      %dma_start3A_107 = arith.constant 0 : i32
      %dma_start3A_108 = arith.constant 0 : i32
      %dma_start3A_109 = tpu.memref_slice %arg5[%add3A, %dma_start3A_107, %dma_start3A_108] : memref<32x125x80xi32, #tpu.memory_space<hbm>> -> memref<1x125x80xi32, #tpu.memory_space<hbm>>
      %dma_start3A_110 = tpu.memref_squeeze %dma_start3A_109 : memref<1x125x80xi32, #tpu.memory_space<hbm>> -> memref<125x80xi32, #tpu.memory_space<hbm>>
      %dma_start3A_111 = arith.constant 0 : i32
      %dma_start3A_112 = arith.constant 0 : i32
      %dma_start3A_113 = tpu.memref_slice %arg5[%add3A, %dma_start3A_111, %dma_start3A_112] : memref<32x125x80xi32, #tpu.memory_space<hbm>> -> memref<1x125x80xi32, #tpu.memory_space<hbm>>
      %dma_start3A_114 = tpu.memref_squeeze %dma_start3A_113 : memref<1x125x80xi32, #tpu.memory_space<hbm>> -> memref<125x80xi32, #tpu.memory_space<hbm>>
      tpu.enqueue_dma source(%dma_start3A_114 : memref<125x80xi32, #tpu.memory_space<hbm>>) target(%arg9 : memref<125x80xi32, #tpu.memory_space<vmem>>) target_semaphore(%run_scoped3A_106 : memref<!tpu.dma_semaphore, #tpu.memory_space<semaphore_mem>>)
      %dma_wait3A_115 = arith.constant 0 : i32
      %dma_wait3A_116 = arith.constant 0 : i32
      %dma_wait3A_117 = tpu.memref_slice %arg5[%add3A, %dma_wait3A_115, %dma_wait3A_116] : memref<32x125x80xi32, #tpu.memory_space<hbm>> -> memref<1x125x80xi32, #tpu.memory_space<hbm>>
      %dma_wait3A_118 = tpu.memref_squeeze %dma_wait3A_117 : memref<1x125x80xi32, #tpu.memory_space<hbm>> -> memref<125x80xi32, #tpu.memory_space<hbm>>
      %dma_wait3A_119 = arith.constant 0 : i32
      %dma_wait3A_120 = arith.constant 0 : i32
      %dma_wait3A_121 = tpu.memref_slice %arg5[%add3A, %dma_wait3A_119, %dma_wait3A_120] : memref<32x125x80xi32, #tpu.memory_space<hbm>> -> memref<1x125x80xi32, #tpu.memory_space<hbm>>
      %dma_wait3A_122 = tpu.memref_squeeze %dma_wait3A_121 : memref<1x125x80xi32, #tpu.memory_space<hbm>> -> memref<125x80xi32, #tpu.memory_space<hbm>>
      tpu.wait_dma2 semaphore(%run_scoped3A_106 : memref<!tpu.dma_semaphore, #tpu.memory_space<semaphore_mem>>) src(%dma_wait3A_122 : memref<125x80xi32, #tpu.memory_space<hbm>>) dst(%arg9 : memref<125x80xi32, #tpu.memory_space<vmem>>)
      tpu.yield
    }) : () -> ()
    "tpu.region"() ({
      %run_scoped3A_106 = tpu.sem_alloc : memref<!tpu.dma_semaphore, #tpu.memory_space<semaphore_mem>>
      tpu.enqueue_dma source(%arg3 : memref<20480xf32, #tpu.memory_space<hbm>>) target(%arg10 : memref<20480xf32, #tpu.memory_space<vmem>>) target_semaphore(%run_scoped3A_106 : memref<!tpu.dma_semaphore, #tpu.memory_space<semaphore_mem>>)
      tpu.wait_dma2 semaphore(%run_scoped3A_106 : memref<!tpu.dma_semaphore, #tpu.memory_space<semaphore_mem>>) src(%arg3 : memref<20480xf32, #tpu.memory_space<hbm>>) dst(%arg10 : memref<20480xf32, #tpu.memory_space<vmem>>)
      tpu.yield
    }) : () -> ()
    %dma_start3A = arith.constant 0 : i32
    %dma_start3A_1 = arith.constant 0 : i32
    %dma_start3A_2 = arith.constant 0 : i32
    %dma_start3A_3 = arith.constant 0 : i32
    %dma_start3A_4 = arith.constant 0 : i32
    %dma_start3A_5 = arith.constant 0 : i32
    %dma_start3A_6 = tpu.memref_slice %arg12[%dma_start3A_1, %dma_start3A_3, %dma_start3A_4, %dma_start3A_5] : memref<2x2x80x128xf32, #tpu.memory_space<vmem>> -> memref<1x2x80x128xf32, #tpu.memory_space<vmem>>
    %dma_start3A_7 = tpu.memref_squeeze %dma_start3A_6 : memref<1x2x80x128xf32, #tpu.memory_space<vmem>> -> memref<2x80x128xf32, #tpu.memory_space<vmem>>
    %dma_start3A_8 = arith.constant 0 : i32
    %dma_start3A_9 = arith.constant 0 : i32
    %dma_start3A_10 = tpu.memref_slice %dma_start3A_7[%dma_start3A_2, %dma_start3A_8, %dma_start3A_9] : memref<2x80x128xf32, #tpu.memory_space<vmem>> -> memref<1x80x128xf32, #tpu.memory_space<vmem>>
    %dma_start3A_11 = tpu.memref_squeeze %dma_start3A_10 : memref<1x80x128xf32, #tpu.memory_space<vmem>> -> memref<80x128xf32, #tpu.memory_space<vmem>>
    %dma_start3A_12 = arith.constant 0 : i32
    %dma_start3A_13 = tpu.memref_slice %arg8[%dma_start3A, %dma_start3A_12] : memref<125x80xi32, #tpu.memory_space<vmem>> -> memref<1x80xi32, #tpu.memory_space<vmem>>
    %dma_start3A_14 = tpu.memref_squeeze %dma_start3A_13 : memref<1x80xi32, #tpu.memory_space<vmem>> -> memref<80xi32, #tpu.memory_space<vmem>>
    %dma_start3A_15 = arith.constant 0 : i32
    %dma_start3A_16 = arith.constant 0 : i32
    %dma_start3A_17 = tpu.memref_slice %arg2[%dma_start3A_15, %dma_start3A_16] : memref<10240x128xf32, #tpu.memory_space<hbm>> -> memref<10240x128xf32, #tpu.memory_space<hbm>>
    tpu.enqueue_indirect_dma source(%dma_start3A_17 : memref<10240x128xf32, #tpu.memory_space<hbm>>) target(%dma_start3A_11 : memref<80x128xf32, #tpu.memory_space<vmem>>) offsets(%dma_start3A_14 : memref<80xi32, #tpu.memory_space<vmem>>) semaphore(%arg13 : memref<!tpu.dma_semaphore, #tpu.memory_space<semaphore_mem>>)
    %dma_start3A_18 = arith.constant 0 : i32
    %dma_start3A_19 = arith.constant 0 : i32
    %dma_start3A_20 = arith.constant 1 : i32
    %dma_start3A_21 = arith.constant 0 : i32
    %dma_start3A_22 = arith.constant 0 : i32
    %dma_start3A_23 = arith.constant 0 : i32
    %dma_start3A_24 = tpu.memref_slice %arg12[%dma_start3A_19, %dma_start3A_21, %dma_start3A_22, %dma_start3A_23] : memref<2x2x80x128xf32, #tpu.memory_space<vmem>> -> memref<1x2x80x128xf32, #tpu.memory_space<vmem>>
    %dma_start3A_25 = tpu.memref_squeeze %dma_start3A_24 : memref<1x2x80x128xf32, #tpu.memory_space<vmem>> -> memref<2x80x128xf32, #tpu.memory_space<vmem>>
    %dma_start3A_26 = arith.constant 0 : i32
    %dma_start3A_27 = arith.constant 0 : i32
    %dma_start3A_28 = tpu.memref_slice %dma_start3A_25[%dma_start3A_20, %dma_start3A_26, %dma_start3A_27] : memref<2x80x128xf32, #tpu.memory_space<vmem>> -> memref<1x80x128xf32, #tpu.memory_space<vmem>>
    %dma_start3A_29 = tpu.memref_squeeze %dma_start3A_28 : memref<1x80x128xf32, #tpu.memory_space<vmem>> -> memref<80x128xf32, #tpu.memory_space<vmem>>
    %dma_start3A_30 = arith.constant 0 : i32
    %dma_start3A_31 = tpu.memref_slice %arg9[%dma_start3A_18, %dma_start3A_30] : memref<125x80xi32, #tpu.memory_space<vmem>> -> memref<1x80xi32, #tpu.memory_space<vmem>>
    %dma_start3A_32 = tpu.memref_squeeze %dma_start3A_31 : memref<1x80xi32, #tpu.memory_space<vmem>> -> memref<80xi32, #tpu.memory_space<vmem>>
    %dma_start3A_33 = arith.constant 0 : i32
    %dma_start3A_34 = arith.constant 0 : i32
    %dma_start3A_35 = tpu.memref_slice %arg2[%dma_start3A_33, %dma_start3A_34] : memref<10240x128xf32, #tpu.memory_space<hbm>> -> memref<10240x128xf32, #tpu.memory_space<hbm>>
    tpu.enqueue_indirect_dma source(%dma_start3A_35 : memref<10240x128xf32, #tpu.memory_space<hbm>>) target(%dma_start3A_29 : memref<80x128xf32, #tpu.memory_space<vmem>>) offsets(%dma_start3A_32 : memref<80xi32, #tpu.memory_space<vmem>>) semaphore(%arg13 : memref<!tpu.dma_semaphore, #tpu.memory_space<semaphore_mem>>)
    %dma_start3A_36 = arith.constant 1 : i32
    %dma_start3A_37 = arith.constant 1 : i32
    %dma_start3A_38 = arith.constant 0 : i32
    %dma_start3A_39 = arith.constant 0 : i32
    %dma_start3A_40 = arith.constant 0 : i32
    %dma_start3A_41 = arith.constant 0 : i32
    %dma_start3A_42 = tpu.memref_slice %arg12[%dma_start3A_37, %dma_start3A_39, %dma_start3A_40, %dma_start3A_41] : memref<2x2x80x128xf32, #tpu.memory_space<vmem>> -> memref<1x2x80x128xf32, #tpu.memory_space<vmem>>
    %dma_start3A_43 = tpu.memref_squeeze %dma_start3A_42 : memref<1x2x80x128xf32, #tpu.memory_space<vmem>> -> memref<2x80x128xf32, #tpu.memory_space<vmem>>
    %dma_start3A_44 = arith.constant 0 : i32
    %dma_start3A_45 = arith.constant 0 : i32
    %dma_start3A_46 = tpu.memref_slice %dma_start3A_43[%dma_start3A_38, %dma_start3A_44, %dma_start3A_45] : memref<2x80x128xf32, #tpu.memory_space<vmem>> -> memref<1x80x128xf32, #tpu.memory_space<vmem>>
    %dma_start3A_47 = tpu.memref_squeeze %dma_start3A_46 : memref<1x80x128xf32, #tpu.memory_space<vmem>> -> memref<80x128xf32, #tpu.memory_space<vmem>>
    %dma_start3A_48 = arith.constant 0 : i32
    %dma_start3A_49 = tpu.memref_slice %arg8[%dma_start3A_36, %dma_start3A_48] : memref<125x80xi32, #tpu.memory_space<vmem>> -> memref<1x80xi32, #tpu.memory_space<vmem>>
    %dma_start3A_50 = tpu.memref_squeeze %dma_start3A_49 : memref<1x80xi32, #tpu.memory_space<vmem>> -> memref<80xi32, #tpu.memory_space<vmem>>
    %dma_start3A_51 = arith.constant 0 : i32
    %dma_start3A_52 = arith.constant 0 : i32
    %dma_start3A_53 = tpu.memref_slice %arg2[%dma_start3A_51, %dma_start3A_52] : memref<10240x128xf32, #tpu.memory_space<hbm>> -> memref<10240x128xf32, #tpu.memory_space<hbm>>
    tpu.enqueue_indirect_dma source(%dma_start3A_53 : memref<10240x128xf32, #tpu.memory_space<hbm>>) target(%dma_start3A_47 : memref<80x128xf32, #tpu.memory_space<vmem>>) offsets(%dma_start3A_50 : memref<80xi32, #tpu.memory_space<vmem>>) semaphore(%arg14 : memref<!tpu.dma_semaphore, #tpu.memory_space<semaphore_mem>>)
    %dma_start3A_54 = arith.constant 1 : i32
    %dma_start3A_55 = arith.constant 1 : i32
    %dma_start3A_56 = arith.constant 1 : i32
    %dma_start3A_57 = arith.constant 0 : i32
    %dma_start3A_58 = arith.constant 0 : i32
    %dma_start3A_59 = arith.constant 0 : i32
    %dma_start3A_60 = tpu.memref_slice %arg12[%dma_start3A_55, %dma_start3A_57, %dma_start3A_58, %dma_start3A_59] : memref<2x2x80x128xf32, #tpu.memory_space<vmem>> -> memref<1x2x80x128xf32, #tpu.memory_space<vmem>>
    %dma_start3A_61 = tpu.memref_squeeze %dma_start3A_60 : memref<1x2x80x128xf32, #tpu.memory_space<vmem>> -> memref<2x80x128xf32, #tpu.memory_space<vmem>>
    %dma_start3A_62 = arith.constant 0 : i32
    %dma_start3A_63 = arith.constant 0 : i32
    %dma_start3A_64 = tpu.memref_slice %dma_start3A_61[%dma_start3A_56, %dma_start3A_62, %dma_start3A_63] : memref<2x80x128xf32, #tpu.memory_space<vmem>> -> memref<1x80x128xf32, #tpu.memory_space<vmem>>
    %dma_start3A_65 = tpu.memref_squeeze %dma_start3A_64 : memref<1x80x128xf32, #tpu.memory_space<vmem>> -> memref<80x128xf32, #tpu.memory_space<vmem>>
    %dma_start3A_66 = arith.constant 0 : i32
    %dma_start3A_67 = tpu.memref_slice %arg9[%dma_start3A_54, %dma_start3A_66] : memref<125x80xi32, #tpu.memory_space<vmem>> -> memref<1x80xi32, #tpu.memory_space<vmem>>
    %dma_start3A_68 = tpu.memref_squeeze %dma_start3A_67 : memref<1x80xi32, #tpu.memory_space<vmem>> -> memref<80xi32, #tpu.memory_space<vmem>>
    %dma_start3A_69 = arith.constant 0 : i32
    %dma_start3A_70 = arith.constant 0 : i32
    %dma_start3A_71 = tpu.memref_slice %arg2[%dma_start3A_69, %dma_start3A_70] : memref<10240x128xf32, #tpu.memory_space<hbm>> -> memref<10240x128xf32, #tpu.memory_space<hbm>>
    tpu.enqueue_indirect_dma source(%dma_start3A_71 : memref<10240x128xf32, #tpu.memory_space<hbm>>) target(%dma_start3A_65 : memref<80x128xf32, #tpu.memory_space<vmem>>) offsets(%dma_start3A_68 : memref<80xi32, #tpu.memory_space<vmem>>) semaphore(%arg14 : memref<!tpu.dma_semaphore, #tpu.memory_space<semaphore_mem>>)
    %scan3A = arith.constant 0 : i32
    %scan3A_72 = arith.constant 125 : i32
    %scan3A_73 = arith.addi %scan3A, %scan3A_72 : i32
    %scan3A_74 = arith.constant 1 : i32
    scf.for %scan3A_106 = %scan3A to %scan3A_73 step %scan3A_74  : i32 {
      %mul3A_107 = arith.constant 1 : i32
      %mul3A_108 = arith.muli %scan3A_106, %mul3A_107 : i32
      %add3A_109 = arith.constant 0 : i32
      %add3A_110 = arith.addi %add3A_109, %mul3A_108 : i32
      %scan3A_111 = arith.constant 0 : i32
      %scan3A_112 = arith.constant 5 : i32
      %scan3A_113 = arith.addi %scan3A_111, %scan3A_112 : i32
      %scan3A_114 = arith.constant 1 : i32
      scf.for %scan3A_116 = %scan3A_111 to %scan3A_113 step %scan3A_114  : i32 {
        %mul3A_117 = arith.constant 16 : i32
        %mul3A_118 = arith.muli %scan3A_116, %mul3A_117 : i32
        %add3A_119 = arith.constant 0 : i32
        %add3A_120 = arith.addi %add3A_119, %mul3A_118 : i32
        %get3A = arith.index_cast %add3A_110 : i32 to index
        %get3A_121 = arith.index_cast %add3A_120 : i32 to index
        %get3A_122 = tpu.vector_load %arg8[%get3A, %get3A_121] {strides = array<i32>} : memref<125x80xi32, #tpu.memory_space<vmem>>, vector<16xi32>,
        %get3A_123 = arith.index_cast %add3A_110 : i32 to index
        %get3A_124 = arith.index_cast %add3A_120 : i32 to index
        %get3A_125 = tpu.vector_load %arg9[%get3A_123, %get3A_124] {strides = array<i32>} : memref<125x80xi32, #tpu.memory_space<vmem>>, vector<16xi32>,
        %mul3A_126 = arith.constant 2 : i32
        %mul3A_127 = vector.broadcast %mul3A_126 : i32 to vector<16xi32>
        %mul3A_128 = arith.muli %get3A_122, %mul3A_127 : vector<16xi32>
        %gather3A = tpu.vector_load_idx %arg10[%mul3A_128] : memref<20480xf32, #tpu.memory_space<vmem>>[vector<16xi32>], vector<16xf32>,
        %mul3A_129 = arith.constant 2 : i32
        %mul3A_130 = vector.broadcast %mul3A_129 : i32 to vector<16xi32>
        %mul3A_131 = arith.muli %get3A_125, %mul3A_130 : vector<16xi32>
        %add3A_132 = arith.constant 1 : i32
        %add3A_133 = vector.broadcast %add3A_132 : i32 to vector<16xi32>
        %add3A_134 = arith.addi %mul3A_131, %add3A_133 : vector<16xi32>
        %gather3A_135 = tpu.vector_load_idx %arg10[%add3A_134] : memref<20480xf32, #tpu.memory_space<vmem>>[vector<16xi32>], vector<16xf32>,
        %add3A_136 = arith.addf %gather3A, %gather3A_135 : vector<16xf32>
        %mul3A_137 = arith.constant 80 : i32
        %mul3A_138 = arith.muli %add3A_110, %mul3A_137 : i32
        %add3A_139 = arith.addi %mul3A_138, %add3A_120 : i32
        %swap3A = arith.index_cast %add3A_139 : i32 to index
        %swap3A_140 = tpu.vector_load %arg11[%swap3A] {strides = array<i32>} : memref<10000xf32, #tpu.memory_space<vmem>>, vector<16xf32>,
        tpu.vector_store %arg11[%swap3A], %add3A_136 {strides = array<i32>} : memref<10000xf32, #tpu.memory_space<vmem>>, vector<16xf32>,
      }
      %scan3A_115 = arith.constant 5 : i32
    }
    %scan3A_75 = arith.constant 125 : i32
    %mul3A_76 = arith.constant 10000 : i32
    %mul3A_77 = arith.muli %add3A, %mul3A_76 : i32
    "tpu.region"() ({
      %run_scoped3A_106 = tpu.sem_alloc : memref<!tpu.dma_semaphore, #tpu.memory_space<semaphore_mem>>
      %dma_start3A_107 = tpu.memref_slice %arg7[%mul3A_77] : memref<320000xf32, #tpu.memory_space<hbm>> -> memref<10000xf32, #tpu.memory_space<hbm>>
      %dma_start3A_108 = tpu.memref_slice %arg7[%mul3A_77] : memref<320000xf32, #tpu.memory_space<hbm>> -> memref<10000xf32, #tpu.memory_space<hbm>>
      tpu.enqueue_dma source(%arg11 : memref<10000xf32, #tpu.memory_space<vmem>>) target(%dma_start3A_108 : memref<10000xf32, #tpu.memory_space<hbm>>) target_semaphore(%run_scoped3A_106 : memref<!tpu.dma_semaphore, #tpu.memory_space<semaphore_mem>>)
      %dma_wait3A_109 = tpu.memref_slice %arg7[%mul3A_77] : memref<320000xf32, #tpu.memory_space<hbm>> -> memref<10000xf32, #tpu.memory_space<hbm>>
      %dma_wait3A_110 = tpu.memref_slice %arg7[%mul3A_77] : memref<320000xf32, #tpu.memory_space<hbm>> -> memref<10000xf32, #tpu.memory_space<hbm>>
      tpu.wait_dma2 semaphore(%run_scoped3A_106 : memref<!tpu.dma_semaphore, #tpu.memory_space<semaphore_mem>>) src(%arg11 : memref<10000xf32, #tpu.memory_space<vmem>>) dst(%dma_wait3A_110 : memref<10000xf32, #tpu.memory_space<hbm>>)
      tpu.yield
    }) : () -> ()
    %scan3A_78 = arith.constant 0 : i32
    %scan3A_79 = arith.constant 62 : i32
    %scan3A_80 = arith.addi %scan3A_78, %scan3A_79 : i32
    %scan3A_81 = arith.constant 1 : i32
    scf.for %scan3A_106 = %scan3A_78 to %scan3A_80 step %scan3A_81  : i32 {
      %mul3A_107 = arith.constant 1 : i32
      %mul3A_108 = arith.muli %scan3A_106, %mul3A_107 : i32
      %add3A_109 = arith.constant 0 : i32
      %add3A_110 = arith.addi %add3A_109, %mul3A_108 : i32
      %dma_wait3A_111 = arith.constant 0 : i32
      %dma_wait3A_112 = arith.constant 0 : i32
      %dma_wait3A_113 = arith.constant 0 : i32
      %dma_wait3A_114 = arith.constant 0 : i32
      %dma_wait3A_115 = tpu.memref_slice %arg12[%dma_wait3A_111, %dma_wait3A_112, %dma_wait3A_113, %dma_wait3A_114] : memref<2x2x80x128xf32, #tpu.memory_space<vmem>> -> memref<1x2x80x128xf32, #tpu.memory_space<vmem>>
      %dma_wait3A_116 = tpu.memref_squeeze %dma_wait3A_115 : memref<1x2x80x128xf32, #tpu.memory_space<vmem>> -> memref<2x80x128xf32, #tpu.memory_space<vmem>>
      %dma_wait3A_117 = arith.constant 0 : i32
      %dma_wait3A_118 = arith.constant 0 : i32
      %dma_wait3A_119 = tpu.memref_slice %arg2[%dma_wait3A_117, %dma_wait3A_118] : memref<10240x128xf32, #tpu.memory_space<hbm>> -> memref<160x128xf32, #tpu.memory_space<hbm>>
      %dma_wait3A_120 = arith.constant 0 : i32
      %dma_wait3A_121 = arith.constant 0 : i32
      %dma_wait3A_122 = arith.constant 0 : i32
      %dma_wait3A_123 = tpu.memref_slice %arg12[%dma_wait3A_111, %dma_wait3A_120, %dma_wait3A_121, %dma_wait3A_122] : memref<2x2x80x128xf32, #tpu.memory_space<vmem>> -> memref<1x2x80x128xf32, #tpu.memory_space<vmem>>
      %dma_wait3A_124 = tpu.memref_squeeze %dma_wait3A_123 : memref<1x2x80x128xf32, #tpu.memory_space<vmem>> -> memref<2x80x128xf32, #tpu.memory_space<vmem>>
      %dma_wait3A_125 = arith.constant 0 : i32
      %dma_wait3A_126 = arith.constant 0 : i32
      %dma_wait3A_127 = tpu.memref_slice %arg2[%dma_wait3A_125, %dma_wait3A_126] : memref<10240x128xf32, #tpu.memory_space<hbm>> -> memref<160x128xf32, #tpu.memory_space<hbm>>
      tpu.wait_dma2 semaphore(%arg13 : memref<!tpu.dma_semaphore, #tpu.memory_space<semaphore_mem>>) src(%dma_wait3A_127 : memref<160x128xf32, #tpu.memory_space<hbm>>) dst(%dma_wait3A_124 : memref<2x80x128xf32, #tpu.memory_space<vmem>>)
      %mul3A_128 = arith.constant 2 : i32
      %mul3A_129 = arith.muli %mul3A_128, %add3A_110 : i32
      %mul3A_130 = arith.constant 10000 : i32
      %mul3A_131 = arith.muli %add3A, %mul3A_130 : i32
      %mul3A_132 = arith.constant 80 : i32
      %mul3A_133 = arith.muli %mul3A_129, %mul3A_132 : i32
      %add3A_134 = arith.addi %mul3A_131, %mul3A_133 : i32
      %run_scoped3A_135 = arith.constant 0 : i32
      %run_scoped3A_136 = arith.constant 0 : i32
      "tpu.region"() ({
        %run_scoped3A_184 = tpu.sem_alloc : memref<!tpu.dma_semaphore, #tpu.memory_space<semaphore_mem>>
        %dma_start3A_185 = arith.constant 0 : i32
        %dma_start3A_186 = arith.constant 0 : i32
        %dma_start3A_187 = arith.constant 0 : i32
        %dma_start3A_188 = tpu.memref_slice %arg12[%run_scoped3A_135, %dma_start3A_185, %dma_start3A_186, %dma_start3A_187] : memref<2x2x80x128xf32, #tpu.memory_space<vmem>> -> memref<1x2x80x128xf32, #tpu.memory_space<vmem>>
        %dma_start3A_189 = tpu.memref_squeeze %dma_start3A_188 : memref<1x2x80x128xf32, #tpu.memory_space<vmem>> -> memref<2x80x128xf32, #tpu.memory_space<vmem>>
        %dma_start3A_190 = arith.constant 0 : i32
        %dma_start3A_191 = arith.constant 0 : i32
        %dma_start3A_192 = tpu.memref_slice %dma_start3A_189[%run_scoped3A_136, %dma_start3A_190, %dma_start3A_191] : memref<2x80x128xf32, #tpu.memory_space<vmem>> -> memref<1x80x128xf32, #tpu.memory_space<vmem>>
        %dma_start3A_193 = tpu.memref_squeeze %dma_start3A_192 : memref<1x80x128xf32, #tpu.memory_space<vmem>> -> memref<80x128xf32, #tpu.memory_space<vmem>>
        %dma_start3A_194 = arith.constant 0 : i32
        %dma_start3A_195 = tpu.memref_slice %arg6[%add3A_134, %dma_start3A_194] : memref<320000x256xf32, #tpu.memory_space<hbm>> -> memref<80x128xf32, #tpu.memory_space<hbm>>
        %dma_start3A_196 = arith.constant 0 : i32
        %dma_start3A_197 = tpu.memref_slice %arg6[%add3A_134, %dma_start3A_196] : memref<320000x256xf32, #tpu.memory_space<hbm>> -> memref<80x128xf32, #tpu.memory_space<hbm>>
        %dma_start3A_198 = arith.constant 0 : i32
        %dma_start3A_199 = arith.constant 0 : i32
        %dma_start3A_200 = arith.constant 0 : i32
        %dma_start3A_201 = tpu.memref_slice %arg12[%run_scoped3A_135, %dma_start3A_198, %dma_start3A_199, %dma_start3A_200] : memref<2x2x80x128xf32, #tpu.memory_space<vmem>> -> memref<1x2x80x128xf32, #tpu.memory_space<vmem>>
        %dma_start3A_202 = tpu.memref_squeeze %dma_start3A_201 : memref<1x2x80x128xf32, #tpu.memory_space<vmem>> -> memref<2x80x128xf32, #tpu.memory_space<vmem>>
        %dma_start3A_203 = arith.constant 0 : i32
        %dma_start3A_204 = arith.constant 0 : i32
        %dma_start3A_205 = tpu.memref_slice %dma_start3A_202[%run_scoped3A_136, %dma_start3A_203, %dma_start3A_204] : memref<2x80x128xf32, #tpu.memory_space<vmem>> -> memref<1x80x128xf32, #tpu.memory_space<vmem>>
        %dma_start3A_206 = tpu.memref_squeeze %dma_start3A_205 : memref<1x80x128xf32, #tpu.memory_space<vmem>> -> memref<80x128xf32, #tpu.memory_space<vmem>>
        tpu.enqueue_dma source(%dma_start3A_206 : memref<80x128xf32, #tpu.memory_space<vmem>>) target(%dma_start3A_197 : memref<80x128xf32, #tpu.memory_space<hbm>>) target_semaphore(%run_scoped3A_184 : memref<!tpu.dma_semaphore, #tpu.memory_space<semaphore_mem>>)
        %dma_wait3A_207 = arith.constant 0 : i32
        %dma_wait3A_208 = arith.constant 0 : i32
        %dma_wait3A_209 = arith.constant 0 : i32
        %dma_wait3A_210 = tpu.memref_slice %arg12[%run_scoped3A_135, %dma_wait3A_207, %dma_wait3A_208, %dma_wait3A_209] : memref<2x2x80x128xf32, #tpu.memory_space<vmem>> -> memref<1x2x80x128xf32, #tpu.memory_space<vmem>>
        %dma_wait3A_211 = tpu.memref_squeeze %dma_wait3A_210 : memref<1x2x80x128xf32, #tpu.memory_space<vmem>> -> memref<2x80x128xf32, #tpu.memory_space<vmem>>
        %dma_wait3A_212 = arith.constant 0 : i32
        %dma_wait3A_213 = arith.constant 0 : i32
        %dma_wait3A_214 = tpu.memref_slice %dma_wait3A_211[%run_scoped3A_136, %dma_wait3A_212, %dma_wait3A_213] : memref<2x80x128xf32, #tpu.memory_space<vmem>> -> memref<1x80x128xf32, #tpu.memory_space<vmem>>
        %dma_wait3A_215 = tpu.memref_squeeze %dma_wait3A_214 : memref<1x80x128xf32, #tpu.memory_space<vmem>> -> memref<80x128xf32, #tpu.memory_space<vmem>>
        %dma_wait3A_216 = arith.constant 0 : i32
        %dma_wait3A_217 = tpu.memref_slice %arg6[%add3A_134, %dma_wait3A_216] : memref<320000x256xf32, #tpu.memory_space<hbm>> -> memref<80x128xf32, #tpu.memory_space<hbm>>
        %dma_wait3A_218 = arith.constant 0 : i32
        %dma_wait3A_219 = tpu.memref_slice %arg6[%add3A_134, %dma_wait3A_218] : memref<320000x256xf32, #tpu.memory_space<hbm>> -> memref<80x128xf32, #tpu.memory_space<hbm>>
        %dma_wait3A_220 = arith.constant 0 : i32
        %dma_wait3A_221 = arith.constant 0 : i32
        %dma_wait3A_222 = arith.constant 0 : i32
        %dma_wait3A_223 = tpu.memref_slice %arg12[%run_scoped3A_135, %dma_wait3A_220, %dma_wait3A_221, %dma_wait3A_222] : memref<2x2x80x128xf32, #tpu.memory_space<vmem>> -> memref<1x2x80x128xf32, #tpu.memory_space<vmem>>
        %dma_wait3A_224 = tpu.memref_squeeze %dma_wait3A_223 : memref<1x2x80x128xf32, #tpu.memory_space<vmem>> -> memref<2x80x128xf32, #tpu.memory_space<vmem>>
        %dma_wait3A_225 = arith.constant 0 : i32
        %dma_wait3A_226 = arith.constant 0 : i32
        %dma_wait3A_227 = tpu.memref_slice %dma_wait3A_224[%run_scoped3A_136, %dma_wait3A_225, %dma_wait3A_226] : memref<2x80x128xf32, #tpu.memory_space<vmem>> -> memref<1x80x128xf32, #tpu.memory_space<vmem>>
        %dma_wait3A_228 = tpu.memref_squeeze %dma_wait3A_227 : memref<1x80x128xf32, #tpu.memory_space<vmem>> -> memref<80x128xf32, #tpu.memory_space<vmem>>
        tpu.wait_dma2 semaphore(%run_scoped3A_184 : memref<!tpu.dma_semaphore, #tpu.memory_space<semaphore_mem>>) src(%dma_wait3A_228 : memref<80x128xf32, #tpu.memory_space<vmem>>) dst(%dma_wait3A_219 : memref<80x128xf32, #tpu.memory_space<hbm>>)
        tpu.yield
      }) : () -> ()
      %run_scoped3A_137 = arith.constant 0 : i32
      %run_scoped3A_138 = arith.constant 1 : i32
      "tpu.region"() ({
        %run_scoped3A_184 = tpu.sem_alloc : memref<!tpu.dma_semaphore, #tpu.memory_space<semaphore_mem>>
        %dma_start3A_185 = arith.constant 0 : i32
        %dma_start3A_186 = arith.constant 0 : i32
        %dma_start3A_187 = arith.constant 0 : i32
        %dma_start3A_188 = tpu.memref_slice %arg12[%run_scoped3A_137, %dma_start3A_185, %dma_start3A_186, %dma_start3A_187] : memref<2x2x80x128xf32, #tpu.memory_space<vmem>> -> memref<1x2x80x128xf32, #tpu.memory_space<vmem>>
        %dma_start3A_189 = tpu.memref_squeeze %dma_start3A_188 : memref<1x2x80x128xf32, #tpu.memory_space<vmem>> -> memref<2x80x128xf32, #tpu.memory_space<vmem>>
        %dma_start3A_190 = arith.constant 0 : i32
        %dma_start3A_191 = arith.constant 0 : i32
        %dma_start3A_192 = tpu.memref_slice %dma_start3A_189[%run_scoped3A_138, %dma_start3A_190, %dma_start3A_191] : memref<2x80x128xf32, #tpu.memory_space<vmem>> -> memref<1x80x128xf32, #tpu.memory_space<vmem>>
        %dma_start3A_193 = tpu.memref_squeeze %dma_start3A_192 : memref<1x80x128xf32, #tpu.memory_space<vmem>> -> memref<80x128xf32, #tpu.memory_space<vmem>>
        %dma_start3A_194 = arith.constant 128 : i32
        %dma_start3A_195 = tpu.memref_slice %arg6[%add3A_134, %dma_start3A_194] : memref<320000x256xf32, #tpu.memory_space<hbm>> -> memref<80x128xf32, #tpu.memory_space<hbm>>
        %dma_start3A_196 = arith.constant 128 : i32
        %dma_start3A_197 = tpu.memref_slice %arg6[%add3A_134, %dma_start3A_196] : memref<320000x256xf32, #tpu.memory_space<hbm>> -> memref<80x128xf32, #tpu.memory_space<hbm>>
        %dma_start3A_198 = arith.constant 0 : i32
        %dma_start3A_199 = arith.constant 0 : i32
        %dma_start3A_200 = arith.constant 0 : i32
        %dma_start3A_201 = tpu.memref_slice %arg12[%run_scoped3A_137, %dma_start3A_198, %dma_start3A_199, %dma_start3A_200] : memref<2x2x80x128xf32, #tpu.memory_space<vmem>> -> memref<1x2x80x128xf32, #tpu.memory_space<vmem>>
        %dma_start3A_202 = tpu.memref_squeeze %dma_start3A_201 : memref<1x2x80x128xf32, #tpu.memory_space<vmem>> -> memref<2x80x128xf32, #tpu.memory_space<vmem>>
        %dma_start3A_203 = arith.constant 0 : i32
        %dma_start3A_204 = arith.constant 0 : i32
        %dma_start3A_205 = tpu.memref_slice %dma_start3A_202[%run_scoped3A_138, %dma_start3A_203, %dma_start3A_204] : memref<2x80x128xf32, #tpu.memory_space<vmem>> -> memref<1x80x128xf32, #tpu.memory_space<vmem>>
        %dma_start3A_206 = tpu.memref_squeeze %dma_start3A_205 : memref<1x80x128xf32, #tpu.memory_space<vmem>> -> memref<80x128xf32, #tpu.memory_space<vmem>>
        tpu.enqueue_dma source(%dma_start3A_206 : memref<80x128xf32, #tpu.memory_space<vmem>>) target(%dma_start3A_197 : memref<80x128xf32, #tpu.memory_space<hbm>>) target_semaphore(%run_scoped3A_184 : memref<!tpu.dma_semaphore, #tpu.memory_space<semaphore_mem>>)
        %dma_wait3A_207 = arith.constant 0 : i32
        %dma_wait3A_208 = arith.constant 0 : i32
        %dma_wait3A_209 = arith.constant 0 : i32
        %dma_wait3A_210 = tpu.memref_slice %arg12[%run_scoped3A_137, %dma_wait3A_207, %dma_wait3A_208, %dma_wait3A_209] : memref<2x2x80x128xf32, #tpu.memory_space<vmem>> -> memref<1x2x80x128xf32, #tpu.memory_space<vmem>>
        %dma_wait3A_211 = tpu.memref_squeeze %dma_wait3A_210 : memref<1x2x80x128xf32, #tpu.memory_space<vmem>> -> memref<2x80x128xf32, #tpu.memory_space<vmem>>
        %dma_wait3A_212 = arith.constant 0 : i32
        %dma_wait3A_213 = arith.constant 0 : i32
        %dma_wait3A_214 = tpu.memref_slice %dma_wait3A_211[%run_scoped3A_138, %dma_wait3A_212, %dma_wait3A_213] : memref<2x80x128xf32, #tpu.memory_space<vmem>> -> memref<1x80x128xf32, #tpu.memory_space<vmem>>
        %dma_wait3A_215 = tpu.memref_squeeze %dma_wait3A_214 : memref<1x80x128xf32, #tpu.memory_space<vmem>> -> memref<80x128xf32, #tpu.memory_space<vmem>>
        %dma_wait3A_216 = arith.constant 128 : i32
        %dma_wait3A_217 = tpu.memref_slice %arg6[%add3A_134, %dma_wait3A_216] : memref<320000x256xf32, #tpu.memory_space<hbm>> -> memref<80x128xf32, #tpu.memory_space<hbm>>
        %dma_wait3A_218 = arith.constant 128 : i32
        %dma_wait3A_219 = tpu.memref_slice %arg6[%add3A_134, %dma_wait3A_218] : memref<320000x256xf32, #tpu.memory_space<hbm>> -> memref<80x128xf32, #tpu.memory_space<hbm>>
        %dma_wait3A_220 = arith.constant 0 : i32
        %dma_wait3A_221 = arith.constant 0 : i32
        %dma_wait3A_222 = arith.constant 0 : i32
        %dma_wait3A_223 = tpu.memref_slice %arg12[%run_scoped3A_137, %dma_wait3A_220, %dma_wait3A_221, %dma_wait3A_222] : memref<2x2x80x128xf32, #tpu.memory_space<vmem>> -> memref<1x2x80x128xf32, #tpu.memory_space<vmem>>
        %dma_wait3A_224 = tpu.memref_squeeze %dma_wait3A_223 : memref<1x2x80x128xf32, #tpu.memory_space<vmem>> -> memref<2x80x128xf32, #tpu.memory_space<vmem>>
        %dma_wait3A_225 = arith.constant 0 : i32
        %dma_wait3A_226 = arith.constant 0 : i32
        %dma_wait3A_227 = tpu.memref_slice %dma_wait3A_224[%run_scoped3A_138, %dma_wait3A_225, %dma_wait3A_226] : memref<2x80x128xf32, #tpu.memory_space<vmem>> -> memref<1x80x128xf32, #tpu.memory_space<vmem>>
        %dma_wait3A_228 = tpu.memref_squeeze %dma_wait3A_227 : memref<1x80x128xf32, #tpu.memory_space<vmem>> -> memref<80x128xf32, #tpu.memory_space<vmem>>
        tpu.wait_dma2 semaphore(%run_scoped3A_184 : memref<!tpu.dma_semaphore, #tpu.memory_space<semaphore_mem>>) src(%dma_wait3A_228 : memref<80x128xf32, #tpu.memory_space<vmem>>) dst(%dma_wait3A_219 : memref<80x128xf32, #tpu.memory_space<hbm>>)
        tpu.yield
      }) : () -> ()
      %mul3A_139 = arith.constant 2 : i32
      %mul3A_140 = arith.muli %mul3A_139, %add3A_110 : i32
      %add3A_141 = arith.constant 2 : i32
      %add3A_142 = arith.addi %mul3A_140, %add3A_141 : i32
      %lt3A = arith.constant 125 : i32
      %lt3A_143 = arith.cmpi slt, %add3A_142, %lt3A : i32
      %convert_element_type3A = arith.extui %lt3A_143 : i1 to i32
      %cond3A = arith.constant 0 : i32
      %cond3A_144 = arith.cmpi ne, %convert_element_type3A, %cond3A : i32
      scf.if %cond3A_144 {
        %mul3A_184 = arith.constant 2 : i32
        %mul3A_185 = arith.muli %mul3A_184, %add3A_110 : i32
        %add3A_186 = arith.constant 2 : i32
        %add3A_187 = arith.addi %mul3A_185, %add3A_186 : i32
        %dma_start3A_188 = arith.constant 0 : i32
        %dma_start3A_189 = arith.constant 0 : i32
        %dma_start3A_190 = arith.constant 0 : i32
        %dma_start3A_191 = arith.constant 0 : i32
        %dma_start3A_192 = arith.constant 0 : i32
        %dma_start3A_193 = tpu.memref_slice %arg12[%dma_start3A_188, %dma_start3A_190, %dma_start3A_191, %dma_start3A_192] : memref<2x2x80x128xf32, #tpu.memory_space<vmem>> -> memref<1x2x80x128xf32, #tpu.memory_space<vmem>>
        %dma_start3A_194 = tpu.memref_squeeze %dma_start3A_193 : memref<1x2x80x128xf32, #tpu.memory_space<vmem>> -> memref<2x80x128xf32, #tpu.memory_space<vmem>>
        %dma_start3A_195 = arith.constant 0 : i32
        %dma_start3A_196 = arith.constant 0 : i32
        %dma_start3A_197 = tpu.memref_slice %dma_start3A_194[%dma_start3A_189, %dma_start3A_195, %dma_start3A_196] : memref<2x80x128xf32, #tpu.memory_space<vmem>> -> memref<1x80x128xf32, #tpu.memory_space<vmem>>
        %dma_start3A_198 = tpu.memref_squeeze %dma_start3A_197 : memref<1x80x128xf32, #tpu.memory_space<vmem>> -> memref<80x128xf32, #tpu.memory_space<vmem>>
        %dma_start3A_199 = arith.constant 0 : i32
        %dma_start3A_200 = tpu.memref_slice %arg8[%add3A_187, %dma_start3A_199] : memref<125x80xi32, #tpu.memory_space<vmem>> -> memref<1x80xi32, #tpu.memory_space<vmem>>
        %dma_start3A_201 = tpu.memref_squeeze %dma_start3A_200 : memref<1x80xi32, #tpu.memory_space<vmem>> -> memref<80xi32, #tpu.memory_space<vmem>>
        %dma_start3A_202 = arith.constant 0 : i32
        %dma_start3A_203 = arith.constant 0 : i32
        %dma_start3A_204 = tpu.memref_slice %arg2[%dma_start3A_202, %dma_start3A_203] : memref<10240x128xf32, #tpu.memory_space<hbm>> -> memref<10240x128xf32, #tpu.memory_space<hbm>>
        tpu.enqueue_indirect_dma source(%dma_start3A_204 : memref<10240x128xf32, #tpu.memory_space<hbm>>) target(%dma_start3A_198 : memref<80x128xf32, #tpu.memory_space<vmem>>) offsets(%dma_start3A_201 : memref<80xi32, #tpu.memory_space<vmem>>) semaphore(%arg13 : memref<!tpu.dma_semaphore, #tpu.memory_space<semaphore_mem>>)
        %dma_start3A_205 = arith.constant 0 : i32
        %dma_start3A_206 = arith.constant 1 : i32
        %dma_start3A_207 = arith.constant 0 : i32
        %dma_start3A_208 = arith.constant 0 : i32
        %dma_start3A_209 = arith.constant 0 : i32
        %dma_start3A_210 = tpu.memref_slice %arg12[%dma_start3A_205, %dma_start3A_207, %dma_start3A_208, %dma_start3A_209] : memref<2x2x80x128xf32, #tpu.memory_space<vmem>> -> memref<1x2x80x128xf32, #tpu.memory_space<vmem>>
        %dma_start3A_211 = tpu.memref_squeeze %dma_start3A_210 : memref<1x2x80x128xf32, #tpu.memory_space<vmem>> -> memref<2x80x128xf32, #tpu.memory_space<vmem>>
        %dma_start3A_212 = arith.constant 0 : i32
        %dma_start3A_213 = arith.constant 0 : i32
        %dma_start3A_214 = tpu.memref_slice %dma_start3A_211[%dma_start3A_206, %dma_start3A_212, %dma_start3A_213] : memref<2x80x128xf32, #tpu.memory_space<vmem>> -> memref<1x80x128xf32, #tpu.memory_space<vmem>>
        %dma_start3A_215 = tpu.memref_squeeze %dma_start3A_214 : memref<1x80x128xf32, #tpu.memory_space<vmem>> -> memref<80x128xf32, #tpu.memory_space<vmem>>
        %dma_start3A_216 = arith.constant 0 : i32
        %dma_start3A_217 = tpu.memref_slice %arg9[%add3A_187, %dma_start3A_216] : memref<125x80xi32, #tpu.memory_space<vmem>> -> memref<1x80xi32, #tpu.memory_space<vmem>>
        %dma_start3A_218 = tpu.memref_squeeze %dma_start3A_217 : memref<1x80xi32, #tpu.memory_space<vmem>> -> memref<80xi32, #tpu.memory_space<vmem>>
        %dma_start3A_219 = arith.constant 0 : i32
        %dma_start3A_220 = arith.constant 0 : i32
        %dma_start3A_221 = tpu.memref_slice %arg2[%dma_start3A_219, %dma_start3A_220] : memref<10240x128xf32, #tpu.memory_space<hbm>> -> memref<10240x128xf32, #tpu.memory_space<hbm>>
        tpu.enqueue_indirect_dma source(%dma_start3A_221 : memref<10240x128xf32, #tpu.memory_space<hbm>>) target(%dma_start3A_215 : memref<80x128xf32, #tpu.memory_space<vmem>>) offsets(%dma_start3A_218 : memref<80xi32, #tpu.memory_space<vmem>>) semaphore(%arg13 : memref<!tpu.dma_semaphore, #tpu.memory_space<semaphore_mem>>)
      } else {
      }
      %dma_wait3A_145 = arith.constant 1 : i32
      %dma_wait3A_146 = arith.constant 0 : i32
      %dma_wait3A_147 = arith.constant 0 : i32
      %dma_wait3A_148 = arith.constant 0 : i32
      %dma_wait3A_149 = tpu.memref_slice %arg12[%dma_wait3A_145, %dma_wait3A_146, %dma_wait3A_147, %dma_wait3A_148] : memref<2x2x80x128xf32, #tpu.memory_space<vmem>> -> memref<1x2x80x128xf32, #tpu.memory_space<vmem>>
      %dma_wait3A_150 = tpu.memref_squeeze %dma_wait3A_149 : memref<1x2x80x128xf32, #tpu.memory_space<vmem>> -> memref<2x80x128xf32, #tpu.memory_space<vmem>>
      %dma_wait3A_151 = arith.constant 0 : i32
      %dma_wait3A_152 = arith.constant 0 : i32
      %dma_wait3A_153 = tpu.memref_slice %arg2[%dma_wait3A_151, %dma_wait3A_152] : memref<10240x128xf32, #tpu.memory_space<hbm>> -> memref<160x128xf32, #tpu.memory_space<hbm>>
      %dma_wait3A_154 = arith.constant 0 : i32
      %dma_wait3A_155 = arith.constant 0 : i32
      %dma_wait3A_156 = arith.constant 0 : i32
      %dma_wait3A_157 = tpu.memref_slice %arg12[%dma_wait3A_145, %dma_wait3A_154, %dma_wait3A_155, %dma_wait3A_156] : memref<2x2x80x128xf32, #tpu.memory_space<vmem>> -> memref<1x2x80x128xf32, #tpu.memory_space<vmem>>
      %dma_wait3A_158 = tpu.memref_squeeze %dma_wait3A_157 : memref<1x2x80x128xf32, #tpu.memory_space<vmem>> -> memref<2x80x128xf32, #tpu.memory_space<vmem>>
      %dma_wait3A_159 = arith.constant 0 : i32
      %dma_wait3A_160 = arith.constant 0 : i32
      %dma_wait3A_161 = tpu.memref_slice %arg2[%dma_wait3A_159, %dma_wait3A_160] : memref<10240x128xf32, #tpu.memory_space<hbm>> -> memref<160x128xf32, #tpu.memory_space<hbm>>
      tpu.wait_dma2 semaphore(%arg14 : memref<!tpu.dma_semaphore, #tpu.memory_space<semaphore_mem>>) src(%dma_wait3A_161 : memref<160x128xf32, #tpu.memory_space<hbm>>) dst(%dma_wait3A_158 : memref<2x80x128xf32, #tpu.memory_space<vmem>>)
      %mul3A_162 = arith.constant 2 : i32
      %mul3A_163 = arith.muli %mul3A_162, %add3A_110 : i32
      %add3A_164 = arith.constant 1 : i32
      %add3A_165 = arith.addi %mul3A_163, %add3A_164 : i32
      %mul3A_166 = arith.constant 10000 : i32
      %mul3A_167 = arith.muli %add3A, %mul3A_166 : i32
      %mul3A_168 = arith.constant 80 : i32
      %mul3A_169 = arith.muli %add3A_165, %mul3A_168 : i32
      %add3A_170 = arith.addi %mul3A_167, %mul3A_169 : i32
      %run_scoped3A_171 = arith.constant 1 : i32
      %run_scoped3A_172 = arith.constant 0 : i32
      "tpu.region"() ({
        %run_scoped3A_184 = tpu.sem_alloc : memref<!tpu.dma_semaphore, #tpu.memory_space<semaphore_mem>>
        %dma_start3A_185 = arith.constant 0 : i32
        %dma_start3A_186 = arith.constant 0 : i32
        %dma_start3A_187 = arith.constant 0 : i32
        %dma_start3A_188 = tpu.memref_slice %arg12[%run_scoped3A_171, %dma_start3A_185, %dma_start3A_186, %dma_start3A_187] : memref<2x2x80x128xf32, #tpu.memory_space<vmem>> -> memref<1x2x80x128xf32, #tpu.memory_space<vmem>>
        %dma_start3A_189 = tpu.memref_squeeze %dma_start3A_188 : memref<1x2x80x128xf32, #tpu.memory_space<vmem>> -> memref<2x80x128xf32, #tpu.memory_space<vmem>>
        %dma_start3A_190 = arith.constant 0 : i32
        %dma_start3A_191 = arith.constant 0 : i32
        %dma_start3A_192 = tpu.memref_slice %dma_start3A_189[%run_scoped3A_172, %dma_start3A_190, %dma_start3A_191] : memref<2x80x128xf32, #tpu.memory_space<vmem>> -> memref<1x80x128xf32, #tpu.memory_space<vmem>>
        %dma_start3A_193 = tpu.memref_squeeze %dma_start3A_192 : memref<1x80x128xf32, #tpu.memory_space<vmem>> -> memref<80x128xf32, #tpu.memory_space<vmem>>
        %dma_start3A_194 = arith.constant 0 : i32
        %dma_start3A_195 = tpu.memref_slice %arg6[%add3A_170, %dma_start3A_194] : memref<320000x256xf32, #tpu.memory_space<hbm>> -> memref<80x128xf32, #tpu.memory_space<hbm>>
        %dma_start3A_196 = arith.constant 0 : i32
        %dma_start3A_197 = tpu.memref_slice %arg6[%add3A_170, %dma_start3A_196] : memref<320000x256xf32, #tpu.memory_space<hbm>> -> memref<80x128xf32, #tpu.memory_space<hbm>>
        %dma_start3A_198 = arith.constant 0 : i32
        %dma_start3A_199 = arith.constant 0 : i32
        %dma_start3A_200 = arith.constant 0 : i32
        %dma_start3A_201 = tpu.memref_slice %arg12[%run_scoped3A_171, %dma_start3A_198, %dma_start3A_199, %dma_start3A_200] : memref<2x2x80x128xf32, #tpu.memory_space<vmem>> -> memref<1x2x80x128xf32, #tpu.memory_space<vmem>>
        %dma_start3A_202 = tpu.memref_squeeze %dma_start3A_201 : memref<1x2x80x128xf32, #tpu.memory_space<vmem>> -> memref<2x80x128xf32, #tpu.memory_space<vmem>>
        %dma_start3A_203 = arith.constant 0 : i32
        %dma_start3A_204 = arith.constant 0 : i32
        %dma_start3A_205 = tpu.memref_slice %dma_start3A_202[%run_scoped3A_172, %dma_start3A_203, %dma_start3A_204] : memref<2x80x128xf32, #tpu.memory_space<vmem>> -> memref<1x80x128xf32, #tpu.memory_space<vmem>>
        %dma_start3A_206 = tpu.memref_squeeze %dma_start3A_205 : memref<1x80x128xf32, #tpu.memory_space<vmem>> -> memref<80x128xf32, #tpu.memory_space<vmem>>
        tpu.enqueue_dma source(%dma_start3A_206 : memref<80x128xf32, #tpu.memory_space<vmem>>) target(%dma_start3A_197 : memref<80x128xf32, #tpu.memory_space<hbm>>) target_semaphore(%run_scoped3A_184 : memref<!tpu.dma_semaphore, #tpu.memory_space<semaphore_mem>>)
        %dma_wait3A_207 = arith.constant 0 : i32
        %dma_wait3A_208 = arith.constant 0 : i32
        %dma_wait3A_209 = arith.constant 0 : i32
        %dma_wait3A_210 = tpu.memref_slice %arg12[%run_scoped3A_171, %dma_wait3A_207, %dma_wait3A_208, %dma_wait3A_209] : memref<2x2x80x128xf32, #tpu.memory_space<vmem>> -> memref<1x2x80x128xf32, #tpu.memory_space<vmem>>
        %dma_wait3A_211 = tpu.memref_squeeze %dma_wait3A_210 : memref<1x2x80x128xf32, #tpu.memory_space<vmem>> -> memref<2x80x128xf32, #tpu.memory_space<vmem>>
        %dma_wait3A_212 = arith.constant 0 : i32
        %dma_wait3A_213 = arith.constant 0 : i32
        %dma_wait3A_214 = tpu.memref_slice %dma_wait3A_211[%run_scoped3A_172, %dma_wait3A_212, %dma_wait3A_213] : memref<2x80x128xf32, #tpu.memory_space<vmem>> -> memref<1x80x128xf32, #tpu.memory_space<vmem>>
        %dma_wait3A_215 = tpu.memref_squeeze %dma_wait3A_214 : memref<1x80x128xf32, #tpu.memory_space<vmem>> -> memref<80x128xf32, #tpu.memory_space<vmem>>
        %dma_wait3A_216 = arith.constant 0 : i32
        %dma_wait3A_217 = tpu.memref_slice %arg6[%add3A_170, %dma_wait3A_216] : memref<320000x256xf32, #tpu.memory_space<hbm>> -> memref<80x128xf32, #tpu.memory_space<hbm>>
        %dma_wait3A_218 = arith.constant 0 : i32
        %dma_wait3A_219 = tpu.memref_slice %arg6[%add3A_170, %dma_wait3A_218] : memref<320000x256xf32, #tpu.memory_space<hbm>> -> memref<80x128xf32, #tpu.memory_space<hbm>>
        %dma_wait3A_220 = arith.constant 0 : i32
        %dma_wait3A_221 = arith.constant 0 : i32
        %dma_wait3A_222 = arith.constant 0 : i32
        %dma_wait3A_223 = tpu.memref_slice %arg12[%run_scoped3A_171, %dma_wait3A_220, %dma_wait3A_221, %dma_wait3A_222] : memref<2x2x80x128xf32, #tpu.memory_space<vmem>> -> memref<1x2x80x128xf32, #tpu.memory_space<vmem>>
        %dma_wait3A_224 = tpu.memref_squeeze %dma_wait3A_223 : memref<1x2x80x128xf32, #tpu.memory_space<vmem>> -> memref<2x80x128xf32, #tpu.memory_space<vmem>>
        %dma_wait3A_225 = arith.constant 0 : i32
        %dma_wait3A_226 = arith.constant 0 : i32
        %dma_wait3A_227 = tpu.memref_slice %dma_wait3A_224[%run_scoped3A_172, %dma_wait3A_225, %dma_wait3A_226] : memref<2x80x128xf32, #tpu.memory_space<vmem>> -> memref<1x80x128xf32, #tpu.memory_space<vmem>>
        %dma_wait3A_228 = tpu.memref_squeeze %dma_wait3A_227 : memref<1x80x128xf32, #tpu.memory_space<vmem>> -> memref<80x128xf32, #tpu.memory_space<vmem>>
        tpu.wait_dma2 semaphore(%run_scoped3A_184 : memref<!tpu.dma_semaphore, #tpu.memory_space<semaphore_mem>>) src(%dma_wait3A_228 : memref<80x128xf32, #tpu.memory_space<vmem>>) dst(%dma_wait3A_219 : memref<80x128xf32, #tpu.memory_space<hbm>>)
        tpu.yield
      }) : () -> ()
      %run_scoped3A_173 = arith.constant 1 : i32
      %run_scoped3A_174 = arith.constant 1 : i32
      "tpu.region"() ({
        %run_scoped3A_184 = tpu.sem_alloc : memref<!tpu.dma_semaphore, #tpu.memory_space<semaphore_mem>>
        %dma_start3A_185 = arith.constant 0 : i32
        %dma_start3A_186 = arith.constant 0 : i32
        %dma_start3A_187 = arith.constant 0 : i32
        %dma_start3A_188 = tpu.memref_slice %arg12[%run_scoped3A_173, %dma_start3A_185, %dma_start3A_186, %dma_start3A_187] : memref<2x2x80x128xf32, #tpu.memory_space<vmem>> -> memref<1x2x80x128xf32, #tpu.memory_space<vmem>>
        %dma_start3A_189 = tpu.memref_squeeze %dma_start3A_188 : memref<1x2x80x128xf32, #tpu.memory_space<vmem>> -> memref<2x80x128xf32, #tpu.memory_space<vmem>>
        %dma_start3A_190 = arith.constant 0 : i32
        %dma_start3A_191 = arith.constant 0 : i32
        %dma_start3A_192 = tpu.memref_slice %dma_start3A_189[%run_scoped3A_174, %dma_start3A_190, %dma_start3A_191] : memref<2x80x128xf32, #tpu.memory_space<vmem>> -> memref<1x80x128xf32, #tpu.memory_space<vmem>>
        %dma_start3A_193 = tpu.memref_squeeze %dma_start3A_192 : memref<1x80x128xf32, #tpu.memory_space<vmem>> -> memref<80x128xf32, #tpu.memory_space<vmem>>
        %dma_start3A_194 = arith.constant 128 : i32
        %dma_start3A_195 = tpu.memref_slice %arg6[%add3A_170, %dma_start3A_194] : memref<320000x256xf32, #tpu.memory_space<hbm>> -> memref<80x128xf32, #tpu.memory_space<hbm>>
        %dma_start3A_196 = arith.constant 128 : i32
        %dma_start3A_197 = tpu.memref_slice %arg6[%add3A_170, %dma_start3A_196] : memref<320000x256xf32, #tpu.memory_space<hbm>> -> memref<80x128xf32, #tpu.memory_space<hbm>>
        %dma_start3A_198 = arith.constant 0 : i32
        %dma_start3A_199 = arith.constant 0 : i32
        %dma_start3A_200 = arith.constant 0 : i32
        %dma_start3A_201 = tpu.memref_slice %arg12[%run_scoped3A_173, %dma_start3A_198, %dma_start3A_199, %dma_start3A_200] : memref<2x2x80x128xf32, #tpu.memory_space<vmem>> -> memref<1x2x80x128xf32, #tpu.memory_space<vmem>>
        %dma_start3A_202 = tpu.memref_squeeze %dma_start3A_201 : memref<1x2x80x128xf32, #tpu.memory_space<vmem>> -> memref<2x80x128xf32, #tpu.memory_space<vmem>>
        %dma_start3A_203 = arith.constant 0 : i32
        %dma_start3A_204 = arith.constant 0 : i32
        %dma_start3A_205 = tpu.memref_slice %dma_start3A_202[%run_scoped3A_174, %dma_start3A_203, %dma_start3A_204] : memref<2x80x128xf32, #tpu.memory_space<vmem>> -> memref<1x80x128xf32, #tpu.memory_space<vmem>>
        %dma_start3A_206 = tpu.memref_squeeze %dma_start3A_205 : memref<1x80x128xf32, #tpu.memory_space<vmem>> -> memref<80x128xf32, #tpu.memory_space<vmem>>
        tpu.enqueue_dma source(%dma_start3A_206 : memref<80x128xf32, #tpu.memory_space<vmem>>) target(%dma_start3A_197 : memref<80x128xf32, #tpu.memory_space<hbm>>) target_semaphore(%run_scoped3A_184 : memref<!tpu.dma_semaphore, #tpu.memory_space<semaphore_mem>>)
        %dma_wait3A_207 = arith.constant 0 : i32
        %dma_wait3A_208 = arith.constant 0 : i32
        %dma_wait3A_209 = arith.constant 0 : i32
        %dma_wait3A_210 = tpu.memref_slice %arg12[%run_scoped3A_173, %dma_wait3A_207, %dma_wait3A_208, %dma_wait3A_209] : memref<2x2x80x128xf32, #tpu.memory_space<vmem>> -> memref<1x2x80x128xf32, #tpu.memory_space<vmem>>
        %dma_wait3A_211 = tpu.memref_squeeze %dma_wait3A_210 : memref<1x2x80x128xf32, #tpu.memory_space<vmem>> -> memref<2x80x128xf32, #tpu.memory_space<vmem>>
        %dma_wait3A_212 = arith.constant 0 : i32
        %dma_wait3A_213 = arith.constant 0 : i32
        %dma_wait3A_214 = tpu.memref_slice %dma_wait3A_211[%run_scoped3A_174, %dma_wait3A_212, %dma_wait3A_213] : memref<2x80x128xf32, #tpu.memory_space<vmem>> -> memref<1x80x128xf32, #tpu.memory_space<vmem>>
        %dma_wait3A_215 = tpu.memref_squeeze %dma_wait3A_214 : memref<1x80x128xf32, #tpu.memory_space<vmem>> -> memref<80x128xf32, #tpu.memory_space<vmem>>
        %dma_wait3A_216 = arith.constant 128 : i32
        %dma_wait3A_217 = tpu.memref_slice %arg6[%add3A_170, %dma_wait3A_216] : memref<320000x256xf32, #tpu.memory_space<hbm>> -> memref<80x128xf32, #tpu.memory_space<hbm>>
        %dma_wait3A_218 = arith.constant 128 : i32
        %dma_wait3A_219 = tpu.memref_slice %arg6[%add3A_170, %dma_wait3A_218] : memref<320000x256xf32, #tpu.memory_space<hbm>> -> memref<80x128xf32, #tpu.memory_space<hbm>>
        %dma_wait3A_220 = arith.constant 0 : i32
        %dma_wait3A_221 = arith.constant 0 : i32
        %dma_wait3A_222 = arith.constant 0 : i32
        %dma_wait3A_223 = tpu.memref_slice %arg12[%run_scoped3A_173, %dma_wait3A_220, %dma_wait3A_221, %dma_wait3A_222] : memref<2x2x80x128xf32, #tpu.memory_space<vmem>> -> memref<1x2x80x128xf32, #tpu.memory_space<vmem>>
        %dma_wait3A_224 = tpu.memref_squeeze %dma_wait3A_223 : memref<1x2x80x128xf32, #tpu.memory_space<vmem>> -> memref<2x80x128xf32, #tpu.memory_space<vmem>>
        %dma_wait3A_225 = arith.constant 0 : i32
        %dma_wait3A_226 = arith.constant 0 : i32
        %dma_wait3A_227 = tpu.memref_slice %dma_wait3A_224[%run_scoped3A_174, %dma_wait3A_225, %dma_wait3A_226] : memref<2x80x128xf32, #tpu.memory_space<vmem>> -> memref<1x80x128xf32, #tpu.memory_space<vmem>>
        %dma_wait3A_228 = tpu.memref_squeeze %dma_wait3A_227 : memref<1x80x128xf32, #tpu.memory_space<vmem>> -> memref<80x128xf32, #tpu.memory_space<vmem>>
        tpu.wait_dma2 semaphore(%run_scoped3A_184 : memref<!tpu.dma_semaphore, #tpu.memory_space<semaphore_mem>>) src(%dma_wait3A_228 : memref<80x128xf32, #tpu.memory_space<vmem>>) dst(%dma_wait3A_219 : memref<80x128xf32, #tpu.memory_space<hbm>>)
        tpu.yield
      }) : () -> ()
      %mul3A_175 = arith.constant 2 : i32
      %mul3A_176 = arith.muli %mul3A_175, %add3A_110 : i32
      %add3A_177 = arith.constant 3 : i32
      %add3A_178 = arith.addi %mul3A_176, %add3A_177 : i32
      %lt3A_179 = arith.constant 125 : i32
      %lt3A_180 = arith.cmpi slt, %add3A_178, %lt3A_179 : i32
      %convert_element_type3A_181 = arith.extui %lt3A_180 : i1 to i32
      %cond3A_182 = arith.constant 0 : i32
      %cond3A_183 = arith.cmpi ne, %convert_element_type3A_181, %cond3A_182 : i32
      scf.if %cond3A_183 {
        %mul3A_184 = arith.constant 2 : i32
        %mul3A_185 = arith.muli %mul3A_184, %add3A_110 : i32
        %add3A_186 = arith.constant 3 : i32
        %add3A_187 = arith.addi %mul3A_185, %add3A_186 : i32
        %dma_start3A_188 = arith.constant 1 : i32
        %dma_start3A_189 = arith.constant 0 : i32
        %dma_start3A_190 = arith.constant 0 : i32
        %dma_start3A_191 = arith.constant 0 : i32
        %dma_start3A_192 = arith.constant 0 : i32
        %dma_start3A_193 = tpu.memref_slice %arg12[%dma_start3A_188, %dma_start3A_190, %dma_start3A_191, %dma_start3A_192] : memref<2x2x80x128xf32, #tpu.memory_space<vmem>> -> memref<1x2x80x128xf32, #tpu.memory_space<vmem>>
        %dma_start3A_194 = tpu.memref_squeeze %dma_start3A_193 : memref<1x2x80x128xf32, #tpu.memory_space<vmem>> -> memref<2x80x128xf32, #tpu.memory_space<vmem>>
        %dma_start3A_195 = arith.constant 0 : i32
        %dma_start3A_196 = arith.constant 0 : i32
        %dma_start3A_197 = tpu.memref_slice %dma_start3A_194[%dma_start3A_189, %dma_start3A_195, %dma_start3A_196] : memref<2x80x128xf32, #tpu.memory_space<vmem>> -> memref<1x80x128xf32, #tpu.memory_space<vmem>>
        %dma_start3A_198 = tpu.memref_squeeze %dma_start3A_197 : memref<1x80x128xf32, #tpu.memory_space<vmem>> -> memref<80x128xf32, #tpu.memory_space<vmem>>
        %dma_start3A_199 = arith.constant 0 : i32
        %dma_start3A_200 = tpu.memref_slice %arg8[%add3A_187, %dma_start3A_199] : memref<125x80xi32, #tpu.memory_space<vmem>> -> memref<1x80xi32, #tpu.memory_space<vmem>>
        %dma_start3A_201 = tpu.memref_squeeze %dma_start3A_200 : memref<1x80xi32, #tpu.memory_space<vmem>> -> memref<80xi32, #tpu.memory_space<vmem>>
        %dma_start3A_202 = arith.constant 0 : i32
        %dma_start3A_203 = arith.constant 0 : i32
        %dma_start3A_204 = tpu.memref_slice %arg2[%dma_start3A_202, %dma_start3A_203] : memref<10240x128xf32, #tpu.memory_space<hbm>> -> memref<10240x128xf32, #tpu.memory_space<hbm>>
        tpu.enqueue_indirect_dma source(%dma_start3A_204 : memref<10240x128xf32, #tpu.memory_space<hbm>>) target(%dma_start3A_198 : memref<80x128xf32, #tpu.memory_space<vmem>>) offsets(%dma_start3A_201 : memref<80xi32, #tpu.memory_space<vmem>>) semaphore(%arg14 : memref<!tpu.dma_semaphore, #tpu.memory_space<semaphore_mem>>)
        %dma_start3A_205 = arith.constant 1 : i32
        %dma_start3A_206 = arith.constant 1 : i32
        %dma_start3A_207 = arith.constant 0 : i32
        %dma_start3A_208 = arith.constant 0 : i32
        %dma_start3A_209 = arith.constant 0 : i32
        %dma_start3A_210 = tpu.memref_slice %arg12[%dma_start3A_205, %dma_start3A_207, %dma_start3A_208, %dma_start3A_209] : memref<2x2x80x128xf32, #tpu.memory_space<vmem>> -> memref<1x2x80x128xf32, #tpu.memory_space<vmem>>
        %dma_start3A_211 = tpu.memref_squeeze %dma_start3A_210 : memref<1x2x80x128xf32, #tpu.memory_space<vmem>> -> memref<2x80x128xf32, #tpu.memory_space<vmem>>
        %dma_start3A_212 = arith.constant 0 : i32
        %dma_start3A_213 = arith.constant 0 : i32
        %dma_start3A_214 = tpu.memref_slice %dma_start3A_211[%dma_start3A_206, %dma_start3A_212, %dma_start3A_213] : memref<2x80x128xf32, #tpu.memory_space<vmem>> -> memref<1x80x128xf32, #tpu.memory_space<vmem>>
        %dma_start3A_215 = tpu.memref_squeeze %dma_start3A_214 : memref<1x80x128xf32, #tpu.memory_space<vmem>> -> memref<80x128xf32, #tpu.memory_space<vmem>>
        %dma_start3A_216 = arith.constant 0 : i32
        %dma_start3A_217 = tpu.memref_slice %arg9[%add3A_187, %dma_start3A_216] : memref<125x80xi32, #tpu.memory_space<vmem>> -> memref<1x80xi32, #tpu.memory_space<vmem>>
        %dma_start3A_218 = tpu.memref_squeeze %dma_start3A_217 : memref<1x80xi32, #tpu.memory_space<vmem>> -> memref<80xi32, #tpu.memory_space<vmem>>
        %dma_start3A_219 = arith.constant 0 : i32
        %dma_start3A_220 = arith.constant 0 : i32
        %dma_start3A_221 = tpu.memref_slice %arg2[%dma_start3A_219, %dma_start3A_220] : memref<10240x128xf32, #tpu.memory_space<hbm>> -> memref<10240x128xf32, #tpu.memory_space<hbm>>
        tpu.enqueue_indirect_dma source(%dma_start3A_221 : memref<10240x128xf32, #tpu.memory_space<hbm>>) target(%dma_start3A_215 : memref<80x128xf32, #tpu.memory_space<vmem>>) offsets(%dma_start3A_218 : memref<80xi32, #tpu.memory_space<vmem>>) semaphore(%arg14 : memref<!tpu.dma_semaphore, #tpu.memory_space<semaphore_mem>>)
      } else {
      }
    }
    %scan3A_82 = arith.constant 62 : i32
    %dma_wait3A = arith.constant 0 : i32
    %dma_wait3A_83 = arith.constant 0 : i32
    %dma_wait3A_84 = arith.constant 0 : i32
    %dma_wait3A_85 = arith.constant 0 : i32
    %dma_wait3A_86 = tpu.memref_slice %arg12[%dma_wait3A, %dma_wait3A_83, %dma_wait3A_84, %dma_wait3A_85] : memref<2x2x80x128xf32, #tpu.memory_space<vmem>> -> memref<1x2x80x128xf32, #tpu.memory_space<vmem>>
    %dma_wait3A_87 = tpu.memref_squeeze %dma_wait3A_86 : memref<1x2x80x128xf32, #tpu.memory_space<vmem>> -> memref<2x80x128xf32, #tpu.memory_space<vmem>>
    %dma_wait3A_88 = arith.constant 0 : i32
    %dma_wait3A_89 = arith.constant 0 : i32
    %dma_wait3A_90 = tpu.memref_slice %arg2[%dma_wait3A_88, %dma_wait3A_89] : memref<10240x128xf32, #tpu.memory_space<hbm>> -> memref<160x128xf32, #tpu.memory_space<hbm>>
    %dma_wait3A_91 = arith.constant 0 : i32
    %dma_wait3A_92 = arith.constant 0 : i32
    %dma_wait3A_93 = arith.constant 0 : i32
    %dma_wait3A_94 = tpu.memref_slice %arg12[%dma_wait3A, %dma_wait3A_91, %dma_wait3A_92, %dma_wait3A_93] : memref<2x2x80x128xf32, #tpu.memory_space<vmem>> -> memref<1x2x80x128xf32, #tpu.memory_space<vmem>>
    %dma_wait3A_95 = tpu.memref_squeeze %dma_wait3A_94 : memref<1x2x80x128xf32, #tpu.memory_space<vmem>> -> memref<2x80x128xf32, #tpu.memory_space<vmem>>
    %dma_wait3A_96 = arith.constant 0 : i32
    %dma_wait3A_97 = arith.constant 0 : i32
    %dma_wait3A_98 = tpu.memref_slice %arg2[%dma_wait3A_96, %dma_wait3A_97] : memref<10240x128xf32, #tpu.memory_space<hbm>> -> memref<160x128xf32, #tpu.memory_space<hbm>>
    tpu.wait_dma2 semaphore(%arg13 : memref<!tpu.dma_semaphore, #tpu.memory_space<semaphore_mem>>) src(%dma_wait3A_98 : memref<160x128xf32, #tpu.memory_space<hbm>>) dst(%dma_wait3A_95 : memref<2x80x128xf32, #tpu.memory_space<vmem>>)
    %mul3A_99 = arith.constant 10000 : i32
    %mul3A_100 = arith.muli %add3A, %mul3A_99 : i32
    %add3A_101 = arith.constant 9920 : i32
    %add3A_102 = arith.addi %mul3A_100, %add3A_101 : i32
    %run_scoped3A = arith.constant 0 : i32
    %run_scoped3A_103 = arith.constant 0 : i32
    "tpu.region"() ({
      %run_scoped3A_106 = tpu.sem_alloc : memref<!tpu.dma_semaphore, #tpu.memory_space<semaphore_mem>>
      %dma_start3A_107 = arith.constant 0 : i32
      %dma_start3A_108 = arith.constant 0 : i32
      %dma_start3A_109 = arith.constant 0 : i32
      %dma_start3A_110 = tpu.memref_slice %arg12[%run_scoped3A, %dma_start3A_107, %dma_start3A_108, %dma_start3A_109] : memref<2x2x80x128xf32, #tpu.memory_space<vmem>> -> memref<1x2x80x128xf32, #tpu.memory_space<vmem>>
      %dma_start3A_111 = tpu.memref_squeeze %dma_start3A_110 : memref<1x2x80x128xf32, #tpu.memory_space<vmem>> -> memref<2x80x128xf32, #tpu.memory_space<vmem>>
      %dma_start3A_112 = arith.constant 0 : i32
      %dma_start3A_113 = arith.constant 0 : i32
      %dma_start3A_114 = tpu.memref_slice %dma_start3A_111[%run_scoped3A_103, %dma_start3A_112, %dma_start3A_113] : memref<2x80x128xf32, #tpu.memory_space<vmem>> -> memref<1x80x128xf32, #tpu.memory_space<vmem>>
      %dma_start3A_115 = tpu.memref_squeeze %dma_start3A_114 : memref<1x80x128xf32, #tpu.memory_space<vmem>> -> memref<80x128xf32, #tpu.memory_space<vmem>>
      %dma_start3A_116 = arith.constant 0 : i32
      %dma_start3A_117 = tpu.memref_slice %arg6[%add3A_102, %dma_start3A_116] : memref<320000x256xf32, #tpu.memory_space<hbm>> -> memref<80x128xf32, #tpu.memory_space<hbm>>
      %dma_start3A_118 = arith.constant 0 : i32
      %dma_start3A_119 = tpu.memref_slice %arg6[%add3A_102, %dma_start3A_118] : memref<320000x256xf32, #tpu.memory_space<hbm>> -> memref<80x128xf32, #tpu.memory_space<hbm>>
      %dma_start3A_120 = arith.constant 0 : i32
      %dma_start3A_121 = arith.constant 0 : i32
      %dma_start3A_122 = arith.constant 0 : i32
      %dma_start3A_123 = tpu.memref_slice %arg12[%run_scoped3A, %dma_start3A_120, %dma_start3A_121, %dma_start3A_122] : memref<2x2x80x128xf32, #tpu.memory_space<vmem>> -> memref<1x2x80x128xf32, #tpu.memory_space<vmem>>
      %dma_start3A_124 = tpu.memref_squeeze %dma_start3A_123 : memref<1x2x80x128xf32, #tpu.memory_space<vmem>> -> memref<2x80x128xf32, #tpu.memory_space<vmem>>
      %dma_start3A_125 = arith.constant 0 : i32
      %dma_start3A_126 = arith.constant 0 : i32
      %dma_start3A_127 = tpu.memref_slice %dma_start3A_124[%run_scoped3A_103, %dma_start3A_125, %dma_start3A_126] : memref<2x80x128xf32, #tpu.memory_space<vmem>> -> memref<1x80x128xf32, #tpu.memory_space<vmem>>
      %dma_start3A_128 = tpu.memref_squeeze %dma_start3A_127 : memref<1x80x128xf32, #tpu.memory_space<vmem>> -> memref<80x128xf32, #tpu.memory_space<vmem>>
      tpu.enqueue_dma source(%dma_start3A_128 : memref<80x128xf32, #tpu.memory_space<vmem>>) target(%dma_start3A_119 : memref<80x128xf32, #tpu.memory_space<hbm>>) target_semaphore(%run_scoped3A_106 : memref<!tpu.dma_semaphore, #tpu.memory_space<semaphore_mem>>)
      %dma_wait3A_129 = arith.constant 0 : i32
      %dma_wait3A_130 = arith.constant 0 : i32
      %dma_wait3A_131 = arith.constant 0 : i32
      %dma_wait3A_132 = tpu.memref_slice %arg12[%run_scoped3A, %dma_wait3A_129, %dma_wait3A_130, %dma_wait3A_131] : memref<2x2x80x128xf32, #tpu.memory_space<vmem>> -> memref<1x2x80x128xf32, #tpu.memory_space<vmem>>
      %dma_wait3A_133 = tpu.memref_squeeze %dma_wait3A_132 : memref<1x2x80x128xf32, #tpu.memory_space<vmem>> -> memref<2x80x128xf32, #tpu.memory_space<vmem>>
      %dma_wait3A_134 = arith.constant 0 : i32
      %dma_wait3A_135 = arith.constant 0 : i32
      %dma_wait3A_136 = tpu.memref_slice %dma_wait3A_133[%run_scoped3A_103, %dma_wait3A_134, %dma_wait3A_135] : memref<2x80x128xf32, #tpu.memory_space<vmem>> -> memref<1x80x128xf32, #tpu.memory_space<vmem>>
      %dma_wait3A_137 = tpu.memref_squeeze %dma_wait3A_136 : memref<1x80x128xf32, #tpu.memory_space<vmem>> -> memref<80x128xf32, #tpu.memory_space<vmem>>
      %dma_wait3A_138 = arith.constant 0 : i32
      %dma_wait3A_139 = tpu.memref_slice %arg6[%add3A_102, %dma_wait3A_138] : memref<320000x256xf32, #tpu.memory_space<hbm>> -> memref<80x128xf32, #tpu.memory_space<hbm>>
      %dma_wait3A_140 = arith.constant 0 : i32
      %dma_wait3A_141 = tpu.memref_slice %arg6[%add3A_102, %dma_wait3A_140] : memref<320000x256xf32, #tpu.memory_space<hbm>> -> memref<80x128xf32, #tpu.memory_space<hbm>>
      %dma_wait3A_142 = arith.constant 0 : i32
      %dma_wait3A_143 = arith.constant 0 : i32
      %dma_wait3A_144 = arith.constant 0 : i32
      %dma_wait3A_145 = tpu.memref_slice %arg12[%run_scoped3A, %dma_wait3A_142, %dma_wait3A_143, %dma_wait3A_144] : memref<2x2x80x128xf32, #tpu.memory_space<vmem>> -> memref<1x2x80x128xf32, #tpu.memory_space<vmem>>
      %dma_wait3A_146 = tpu.memref_squeeze %dma_wait3A_145 : memref<1x2x80x128xf32, #tpu.memory_space<vmem>> -> memref<2x80x128xf32, #tpu.memory_space<vmem>>
      %dma_wait3A_147 = arith.constant 0 : i32
      %dma_wait3A_148 = arith.constant 0 : i32
      %dma_wait3A_149 = tpu.memref_slice %dma_wait3A_146[%run_scoped3A_103, %dma_wait3A_147, %dma_wait3A_148] : memref<2x80x128xf32, #tpu.memory_space<vmem>> -> memref<1x80x128xf32, #tpu.memory_space<vmem>>
      %dma_wait3A_150 = tpu.memref_squeeze %dma_wait3A_149 : memref<1x80x128xf32, #tpu.memory_space<vmem>> -> memref<80x128xf32, #tpu.memory_space<vmem>>
      tpu.wait_dma2 semaphore(%run_scoped3A_106 : memref<!tpu.dma_semaphore, #tpu.memory_space<semaphore_mem>>) src(%dma_wait3A_150 : memref<80x128xf32, #tpu.memory_space<vmem>>) dst(%dma_wait3A_141 : memref<80x128xf32, #tpu.memory_space<hbm>>)
      tpu.yield
    }) : () -> ()
    %run_scoped3A_104 = arith.constant 0 : i32
    %run_scoped3A_105 = arith.constant 1 : i32
    "tpu.region"() ({
      %run_scoped3A_106 = tpu.sem_alloc : memref<!tpu.dma_semaphore, #tpu.memory_space<semaphore_mem>>
      %dma_start3A_107 = arith.constant 0 : i32
      %dma_start3A_108 = arith.constant 0 : i32
      %dma_start3A_109 = arith.constant 0 : i32
      %dma_start3A_110 = tpu.memref_slice %arg12[%run_scoped3A_104, %dma_start3A_107, %dma_start3A_108, %dma_start3A_109] : memref<2x2x80x128xf32, #tpu.memory_space<vmem>> -> memref<1x2x80x128xf32, #tpu.memory_space<vmem>>
      %dma_start3A_111 = tpu.memref_squeeze %dma_start3A_110 : memref<1x2x80x128xf32, #tpu.memory_space<vmem>> -> memref<2x80x128xf32, #tpu.memory_space<vmem>>
      %dma_start3A_112 = arith.constant 0 : i32
      %dma_start3A_113 = arith.constant 0 : i32
      %dma_start3A_114 = tpu.memref_slice %dma_start3A_111[%run_scoped3A_105, %dma_start3A_112, %dma_start3A_113] : memref<2x80x128xf32, #tpu.memory_space<vmem>> -> memref<1x80x128xf32, #tpu.memory_space<vmem>>
      %dma_start3A_115 = tpu.memref_squeeze %dma_start3A_114 : memref<1x80x128xf32, #tpu.memory_space<vmem>> -> memref<80x128xf32, #tpu.memory_space<vmem>>
      %dma_start3A_116 = arith.constant 128 : i32
      %dma_start3A_117 = tpu.memref_slice %arg6[%add3A_102, %dma_start3A_116] : memref<320000x256xf32, #tpu.memory_space<hbm>> -> memref<80x128xf32, #tpu.memory_space<hbm>>
      %dma_start3A_118 = arith.constant 128 : i32
      %dma_start3A_119 = tpu.memref_slice %arg6[%add3A_102, %dma_start3A_118] : memref<320000x256xf32, #tpu.memory_space<hbm>> -> memref<80x128xf32, #tpu.memory_space<hbm>>
      %dma_start3A_120 = arith.constant 0 : i32
      %dma_start3A_121 = arith.constant 0 : i32
      %dma_start3A_122 = arith.constant 0 : i32
      %dma_start3A_123 = tpu.memref_slice %arg12[%run_scoped3A_104, %dma_start3A_120, %dma_start3A_121, %dma_start3A_122] : memref<2x2x80x128xf32, #tpu.memory_space<vmem>> -> memref<1x2x80x128xf32, #tpu.memory_space<vmem>>
      %dma_start3A_124 = tpu.memref_squeeze %dma_start3A_123 : memref<1x2x80x128xf32, #tpu.memory_space<vmem>> -> memref<2x80x128xf32, #tpu.memory_space<vmem>>
      %dma_start3A_125 = arith.constant 0 : i32
      %dma_start3A_126 = arith.constant 0 : i32
      %dma_start3A_127 = tpu.memref_slice %dma_start3A_124[%run_scoped3A_105, %dma_start3A_125, %dma_start3A_126] : memref<2x80x128xf32, #tpu.memory_space<vmem>> -> memref<1x80x128xf32, #tpu.memory_space<vmem>>
      %dma_start3A_128 = tpu.memref_squeeze %dma_start3A_127 : memref<1x80x128xf32, #tpu.memory_space<vmem>> -> memref<80x128xf32, #tpu.memory_space<vmem>>
      tpu.enqueue_dma source(%dma_start3A_128 : memref<80x128xf32, #tpu.memory_space<vmem>>) target(%dma_start3A_119 : memref<80x128xf32, #tpu.memory_space<hbm>>) target_semaphore(%run_scoped3A_106 : memref<!tpu.dma_semaphore, #tpu.memory_space<semaphore_mem>>)
      %dma_wait3A_129 = arith.constant 0 : i32
      %dma_wait3A_130 = arith.constant 0 : i32
      %dma_wait3A_131 = arith.constant 0 : i32
      %dma_wait3A_132 = tpu.memref_slice %arg12[%run_scoped3A_104, %dma_wait3A_129, %dma_wait3A_130, %dma_wait3A_131] : memref<2x2x80x128xf32, #tpu.memory_space<vmem>> -> memref<1x2x80x128xf32, #tpu.memory_space<vmem>>
      %dma_wait3A_133 = tpu.memref_squeeze %dma_wait3A_132 : memref<1x2x80x128xf32, #tpu.memory_space<vmem>> -> memref<2x80x128xf32, #tpu.memory_space<vmem>>
      %dma_wait3A_134 = arith.constant 0 : i32
      %dma_wait3A_135 = arith.constant 0 : i32
      %dma_wait3A_136 = tpu.memref_slice %dma_wait3A_133[%run_scoped3A_105, %dma_wait3A_134, %dma_wait3A_135] : memref<2x80x128xf32, #tpu.memory_space<vmem>> -> memref<1x80x128xf32, #tpu.memory_space<vmem>>
      %dma_wait3A_137 = tpu.memref_squeeze %dma_wait3A_136 : memref<1x80x128xf32, #tpu.memory_space<vmem>> -> memref<80x128xf32, #tpu.memory_space<vmem>>
      %dma_wait3A_138 = arith.constant 128 : i32
      %dma_wait3A_139 = tpu.memref_slice %arg6[%add3A_102, %dma_wait3A_138] : memref<320000x256xf32, #tpu.memory_space<hbm>> -> memref<80x128xf32, #tpu.memory_space<hbm>>
      %dma_wait3A_140 = arith.constant 128 : i32
      %dma_wait3A_141 = tpu.memref_slice %arg6[%add3A_102, %dma_wait3A_140] : memref<320000x256xf32, #tpu.memory_space<hbm>> -> memref<80x128xf32, #tpu.memory_space<hbm>>
      %dma_wait3A_142 = arith.constant 0 : i32
      %dma_wait3A_143 = arith.constant 0 : i32
      %dma_wait3A_144 = arith.constant 0 : i32
      %dma_wait3A_145 = tpu.memref_slice %arg12[%run_scoped3A_104, %dma_wait3A_142, %dma_wait3A_143, %dma_wait3A_144] : memref<2x2x80x128xf32, #tpu.memory_space<vmem>> -> memref<1x2x80x128xf32, #tpu.memory_space<vmem>>
      %dma_wait3A_146 = tpu.memref_squeeze %dma_wait3A_145 : memref<1x2x80x128xf32, #tpu.memory_space<vmem>> -> memref<2x80x128xf32, #tpu.memory_space<vmem>>
      %dma_wait3A_147 = arith.constant 0 : i32
      %dma_wait3A_148 = arith.constant 0 : i32
      %dma_wait3A_149 = tpu.memref_slice %dma_wait3A_146[%run_scoped3A_105, %dma_wait3A_147, %dma_wait3A_148] : memref<2x80x128xf32, #tpu.memory_space<vmem>> -> memref<1x80x128xf32, #tpu.memory_space<vmem>>
      %dma_wait3A_150 = tpu.memref_squeeze %dma_wait3A_149 : memref<1x80x128xf32, #tpu.memory_space<vmem>> -> memref<80x128xf32, #tpu.memory_space<vmem>>
      tpu.wait_dma2 semaphore(%run_scoped3A_106 : memref<!tpu.dma_semaphore, #tpu.memory_space<semaphore_mem>>) src(%dma_wait3A_150 : memref<80x128xf32, #tpu.memory_space<vmem>>) dst(%dma_wait3A_141 : memref<80x128xf32, #tpu.memory_space<hbm>>)
      tpu.yield
    }) : () -> ()
    return
  }
}

module attributes {stable_mosaic.version = 14 : i64} {
  func.func @_dense_kernel(%arg0: i32, %arg1: memref<640x128xf32, #tpu.memory_space<vmem>>, %arg2: memref<640x128xf32, #tpu.memory_space<vmem>>, %arg3: memref<16x640xf32, #tpu.memory_space<vmem>>, %arg4: memref<16x640xf32, #tpu.memory_space<vmem>>, %arg5: memref<256x128xf32, #tpu.memory_space<vmem>>, %arg6: memref<128xf32, #tpu.memory_space<vmem>>, %arg7: memref<256x128xf32, #tpu.memory_space<vmem>>, %arg8: memref<128xf32, #tpu.memory_space<vmem>>, %arg9: memref<256x1xf32, #tpu.memory_space<vmem>>, %arg10: memref<1xf32, #tpu.memory_space<vmem>>, %arg11: memref<640x128xf32, #tpu.memory_space<vmem>>, %arg12: memref<640x2xf32, #tpu.memory_space<vmem>>) attributes {dimension_semantics = [#tpu.dimension_semantics<arbitrary>], iteration_bounds = array<i64: 16>, scalar_prefetch = 0 : i64, scratch_operands = 0 : i64, tpu.core_type = #tpu.core_type<tc>, window_params = [{transform_indices = @transform_0, window_bounds = array<i64: 640, 128>}, {transform_indices = @transform_1, window_bounds = array<i64: 640, 128>}, {transform_indices = @transform_2, window_bounds = array<i64: 16, 640>}, {transform_indices = @transform_3, window_bounds = array<i64: 16, 640>}, {pipeline_mode = #tpu.pipeline_mode<synchronous>, transform_indices = @transform_4, window_bounds = array<i64: 256, 128>}, {pipeline_mode = #tpu.pipeline_mode<synchronous>, transform_indices = @transform_5, window_bounds = array<i64: 128>}, {pipeline_mode = #tpu.pipeline_mode<synchronous>, transform_indices = @transform_6, window_bounds = array<i64: 256, 128>}, {pipeline_mode = #tpu.pipeline_mode<synchronous>, transform_indices = @transform_7, window_bounds = array<i64: 128>}, {pipeline_mode = #tpu.pipeline_mode<synchronous>, transform_indices = @transform_8, window_bounds = array<i64: 256, 1>}, {pipeline_mode = #tpu.pipeline_mode<synchronous>, transform_indices = @transform_9, window_bounds = array<i64: 1>}, {transform_indices = @transform_10, window_bounds = array<i64: 640, 128>}, {transform_indices = @transform_11, window_bounds = array<i64: 640, 2>}]} {
    %get3A = arith.constant 0 : index
    %get3A_0 = arith.constant 0 : index
    %get3A_1 = vector.load %arg3[%get3A, %get3A_0] : memref<16x640xf32, #tpu.memory_space<vmem>>, vector<16x640xf32>
    %reduce_sum3A = arith.constant dense<0.000000e+00> : vector<640xf32>
    %reduce_sum3A_2 = vector.multi_reduction <add>, %get3A_1, %reduce_sum3A [0] : vector<16x640xf32> to vector<640xf32>
    %reshape3A = vector.shape_cast %reduce_sum3A_2 : vector<640xf32> to vector<640x1xf32>
    %get3A_3 = arith.constant 0 : index
    %get3A_4 = arith.constant 0 : index
    %get3A_5 = vector.load %arg4[%get3A_3, %get3A_4] : memref<16x640xf32, #tpu.memory_space<vmem>>, vector<16x640xf32>
    %reduce_sum3A_6 = arith.constant dense<0.000000e+00> : vector<640xf32>
    %reduce_sum3A_7 = vector.multi_reduction <add>, %get3A_5, %reduce_sum3A_6 [0] : vector<16x640xf32> to vector<640xf32>
    %reshape3A_8 = vector.shape_cast %reduce_sum3A_7 : vector<640xf32> to vector<640x1xf32>
    %get3A_9 = arith.constant 0 : index
    %get3A_10 = arith.constant 0 : index
    %get3A_11 = vector.load %arg1[%get3A_9, %get3A_10] : memref<640x128xf32, #tpu.memory_space<vmem>>, vector<640x128xf32>
    %max3A = arith.constant 1.000000e+00 : f32
    %max3A_12 = vector.broadcast %max3A : f32 to vector<640x1xf32>
    %max3A_13 = arith.maximumf %reshape3A, %max3A_12 : vector<640x1xf32>
    %div3A = vector.broadcast %max3A_13 : vector<640x1xf32> to vector<640x128xf32>
    %div3A_14 = arith.divf %get3A_11, %div3A : vector<640x128xf32>
    %get3A_15 = arith.constant 0 : index
    %get3A_16 = arith.constant 0 : index
    %get3A_17 = vector.load %arg2[%get3A_15, %get3A_16] : memref<640x128xf32, #tpu.memory_space<vmem>>, vector<640x128xf32>
    %max3A_18 = arith.constant 1.000000e+00 : f32
    %max3A_19 = vector.broadcast %max3A_18 : f32 to vector<640x1xf32>
    %max3A_20 = arith.maximumf %reshape3A_8, %max3A_19 : vector<640x1xf32>
    %div3A_21 = vector.broadcast %max3A_20 : vector<640x1xf32> to vector<640x128xf32>
    %div3A_22 = arith.divf %get3A_17, %div3A_21 : vector<640x128xf32>
    %get3A_23 = arith.constant 0 : index
    %get3A_24 = arith.constant 0 : index
    %get3A_25 = vector.load %arg5[%get3A_23, %get3A_24] : memref<256x128xf32, #tpu.memory_space<vmem>>, vector<256x128xf32>
    %slice3A = vector.extract_strided_slice %get3A_25 {offsets = [0, 0], sizes = [128, 128], strides = [1, 1]} : vector<256x128xf32> to vector<128x128xf32>
    %dot_general3A = arith.constant dense<0.000000e+00> : vector<640x128xf32>
    %dot_general3A_26 = tpu.matmul %div3A_22, %slice3A, %dot_general3A {dimension_numbers = #tpu.dot_dimension_numbers<[1], [0], [0], [1], [0, 0, 1, 1], [], []>, transpose_lhs_hint = false} : vector<640x128xf32>, vector<128x128xf32>, vector<640x128xf32> -> vector<640x128xf32>
    %slice3A_27 = vector.extract_strided_slice %get3A_25 {offsets = [128, 0], sizes = [128, 128], strides = [1, 1]} : vector<256x128xf32> to vector<128x128xf32>
    %dot_general3A_28 = arith.constant dense<0.000000e+00> : vector<640x128xf32>
    %dot_general3A_29 = tpu.matmul %div3A_14, %slice3A_27, %dot_general3A_28 {dimension_numbers = #tpu.dot_dimension_numbers<[1], [0], [0], [1], [0, 0, 1, 1], [], []>, transpose_lhs_hint = false} : vector<640x128xf32>, vector<128x128xf32>, vector<640x128xf32> -> vector<640x128xf32>
    %add3A = arith.addf %dot_general3A_26, %dot_general3A_29 : vector<640x128xf32>
    %get3A_30 = arith.constant 0 : index
    %get3A_31 = vector.load %arg6[%get3A_30] : memref<128xf32, #tpu.memory_space<vmem>>, vector<128xf32>
    %broadcast_in_dim3A = vector.shape_cast %get3A_31 : vector<128xf32> to vector<1x128xf32>
    %add3A_32 = vector.broadcast %broadcast_in_dim3A : vector<1x128xf32> to vector<640x128xf32>
    %add3A_33 = arith.addf %add3A, %add3A_32 : vector<640x128xf32>
    %neg3A = arith.constant 0.000000e+00 : f32
    %neg3A_34 = vector.broadcast %neg3A : f32 to vector<640x128xf32>
    %neg3A_35 = arith.subf %neg3A_34, %add3A_33 : vector<640x128xf32>
    %exp3A = math.exp %neg3A_35 : vector<640x128xf32>
    %add3A_36 = arith.constant 1.000000e+00 : f32
    %add3A_37 = vector.broadcast %add3A_36 : f32 to vector<640x128xf32>
    %add3A_38 = arith.addf %add3A_37, %exp3A : vector<640x128xf32>
    %div3A_39 = arith.constant 1.000000e+00 : f32
    %div3A_40 = vector.broadcast %div3A_39 : f32 to vector<640x128xf32>
    %div3A_41 = arith.divf %div3A_40, %add3A_38 : vector<640x128xf32>
    %get3A_42 = arith.constant 0 : index
    %get3A_43 = arith.constant 0 : index
    %get3A_44 = vector.load %arg7[%get3A_42, %get3A_43] : memref<256x128xf32, #tpu.memory_space<vmem>>, vector<256x128xf32>
    %slice3A_45 = vector.extract_strided_slice %get3A_44 {offsets = [0, 0], sizes = [128, 128], strides = [1, 1]} : vector<256x128xf32> to vector<128x128xf32>
    %dot_general3A_46 = arith.constant dense<0.000000e+00> : vector<640x128xf32>
    %dot_general3A_47 = tpu.matmul %div3A_41, %slice3A_45, %dot_general3A_46 {dimension_numbers = #tpu.dot_dimension_numbers<[1], [0], [0], [1], [0, 0, 1, 1], [], []>, transpose_lhs_hint = false} : vector<640x128xf32>, vector<128x128xf32>, vector<640x128xf32> -> vector<640x128xf32>
    %slice3A_48 = vector.extract_strided_slice %get3A_44 {offsets = [128, 0], sizes = [128, 128], strides = [1, 1]} : vector<256x128xf32> to vector<128x128xf32>
    %dot_general3A_49 = arith.constant dense<0.000000e+00> : vector<640x128xf32>
    %dot_general3A_50 = tpu.matmul %div3A_14, %slice3A_48, %dot_general3A_49 {dimension_numbers = #tpu.dot_dimension_numbers<[1], [0], [0], [1], [0, 0, 1, 1], [], []>, transpose_lhs_hint = false} : vector<640x128xf32>, vector<128x128xf32>, vector<640x128xf32> -> vector<640x128xf32>
    %add3A_51 = arith.addf %dot_general3A_47, %dot_general3A_50 : vector<640x128xf32>
    %get3A_52 = arith.constant 0 : index
    %get3A_53 = vector.load %arg8[%get3A_52] : memref<128xf32, #tpu.memory_space<vmem>>, vector<128xf32>
    %broadcast_in_dim3A_54 = vector.shape_cast %get3A_53 : vector<128xf32> to vector<1x128xf32>
    %add3A_55 = vector.broadcast %broadcast_in_dim3A_54 : vector<1x128xf32> to vector<640x128xf32>
    %add3A_56 = arith.addf %add3A_51, %add3A_55 : vector<640x128xf32>
    %neg3A_57 = arith.constant 0.000000e+00 : f32
    %neg3A_58 = vector.broadcast %neg3A_57 : f32 to vector<640x128xf32>
    %neg3A_59 = arith.subf %neg3A_58, %add3A_56 : vector<640x128xf32>
    %exp3A_60 = math.exp %neg3A_59 : vector<640x128xf32>
    %add3A_61 = arith.constant 1.000000e+00 : f32
    %add3A_62 = vector.broadcast %add3A_61 : f32 to vector<640x128xf32>
    %add3A_63 = arith.addf %add3A_62, %exp3A_60 : vector<640x128xf32>
    %div3A_64 = arith.constant 1.000000e+00 : f32
    %div3A_65 = vector.broadcast %div3A_64 : f32 to vector<640x128xf32>
    %div3A_66 = arith.divf %div3A_65, %add3A_63 : vector<640x128xf32>
    %swap3A = arith.constant 0 : index
    %swap3A_67 = arith.constant 0 : index
    %swap3A_68 = vector.load %arg11[%swap3A, %swap3A_67] : memref<640x128xf32, #tpu.memory_space<vmem>>, vector<640x128xf32>
    tpu.vector_store %arg11[%swap3A, %swap3A_67], %div3A_66 {strides = array<i32>} : memref<640x128xf32, #tpu.memory_space<vmem>>, vector<640x128xf32>,
    %get3A_69 = arith.constant 0 : index
    %get3A_70 = arith.constant 0 : index
    %get3A_71 = vector.load %arg9[%get3A_69, %get3A_70] : memref<256x1xf32, #tpu.memory_space<vmem>>, vector<256x1xf32>
    %slice3A_72 = vector.extract_strided_slice %get3A_71 {offsets = [0, 0], sizes = [128, 1], strides = [1, 1]} : vector<256x1xf32> to vector<128x1xf32>
    %dot_general3A_73 = arith.constant dense<0.000000e+00> : vector<640x1xf32>
    %dot_general3A_74 = tpu.matmul %div3A_66, %slice3A_72, %dot_general3A_73 {dimension_numbers = #tpu.dot_dimension_numbers<[1], [0], [0], [1], [0, 0, 1, 1], [], []>, transpose_lhs_hint = false} : vector<640x128xf32>, vector<128x1xf32>, vector<640x1xf32> -> vector<640x1xf32>
    %get3A_75 = arith.constant 0 : index
    %get3A_76 = vector.load %arg10[%get3A_75] : memref<1xf32, #tpu.memory_space<vmem>>, vector<1xf32>
    %broadcast_in_dim3A_77 = vector.shape_cast %get3A_76 : vector<1xf32> to vector<1x1xf32>
    %add3A_78 = vector.broadcast %broadcast_in_dim3A_77 : vector<1x1xf32> to vector<640x1xf32>
    %add3A_79 = arith.addf %dot_general3A_74, %add3A_78 : vector<640x1xf32>
    %slice3A_80 = vector.extract_strided_slice %get3A_71 {offsets = [128, 0], sizes = [128, 1], strides = [1, 1]} : vector<256x1xf32> to vector<128x1xf32>
    %dot_general3A_81 = arith.constant dense<0.000000e+00> : vector<640x1xf32>
    %dot_general3A_82 = tpu.matmul %div3A_66, %slice3A_80, %dot_general3A_81 {dimension_numbers = #tpu.dot_dimension_numbers<[1], [0], [0], [1], [0, 0, 1, 1], [], []>, transpose_lhs_hint = false} : vector<640x128xf32>, vector<128x1xf32>, vector<640x1xf32> -> vector<640x1xf32>
    %concatenate3A = tpu.concatenate %add3A_79, %dot_general3A_82 in 1 : vector<640x1xf32>, vector<640x1xf32> -> vector<640x2xf32>
    %swap3A_83 = arith.constant 0 : index
    %swap3A_84 = arith.constant 0 : index
    %swap3A_85 = vector.load %arg12[%swap3A_83, %swap3A_84] : memref<640x2xf32, #tpu.memory_space<vmem>>, vector<640x2xf32>
    tpu.vector_store %arg12[%swap3A_83, %swap3A_84], %concatenate3A {strides = array<i32>} : memref<640x2xf32, #tpu.memory_space<vmem>>, vector<640x2xf32>,
    return
  }
  func.func @transform_0(%arg0: i32) -> (i32, i32) {
    %c0_i32 = arith.constant 0 : i32
    %c0_i32_0 = arith.constant 0 : i32
    return %arg0, %c0_i32 : i32, i32
  }
  func.func @transform_1(%arg0: i32) -> (i32, i32) {
    %add3A = arith.constant 16 : i32
    %add3A_0 = arith.addi %arg0, %add3A : i32
    %c0_i32 = arith.constant 0 : i32
    %c0_i32_1 = arith.constant 0 : i32
    return %add3A_0, %c0_i32 : i32, i32
  }
  func.func @transform_2(%arg0: i32) -> (i32, i32) {
    %c0_i32 = arith.constant 0 : i32
    %c0_i32_0 = arith.constant 0 : i32
    return %c0_i32, %arg0 : i32, i32
  }
  func.func @transform_3(%arg0: i32) -> (i32, i32) {
    %c1_i32 = arith.constant 1 : i32
    %c0_i32 = arith.constant 0 : i32
    return %c1_i32, %arg0 : i32, i32
  }
  func.func @transform_4(%arg0: i32) -> (i32, i32) {
    %c0_i32 = arith.constant 0 : i32
    %c0_i32_0 = arith.constant 0 : i32
    %c0_i32_1 = arith.constant 0 : i32
    return %c0_i32, %c0_i32_0 : i32, i32
  }
  func.func @transform_5(%arg0: i32) -> i32 {
    %c0_i32 = arith.constant 0 : i32
    %c0_i32_0 = arith.constant 0 : i32
    return %c0_i32 : i32
  }
  func.func @transform_6(%arg0: i32) -> (i32, i32) {
    %c0_i32 = arith.constant 0 : i32
    %c0_i32_0 = arith.constant 0 : i32
    %c0_i32_1 = arith.constant 0 : i32
    return %c0_i32, %c0_i32_0 : i32, i32
  }
  func.func @transform_7(%arg0: i32) -> i32 {
    %c0_i32 = arith.constant 0 : i32
    %c0_i32_0 = arith.constant 0 : i32
    return %c0_i32 : i32
  }
  func.func @transform_8(%arg0: i32) -> (i32, i32) {
    %c0_i32 = arith.constant 0 : i32
    %c0_i32_0 = arith.constant 0 : i32
    %c0_i32_1 = arith.constant 0 : i32
    return %c0_i32, %c0_i32_0 : i32, i32
  }
  func.func @transform_9(%arg0: i32) -> i32 {
    %c0_i32 = arith.constant 0 : i32
    %c0_i32_0 = arith.constant 0 : i32
    return %c0_i32 : i32
  }
  func.func @transform_10(%arg0: i32) -> (i32, i32) {
    %c0_i32 = arith.constant 0 : i32
    %c0_i32_0 = arith.constant 0 : i32
    return %arg0, %c0_i32 : i32, i32
  }
  func.func @transform_11(%arg0: i32) -> (i32, i32) {
    %c0_i32 = arith.constant 0 : i32
    %c0_i32_0 = arith.constant 0 : i32
    return %arg0, %c0_i32 : i32, i32
  }
}

</mosaic_0001>

<sc_bundles>
// kernel: kernel.5.cloned.1.call-start
scs
__scs_entry_jumppad:
0x0: {  	(pc) =	sbr.rel $0x88, $3  }
0x1: {  	(tag) =	ssettag $0x0;
	lr =	simm.s32 $0x1  }
0x2: {  	[smem:$0x3F99] =	sst lr;
	_ =	strace $0xD0000000  }
0x3: {  	_ = 	snop  }
0x4: {  	_ = 	snop  }
0x5: {  	_ = 	snop  }
0x6: {  	_ = 	snop  }
0x7: {  	_ = 	snop  }
__scs_overlays_trampoline_lowered:
0x8: {  	[smem:$0x3FA8] =	sst s0  }
0x9: {  	[smem:$0x3FA9] =	sst s1  }
0xa: {  	[smem:$0x3FAA] =	sst s2  }
0xb: {  	[smem:$0x3FAB] =	sst s3  }
0xc: {  	[smem:$0x3FAC] =	sst s4  }
0xd: {  	[smem:$0x3FAD] =	sst s5  }
0xe: {  	[smem:$0x3FAE] =	sst s6  }
0xf: {  	[smem:$0x3FAF] =	sst s7  }
0x10: {  	[smem:$0x3FB0] =	sst s8  }
0x11: {  	[smem:$0x3FB1] =	sst s9;
	s0 =	simm.s32 @!p0 $0x0  }
0x12: {  	s1 =	sld [smem:$0x3F97];
	s0 =	simm.s32 @p0 $0x1  }
0x13: {  	[smem:$0x3FB2] =	sst s0;
	s0 =	simm.s32 @!p1 $0x0  }
0x14: {  	s2 =	sld [smem:$0x3F96];
	s0 =	simm.s32 @p1 $0x1  }
0x15: {  	[smem:$0x3FB3] =	sst s0;
	s0 =	simm.s32 @!p2 $0x0  }
0x16: {  	s3 =	sld [smem:$0x3FDB];
	s0 =	simm.s32 @p2 $0x1  }
0x17: {  	s4 =	simm.s32 $0x1BF5;
	[smem:$0x3FB5] =	sst s0  }
0x18: {  	s0 =	sld [smem:$0x3F98];
	_ =	swait.ge [sflag:s4], $0x0  }
0x19: {  	s7 =	sld [smem:$0x3F99]  }
0x1a: {  	s8 =	sadd.s32 $0xFFFFE003, lr  }
0x1b: {  	s9 =	sadd.s32 $0xFFFFFEF7, lr;
	s5 =	simm.s32 $0xFFFFFFFF;
	p2 =	slt.u32 s8, $0xFFFFF086  }
0x1c: {  	p1 =	slt.u32 s9, $0xF7A;
	s5 =	simm.s32 @!p2 $0x0  }
0x1d: {  	s5 =	simm.s32 @p1 $0x1;
	p0 =	seq.s32 s7, s2  }
0x1e: {  	s7 =	smul.u32 @!p0 $0xF7A, s2;
	p2 =	seq.s32 @!p0 s5, $0x0  }
0x1f: {  	s9 =	smul.u32 $0xF7A, s1;
	s8 =	simm.s32 @!p0 $0x1BF5;
	p2 =	por !p2, p0  }
0x20: {  	[sflag:s8] =	ssyncset.s32 @!p0 $0xFFFFF086;
	s6 =	sadd.s32 @!p0 s3, s7;
	s7 =	simm.s32 @!p0 $0x108  }
0x21: {  	s3 =	sadd.s32 s3, s9;
	s6 =	sadd.s32 @!p0 $0x88, s6;
	s7 =	simm.s32 @p2 $0x1082  }
0x22: {  	[simem:s7], [sflag:s8] =	dma.local @!p0 [hbm:s6], $0xF7A  }
0x23: {  	s9 =	sor.u32 $0xD0000000, s2;
	s6 =	simm.s32 $0x108;
	_ =	swait.ge @!p0 [sflag:s8], $0x0  }
0x24: {  	s3 =	sadd.s32 $0x88, s3;
	s6 =	simm.s32 @!p1 $0x1082;
	[sflag:s4] =	ssyncset.s32 $0xFFFFF086  }
0x25: {  	[simem:s6], [sflag:s4] =	dma.local [hbm:s3], $0xF7A  }
0x26: {  	[smem:$0x3F99] =	sst s1;
	(tag) =	ssettag s2;
	_ =	strace s9  }
0x27: {  	s1 =	sld [smem:$0x3FA9]  }
0x28: {  	s2 =	sld [smem:$0x3FAA]  }
0x29: {  	s4 =	sld [smem:$0x3FAC]  }
0x2a: {  	p0 =	seq.s32 s5, $0x0;
	s5 =	sld [smem:$0x3FAD]  }
0x2b: {  	s6 =	sld [smem:$0x3FAE]  }
0x2c: {  	s7 =	sld [smem:$0x3FAF]  }
0x2d: {  	s3 =	simm.s32 $0x108;
	s8 =	sld [smem:$0x3FB0]  }
0x2e: {  	s3 =	simm.s32 @!p0 $0x1082;
	s9 =	sld [smem:$0x3FB1]  }
0x2f: {  	lr =	sadd.s32 s0, s3;
	s0 =	sld [smem:$0x3FA8]  }
0x30: {  	s3 =	sld [smem:$0x3FAB]  }
0x31: {  	[smem:$0x3FB4] =	sst s10  }
0x32: {  	s10 =	sld [smem:$0x3FB2];
	_ =	sdelay $0x3  }
0x33: {  	p0 =	seq.s32 s10, $0x1;
	s10 =	sld [smem:$0x3FB4];
	_ =	sdelay $0x3  }
0x34: {  	[smem:$0x3FB4] =	sst s10  }
0x35: {  	s10 =	sld [smem:$0x3FB3];
	_ =	sdelay $0x3  }
0x36: {  	p1 =	seq.s32 s10, $0x1;
	s10 =	sld [smem:$0x3FB4];
	_ =	sdelay $0x3  }
0x37: {  	[smem:$0x3FB4] =	sst s10  }
0x38: {  	s10 =	sld [smem:$0x3FB5]  }
0x39: {  	_ = 	snop;
	(pc) =	sbr.ind lr, $3  }
0x3a: {  	_ = 	snop  }
0x3b: {  	_ = 	snop  }
0x3c: {  	p2 =	seq.s32 s10, $0x1;
	s10 =	sld [smem:$0x3FB4]  }
0x3d: {  	_ =	shalt  }
0x3e: {  	_ =	shalt  }
0x3f: {  	_ =	shalt  }
0x40: {  	_ =	shalt  }
0x41: {  	_ =	shalt  }
0x42: {  	_ =	shalt  }
0x43: {  	_ =	shalt  }
0x44: {  	_ =	shalt  }
0x45: {  	_ =	shalt  }
0x46: {  	_ =	shalt  }
0x47: {  	_ =	shalt  }
0x48: {  	_ =	shalt  }
0x49: {  	_ =	shalt  }
0x4a: {  	_ =	shalt  }
0x4b: {  	_ =	shalt  }
0x4c: {  	_ =	shalt  }
0x4d: {  	_ =	shalt  }
0x4e: {  	_ =	shalt  }
0x4f: {  	_ =	shalt  }
0x50: {  	_ =	shalt  }
0x51: {  	_ =	shalt  }
0x52: {  	_ =	shalt  }
0x53: {  	_ =	shalt  }
0x54: {  	_ =	shalt  }
0x55: {  	_ =	shalt  }
0x56: {  	_ =	shalt  }
0x57: {  	_ =	shalt  }
0x58: {  	_ =	shalt  }
0x59: {  	_ =	shalt  }
0x5a: {  	_ =	shalt  }
0x5b: {  	_ =	shalt  }
0x5c: {  	_ =	shalt  }
0x5d: {  	_ =	shalt  }
0x5e: {  	_ =	shalt  }
0x5f: {  	_ =	shalt  }
0x60: {  	_ =	shalt  }
0x61: {  	_ =	shalt  }
0x62: {  	_ =	shalt  }
0x63: {  	_ =	shalt  }
0x64: {  	_ =	shalt  }
0x65: {  	_ =	shalt  }
0x66: {  	_ =	shalt  }
0x67: {  	_ =	shalt  }
0x68: {  	_ =	shalt  }
0x69: {  	_ =	shalt  }
0x6a: {  	_ =	shalt  }
0x6b: {  	_ =	shalt  }
0x6c: {  	_ =	shalt  }
0x6d: {  	_ =	shalt  }
0x6e: {  	_ =	shalt  }
0x6f: {  	_ =	shalt  }
0x70: {  	_ =	shalt  }
0x71: {  	_ =	shalt  }
0x72: {  	_ =	shalt  }
0x73: {  	_ =	shalt  }
0x74: {  	_ =	shalt  }
0x75: {  	_ =	shalt  }
0x76: {  	_ =	shalt  }
0x77: {  	_ =	shalt  }
0x78: {  	_ =	shalt  }
0x79: {  	_ =	shalt  }
0x7a: {  	_ =	shalt  }
0x7b: {  	_ =	shalt  }
0x7c: {  	_ =	shalt  }
0x7d: {  	_ =	shalt  }
0x7e: {  	_ =	shalt  }
0x7f: {  	_ =	shalt  }
0x80: {  	_ =	shalt  }
0x81: {  	_ =	shalt  }
0x82: {  	_ =	shalt  }
0x83: {  	_ =	shalt  }
0x84: {  	_ =	shalt  }
0x85: {  	_ =	shalt  }
0x86: {  	_ =	shalt  }
0x87: {  	_ =	shalt  }
.Lfunc_end0:
.L_simem_size_0:
called_computation_lowered:
.L_overlay_start_0:
0x88: {  	s2 =	sld [smem:$0x3FD9]  }
0x89: {  	s3 =	sld [smem:$0x3FFE];
	_ =	sdelay $0x1  }
0x8a: {  	s1 =	srdreg.scid  }
0x8b: {  	s0 =	sand.u32 $0x1, s1  }
0x8c: {  	s14 =	sshll.u32 s0, $0xA;
	s2 =	sadd.s32 s3, s2  }
0x8d: {  	s2 =	sadd.s32 s2, s14  }
0x8e: {  	[smem:$0x3FC0] =	sst s2  }
0x8f: {  	_ = 	snop  }
0x90: {  	s2 =	sld [smem:$0x3FD0];
	_ =	sdelay $0x2  }
0x91: {  	s4 =	simm.s32 $0xA;
	s5 =	simm.s32 $0x10;
	s15 =	sld [smem:$0x3FC9]  }
0x92: {  	[smem:s5], [sflag:s4] =	dma.local [hbm:s2], $0x1  }
0x93: {  	_ =	swait.eq [sflag:s4], $0x1  }
0x94: {  	[sflag:s4] =	ssyncset.done $0x0  }
0x95: {  	[sflag:s4] =	ssyncadd.s32 $0xFFFFFFFF  }
0x96: {  	s16 =	sld [smem:$0x11];
	(tm) =	ssettm $0x1  }
0x97: {  	s17 =	sld [smem:$0x3FFB];
	_ =	sdelay $0x3  }
0x98: {  	_ =	strace s17  }
0x99: {  	s4 =	sld [smem:$0x3FFC];
	_ =	sdelay $0x3  }
0x9a: {  	_ =	strace s4  }
0x9b: {  	s4 =	sld [smem:$0x3FFD];
	_ =	sdelay $0x3  }
0x9c: {  	_ =	strace s4  }
0x9d: {  	_ =	strace $0x8FFFFFFF  }
0x9e: {  	s18 =	sld [smem:$0x3FDB];
	_ =	sdelay $0x1  }
0x9f: {  	s19 =	simm.s32 $_scs_section_size  }
0xa0: {  	s6 =	simm.s32 $_size__tile_overlayer_lowered;
	s7 =	simm.s32 $_tile_overlayer_lowered  }
0xa1: {  	s22 =	simm.s32 $0x1BFF;
	s21 =	sshll.u32 s7, $0x1;
	s4 =	sadd.s32 s19, s18  }
0xa2: {  	s8 =	simm.s32 $0x0;
	s20 =	sshll.u32 s6, $0x1;
	s6 =	sadd.s32 s21, s4  }
0xa3: {  	[timem:s8], [sflag:s22] =	dma.local [hbm:s6], s20  }
0xa4: {  	_ =	swait.ge [sflag:s22], s20  }
0xa5: {  	s5 =	ssub.s32 $0x0, s20;
	[sflag:s22] =	ssyncset.done $0x0  }
0xa6: {  	[sflag:s22] =	ssyncadd.s32 s5;
	_ =	sdelay $0x1  }
0xa7: {  	s23 =	simm.s32 $0x1B8B  }
0xa8: {  	_ =	swait.ge [sflag:s23], $0x1  }
0xa9: {  	[sflag:s23] =	ssyncset.done $0x0  }
0xaa: {  	s25 =	simm.s32 $0x1B8E;
	s24 =	sld [smem:$0x3FFE];
	[sflag:s23] =	ssyncadd.s32 $0xFFFFFFFF  }
0xab: {  	s26 =	simm.s32 $execute0_lowered;
	[smem:$0x3FD2] =	sst s25  }
0xac: {  	s6 =	sshll.u32 s26, $0x1;
	_ =	strace $0x80000046;
	[dreg:$0x1] =	wrdreg $0xFFFFFFFF  }
0xad: {  	s28 =	simm.s32 $_size_execute0_lowered;
	s4 =	sadd.s32 s4, s6;
	[dreg:$0x0] =	wrdreg $0x0  }
0xae: {  	s6 =	sshll.u32 s28, $0x1;
	[dreg:$0x2] =	wrdreg s4  }
0xaf: {  	[dreg:$0x3] =	wrdreg s6  }
0xb0: {  	[dreg:$0x4] =	wrdreg $0xC0  }
0xb1: {  	_ =	task [dreg:s8], $0x5FFFF  }
0xb2: {  	[dreg:$0x1] =	wrdreg $0xFFFFFFFF  }
0xb3: {  	[dreg:$0x0] =	wrdreg $0x60  }
0xb4: {  	[dreg:$0x2] =	wrdreg s15  }
0xb5: {  	[dreg:$0x3] =	wrdreg s24  }
0xb6: {  	[dreg:$0x4] =	wrdreg s16  }
0xb7: {  	[dreg:$0x5] =	wrdreg $0x0  }
0xb8: {  	[dreg:$0x6] =	wrdreg $0x9  }
0xb9: {  	_ =	task.clear_ibuf [dreg:s8], $0x7FFFF;
	_ =	strace $0x90000046  }
0xba: {  	s29 =	simm.s32 $0x9;
	_ =	strace $0x80000048  }
0xbb: {  	_ =	swait.ge [sflag:s29], $0x1  }
0xbc: {  	[sflag:s29] =	ssyncadd.s32 $0xFFFFFFFF  }
0xbd: {  	_ =	strace $0x90000048  }
0xbe: {  	_ =	sfence  }
0xbf: {  	s30 =	sld [smem:$0x0];
	_ =	sdelay $0x2  }
0xc0: {  	s31 =	sshll.u32 s1, $0xD;
	s1 =	sshrl.u32 s1, $0x2  }
0xc1: {  	s3 =	sand.u32 $0x4000, s31;
	s1 =	sadd.s32 s1, s30  }
0xc2: {  	s0 =	sor.u32 s3, s0;
	s1 =	sshll.u32 s1, $0x11  }
0xc3: {  	s0 =	sor.u32 s1, s0  }
0xc4: {  	s0 =	sadd.s32 $0x8F2B, s0  }
0xc5: {  	[sflag:s0] =	ssyncadd.remote.s32 $0x1  }
0xc6: {  	_ =	sfence.sel $0xFFFF  }
0xc7: {  	[dreg:$0x0] =	wrdreg $0xFFFFFFFF;
	(pc) =	sbr.abs _section_cstart, $3  }
0xc8: {  	[dreg:$0x1] =	wrdreg $0xFFFFFFFF  }
0xc9: {  	_ =	task.clear_ibuf [dreg:s8], $0x2FFFF;
	_ =	strace $0x9FFFFFFF  }
0xca: {  	(tm) =	ssettm $0x7FFFFFFF  }
0xcb: {  	_ =	shalt  }
tec
execute0_lowered:
.L_overlay_start_1:
0x0: {  	(tag) =	ssettag $0x1  }
0x1: {  	s0 =	rddreg [dreg:$0x0]  }
0x2: {  	s2 =	rddreg [dreg:$0x1]  }
0x3: {  	s4 =	rddreg [dreg:$0x2]  }
0x4: {  	s3 =	srdreg.scid;
	s12 =	stileid.u32  }
0x5: {  	s1 =	rddreg [dreg:$0x3];
	s6 =	sand.u32 $0x1, s3;
	s9 =	smul.u32 $0x271000, s12  }
0x6: {  	s3 =	simm.s32 $0x0;
	s11 =	smul.u32 $0x4E200, s12;
	s5 =	sshll.u32 s6, $0x4  }
0x7: {  	[smem:$0x7FF] =	sst s3;
	s8 =	ssub.s32 $0x2, s6;
	s5 =	sor.u32 s12, s5  }
0x8: {  	_ =	strace $0x80000047;
	s7 =	smul.u32 $0x500, s5;
	s5 =	sshll.u32 s5, $0xD  }
0x9: {  	s15 =	sshrl.u32 s8, $0x1;
	s18 =	sshrl.u32 s9, $0x3;
	s10 =	sadd.s32 s5, s2  }
0xa: {  	s5 =	sadd.s32 s0, s11;
	s0 =	sadd.s32 s0, s18;
	s19 =	sadd.s32 $0x1A00, s10  }
0xb: {  	s16 =	ssub.s32 s8, s15;
	s8 =	sadd.s32 $0x280, s0;
	[dreg:$0x5] =	wrdreg s19  }
0xc: {  	s20 =	sadd.s32 $0x2200, s10;
	[dreg:$0x6] =	wrdreg s8  }
0xd: {  	s21 =	sadd.s32 $0x13880, s0;
	[dreg:$0x7] =	wrdreg s20  }
0xe: {  	s22 =	sadd.s32 $0x13B00, s0;
	[dreg:$0x8] =	wrdreg s21  }
0xf: {  	s23 =	sadd.s32 $0x2A00, s10;
	[dreg:$0x9] =	wrdreg s22  }
0x10: {  	s25 =	sadd.s32 $0x27100, s0;
	[dreg:$0xa] =	wrdreg s23  }
0x11: {  	s26 =	sadd.s32 $0x27380, s0;
	[dreg:$0xb] =	wrdreg s25  }
0x12: {  	s30 =	sadd.s32 $0x3200, s10;
	[dreg:$0xc] =	wrdreg s26  }
0x13: {  	s24 =	smul.u32 $0x50000, s12;
	s31 =	sadd.s32 $0x3A980, s0;
	[dreg:$0xd] =	wrdreg s30  }
0x14: {  	s2 =	sadd.s32 s7, s2;
	s0 =	sadd.s32 $0x3AC00, s0;
	[dreg:$0xe] =	wrdreg s31  }
0x15: {  	s10 =	smax.u32 s16, $0x1;
	[dreg:$0xf] =	wrdreg s0;
	s8 =	sshrl.u32 s24, $0x2  }
0x16: {  	s2 =	sadd.s32 $0x41A00, s2;
	[dreg:$0x11] =	wrdreg s10;
	s17 =	sadd.s32 s8, s1  }
0x17: {  	s28 =	simm.s32 $0x1A800;
	[dreg:$0x10] =	wrdreg s2;
	s11 =	sadd.s32 $0x1400, s17  }
0x18: {  	s29 =	simm.s32 $0x0;
	s14 =	sadd.s32 $0x2800, s17;
	[dreg:$0x12] =	wrdreg s11  }
0x19: {  	s13 =	smul.u32 $0x2800, s12;
	s15 =	sadd.s32 $0x3C00, s17;
	[dreg:$0x13] =	wrdreg s14  }
0x1a: {  	s9 =	smul.u32 $0x28000, s6;
	s16 =	sadd.s32 $0x5000, s17;
	[dreg:$0x14] =	wrdreg s15  }
0x1b: {  	s7 =	sadd.s32 $0x13600, s5;
	s18 =	sadd.s32 $0x6400, s17;
	[dreg:$0x15] =	wrdreg s16  }
0x1c: {  	s12 =	sadd.s32 $0x14000, s5;
	s19 =	sadd.s32 $0x7800, s17;
	[dreg:$0x16] =	wrdreg s18  }
0x1d: {  	s0 =	sadd.s32 s9, s4;
	s20 =	sadd.s32 $0x8C00, s17;
	[dreg:$0x17] =	wrdreg s19  }
0x1e: {  	s9 =	sadd.s32 $0x3A700, s5;
	s21 =	sadd.s32 $0xA000, s17;
	[dreg:$0x18] =	wrdreg s20  }
0x1f: {  	s10 =	sadd.s32 $0x4DF80, s5;
	s22 =	sadd.s32 $0xB400, s17;
	[dreg:$0x19] =	wrdreg s21  }
0x20: {  	s24 =	sadd.s32 s13, s0;
	s23 =	sadd.s32 $0xC800, s17;
	[dreg:$0x1a] =	wrdreg s22  }
0x21: {  	s8 =	sadd.s32 $0x26E80, s5;
	s25 =	sadd.s32 $0xDC00, s17;
	[dreg:$0x1b] =	wrdreg s23  }
0x22: {  	s0 =	sadd.s32 $0x780, s5;
	s26 =	sadd.s32 $0xF000, s17;
	[dreg:$0x1c] =	wrdreg s25  }
0x23: {  	s13 =	sadd.s32 $0x27880, s5;
	s30 =	sadd.s32 $0x10400, s17;
	[dreg:$0x1d] =	wrdreg s26  }
0x24: {  	s31 =	sadd.s32 $0x11800, s17;
	s6 =	sadd.s32 $0x12C00, s17;
	[dreg:$0x1e] =	wrdreg s30  }
0x25: {  	[dreg:$0x1f] =	wrdreg s31;
	s14 =	sadd.s32 $0x3B100, s5;
	s15 =	simm.s32 $0x18000  }
0x26: {  	s16 =	simm.s32 $0x3;
	s18 =	simm.s32 $0x14000;
	s19 =	simm.s32 $0x19400  }
0x27: {  	v0 =	vimm.f32 $0.0e+00;
	s20 =	simm.s32 $0x1;
	s21 =	simm.s32 $0x28;
	s22 =	simm.s32 $0x2  }
0x28: {  	v1 =	vlaneseq.u32;
	v2 =	vimm.s32 $0x0;
	v3 =	vimm.f32 $1.000000000e+00;
	s23 =	simm.s32 $0x17D00;
	s25 =	simm.s32 $0x17D80;
	s26 =	simm.s32 $0x17E00  }
.LBB2_1:
0x29: {  	s11 =	simm.s32 $0x70;
	s30 =	simm.s32 $0x3C0  }
.LBB2_2:
0x2a: {  	p0 =	sne.s32 s30, $0x4FC0;
	[tilespmem:s11+$0x18000] =	vst v0  }
0x2b: {  	[tilespmem:s11+$0x17F90] =	vst v0  }
0x2c: {  	[tilespmem:s11+$0x17FA0] =	vst v0  }
.Ltmp0:
0x2d: {  	[tilespmem:s11+$0x17FB0] =	vst v0;
	(pc) =	sbr.rel @p0 .LBB2_2-.Ltmp0, $4  }
0x2e: {  	[tilespmem:s11+$0x17FC0] =	vst v0  }
0x2f: {  	[tilespmem:s11+$0x17FD0] =	vst v0  }
0x30: {  	[tilespmem:s11+$0x17FE0] =	vst v0  }
0x31: {  	[tilespmem:s11+$0x17FF0] =	vst v0;
	s11 =	sshra.s32 s30, $0x2;
	s30 =	sadd.s32 $0x200, s30  }
0x32: {  	[tilespmem:s11+$0x18000] =	vst v0  }
0x33: {  	[tilespmem:s11+$0x17F90] =	vst v0  }
0x34: {  	[tilespmem:s11+$0x17FA0] =	vst v0  }
0x35: {  	[tilespmem:s11+$0x17FB0] =	vst v0  }
0x36: {  	[tilespmem:s11+$0x17FC0] =	vst v0  }
0x37: {  	[tilespmem:s11+$0x17FD0] =	vst v0  }
0x38: {  	[tilespmem:s11+$0x17FE0] =	vst v0  }
0x39: {  	[tilespmem:s11+$0x17FF0] =	vst v0;
	s11 =	simm.s32 $0x40;
	s30 =	simm.s32 $0x0  }
.LBB2_4:
0x3a: {  	p0 =	sne.s32 s11, $0x9FC0;
	[tilespmem:s30+$0x1A800] =	vst v0;
	s30 =	smov.u32 s11;
	s11 =	sadd.s32 $0x40, s11  }
.Ltmp1:
0x3b: {  	(pc) =	sbr.rel @p0 .LBB2_4-.Ltmp1, $2  }
0x3c: {  	_ =	sdelay $0x2  }
0x3d: {  	s30 =	sshra.s32 s30, $0x2  }
0x3e: {  	[tilespmem:s30+$0x1A800] =	vst v0  }
0x3f: {  	[spmem:s17] =	stream.linear.scatter [tilespmem:s15], [sflag:$0x3], $0x1400, $0x38;
	[tilespmem:$0x1D000] =	vst v63  }
0x40: {  	_ =	swait.ge [sflag:s16], $0x1400  }
0x41: {  	[sflag:s16] =	ssyncset.done $0x0  }
0x42: {  	s2 =	rddreg [dreg:$0x12];
	[sflag:s16] =	ssyncadd.s32 $0xFFFFEC00  }
0x43: {  	[spmem:s2] =	stream.linear.scatter [tilespmem:s15], [sflag:$0x3], $0x1400, $0x38;
	[tilespmem:$0x1D000] =	vst v63  }
0x44: {  	_ =	swait.ge [sflag:s16], $0x1400  }
0x45: {  	[sflag:s16] =	ssyncset.done $0x0  }
0x46: {  	s11 =	rddreg [dreg:$0x13];
	[sflag:s16] =	ssyncadd.s32 $0xFFFFEC00  }
0x47: {  	[spmem:s11] =	stream.linear.scatter [tilespmem:s15], [sflag:$0x3], $0x1400, $0x38;
	[tilespmem:$0x1D000] =	vst v63  }
0x48: {  	_ =	swait.ge [sflag:s16], $0x1400  }
0x49: {  	[sflag:s16] =	ssyncset.done $0x0  }
0x4a: {  	s4 =	rddreg [dreg:$0x14];
	[sflag:s16] =	ssyncadd.s32 $0xFFFFEC00  }
0x4b: {  	[spmem:s4] =	stream.linear.scatter [tilespmem:s15], [sflag:$0x3], $0x1400, $0x38;
	[tilespmem:$0x1D000] =	vst v63  }
0x4c: {  	_ =	swait.ge [sflag:s16], $0x1400  }
0x4d: {  	[sflag:s16] =	ssyncset.done $0x0  }
0x4e: {  	s11 =	rddreg [dreg:$0x15];
	[sflag:s16] =	ssyncadd.s32 $0xFFFFEC00  }
0x4f: {  	[spmem:s11] =	stream.linear.scatter [tilespmem:s15], [sflag:$0x3], $0x1400, $0x38;
	[tilespmem:$0x1D000] =	vst v63  }
0x50: {  	_ =	swait.ge [sflag:s16], $0x1400  }
0x51: {  	[sflag:s16] =	ssyncset.done $0x0  }
0x52: {  	s4 =	rddreg [dreg:$0x16];
	[sflag:s16] =	ssyncadd.s32 $0xFFFFEC00  }
0x53: {  	[spmem:s4] =	stream.linear.scatter [tilespmem:s15], [sflag:$0x3], $0x1400, $0x38;
	[tilespmem:$0x1D000] =	vst v63  }
0x54: {  	_ =	swait.ge [sflag:s16], $0x1400  }
0x55: {  	[sflag:s16] =	ssyncset.done $0x0  }
0x56: {  	s11 =	rddreg [dreg:$0x17];
	[sflag:s16] =	ssyncadd.s32 $0xFFFFEC00  }
0x57: {  	[spmem:s11] =	stream.linear.scatter [tilespmem:s15], [sflag:$0x3], $0x1400, $0x38;
	[tilespmem:$0x1D000] =	vst v63  }
0x58: {  	_ =	swait.ge [sflag:s16], $0x1400  }
0x59: {  	[sflag:s16] =	ssyncset.done $0x0  }
0x5a: {  	s4 =	rddreg [dreg:$0x18];
	[sflag:s16] =	ssyncadd.s32 $0xFFFFEC00  }
0x5b: {  	[spmem:s4] =	stream.linear.scatter [tilespmem:s15], [sflag:$0x3], $0x1400, $0x38;
	[tilespmem:$0x1D000] =	vst v63  }
0x5c: {  	_ =	swait.ge [sflag:s16], $0x1400  }
0x5d: {  	[sflag:s16] =	ssyncset.done $0x0  }
0x5e: {  	s11 =	rddreg [dreg:$0x19];
	[sflag:s16] =	ssyncadd.s32 $0xFFFFEC00  }
0x5f: {  	[spmem:s11] =	stream.linear.scatter [tilespmem:s15], [sflag:$0x3], $0x1400, $0x38;
	[tilespmem:$0x1D000] =	vst v63  }
0x60: {  	_ =	swait.ge [sflag:s16], $0x1400  }
0x61: {  	[sflag:s16] =	ssyncset.done $0x0  }
0x62: {  	s4 =	rddreg [dreg:$0x1a];
	[sflag:s16] =	ssyncadd.s32 $0xFFFFEC00  }
0x63: {  	[spmem:s4] =	stream.linear.scatter [tilespmem:s15], [sflag:$0x3], $0x1400, $0x38;
	[tilespmem:$0x1D000] =	vst v63  }
0x64: {  	_ =	swait.ge [sflag:s16], $0x1400  }
0x65: {  	[sflag:s16] =	ssyncset.done $0x0  }
0x66: {  	s11 =	rddreg [dreg:$0x1b];
	[sflag:s16] =	ssyncadd.s32 $0xFFFFEC00  }
0x67: {  	[spmem:s11] =	stream.linear.scatter [tilespmem:s15], [sflag:$0x3], $0x1400, $0x38;
	[tilespmem:$0x1D000] =	vst v63  }
0x68: {  	_ =	swait.ge [sflag:s16], $0x1400  }
0x69: {  	[sflag:s16] =	ssyncset.done $0x0  }
0x6a: {  	s4 =	rddreg [dreg:$0x1c];
	[sflag:s16] =	ssyncadd.s32 $0xFFFFEC00  }
0x6b: {  	[spmem:s4] =	stream.linear.scatter [tilespmem:s15], [sflag:$0x3], $0x1400, $0x38;
	[tilespmem:$0x1D000] =	vst v63  }
0x6c: {  	_ =	swait.ge [sflag:s16], $0x1400  }
0x6d: {  	[sflag:s16] =	ssyncset.done $0x0  }
0x6e: {  	s11 =	rddreg [dreg:$0x1d];
	[sflag:s16] =	ssyncadd.s32 $0xFFFFEC00  }
0x6f: {  	[spmem:s11] =	stream.linear.scatter [tilespmem:s15], [sflag:$0x3], $0x1400, $0x38;
	[tilespmem:$0x1D000] =	vst v63  }
0x70: {  	_ =	swait.ge [sflag:s16], $0x1400  }
0x71: {  	[sflag:s16] =	ssyncset.done $0x0  }
0x72: {  	s4 =	rddreg [dreg:$0x1e];
	[sflag:s16] =	ssyncadd.s32 $0xFFFFEC00  }
0x73: {  	[spmem:s4] =	stream.linear.scatter [tilespmem:s15], [sflag:$0x3], $0x1400, $0x38;
	[tilespmem:$0x1D000] =	vst v63  }
0x74: {  	_ =	swait.ge [sflag:s16], $0x1400  }
0x75: {  	[sflag:s16] =	ssyncset.done $0x0  }
0x76: {  	s11 =	rddreg [dreg:$0x1f];
	[sflag:s16] =	ssyncadd.s32 $0xFFFFEC00  }
0x77: {  	[spmem:s11] =	stream.linear.scatter [tilespmem:s15], [sflag:$0x3], $0x1400, $0x38;
	[tilespmem:$0x1D000] =	vst v63  }
0x78: {  	_ =	swait.ge [sflag:s16], $0x1400  }
0x79: {  	[sflag:s16] =	ssyncset.done $0x0  }
0x7a: {  	[sflag:s16] =	ssyncadd.s32 $0xFFFFEC00  }
0x7b: {  	[spmem:s6] =	stream.linear.scatter [tilespmem:s15], [sflag:$0x3], $0x1400, $0x38;
	[tilespmem:$0x1D000] =	vst v63  }
0x7c: {  	_ =	swait.ge [sflag:s16], $0x1400  }
0x7d: {  	[sflag:s16] =	ssyncset.done $0x0  }
0x7e: {  	[sflag:s16] =	ssyncadd.s32 $0xFFFFEC00  }
0x7f: {  	[bflag:$0x0] =	sbarrier.arrive $0xFFFF  }
0x80: {  	s11 =	simm.s32 $0x0;
	s4 =	rddreg [dreg:$0x5]  }
0x81: {  	[tilespmem:s18], [sflag:$0x3] =	stream.linear.gather [hbm4b:s4+s11], $0x3E80, $0x38;
	[tilespmem:$0x1D000] =	vst v63  }
0x82: {  	_ =	swait.ge [sflag:s16], $0x3E80  }
0x83: {  	[sflag:s16] =	ssyncset.done $0x0  }
0x84: {  	[sflag:s16] =	ssyncadd.s32 $0xFFFFC180  }
0x85: {  	[tilespmem:s15], [sflag:$0x1] =	stream.linear.gather [hbm4b:s5+s11], $0x1400, $0x38;
	[tilespmem:$0x1D000] =	vst v63  }
0x86: {  	s4 =	rddreg [dreg:$0x6]  }
0x87: {  	[tilespmem:s19], [sflag:$0x2] =	stream.linear.gather [hbm4b:s4+s11], $0x1400, $0x38;
	[tilespmem:$0x1D000] =	vst v63  }
0x88: {  	_ =	swait.ge [sflag:s20], $0x1400  }
0x89: {  	[sflag:s20] =	ssyncset.done $0x0  }
0x8a: {  	s4 =	simm.s32 $0x14000;
	[sflag:s20] =	ssyncadd.s32 $0xFFFFEC00  }
0x8b: {  	[spmem:s1] =	stream.indirect.scatter.add.f32 [tilespmem:s15], [sflag:$0x3], $0x80, s4, s21, $0xb8;
	[tilespmem:$0x1D000] =	vst v63  }
0x8c: {  	_ =	swait.ge [sflag:s16], $0x1400  }
0x8d: {  	[sflag:s16] =	ssyncset.done $0x0  }
0x8e: {  	s2 =	sadd.s32 $0xFFFFFD80, s0;
	[sflag:s16] =	ssyncadd.s32 $0xFFFFEC00  }
0x8f: {  	[tilespmem:s15], [sflag:$0x1] =	stream.linear.gather [hbm4b:s2+s3], $0x1400, $0x38;
	[tilespmem:$0x1D000] =	vst v63  }
0x90: {  	_ =	swait.ge [sflag:s22], $0x1400  }
0x91: {  	[sflag:s22] =	ssyncset.done $0x0  }
0x92: {  	s4 =	simm.s32 $0x14080;
	[sflag:s22] =	ssyncadd.s32 $0xFFFFEC00  }
0x93: {  	[spmem:s1] =	stream.indirect.scatter.add.f32 [tilespmem:s19], [sflag:$0x3], $0x80, s4, s21, $0xb8;
	[tilespmem:$0x1D000] =	vst v63  }
0x94: {  	_ =	swait.ge [sflag:s16], $0x1400  }
0x95: {  	s30 =	simm.s32 $0x400;
	[sflag:s16] =	ssyncset.done $0x0  }
0x96: {  	s31 =	sadd.s32 $0x500, s0;
	s11 =	smov.u32 s0;
	[sflag:s16] =	ssyncadd.s32 $0xFFFFEC00  }
.LBB2_6:
0x97: {  	[tilespmem:s19], [sflag:$0x2] =	stream.linear.gather [hbm4b:s11+s3], $0x1400, $0x38;
	[tilespmem:$0x1D000] =	vst v63  }
0x98: {  	s2 =	smov.u32 s30;
	s11 =	smov.u32 s31  }
0x99: {  	p0 =	sne.s32 s30, $0xF000;
	s30 =	sadd.s32 $0x400, s30;
	_ =	swait.ge [sflag:s20], $0x1400  }
0x9a: {  	s2 =	sshra.s32 s2, $0x2;
	[sflag:s20] =	ssyncset.done $0x0  }
0x9b: {  	s4 =	sadd.s32 $0x14000, s2;
	[sflag:s20] =	ssyncadd.s32 $0xFFFFEC00  }
0x9c: {  	[spmem:s1] =	stream.indirect.scatter.add.f32 [tilespmem:s15], [sflag:$0x3], $0x80, s4, s21, $0xb8;
	[tilespmem:$0x1D000] =	vst v63  }
0x9d: {  	_ =	swait.ge [sflag:s16], $0x1400  }
0x9e: {  	[sflag:s16] =	ssyncset.done $0x0  }
0x9f: {  	s4 =	sadd.s32 $0xFFFFFD80, s31;
	[sflag:s16] =	ssyncadd.s32 $0xFFFFEC00  }
0xa0: {  	[tilespmem:s15], [sflag:$0x1] =	stream.linear.gather [hbm4b:s4+s3], $0x1400, $0x38;
	[tilespmem:$0x1D000] =	vst v63  }
0xa1: {  	_ =	swait.ge [sflag:s22], $0x1400  }
0xa2: {  	[sflag:s22] =	ssyncset.done $0x0  }
.Ltmp2:
0xa3: {  	s2 =	sadd.s32 $0x14080, s2;
	[sflag:s22] =	ssyncadd.s32 $0xFFFFEC00;
	(pc) =	sbr.rel @p0 .LBB2_6-.Ltmp2, $4  }
0xa4: {  	[spmem:s1] =	stream.indirect.scatter.add.f32 [tilespmem:s19], [sflag:$0x3], $0x80, s2, s21, $0xb8;
	[tilespmem:$0x1D000] =	vst v63  }
0xa5: {  	_ =	swait.ge [sflag:s16], $0x1400  }
0xa6: {  	[sflag:s16] =	ssyncset.done $0x0  }
0xa7: {  	s31 =	sadd.s32 $0x500, s31;
	[sflag:s16] =	ssyncadd.s32 $0xFFFFEC00  }
0xa8: {  	[tilespmem:s19], [sflag:$0x2] =	stream.linear.gather [hbm4b:s11+s3], $0x1400, $0x38;
	[tilespmem:$0x1D000] =	vst v63  }
0xa9: {  	_ =	swait.ge [sflag:s20], $0x1400  }
0xaa: {  	[sflag:s20] =	ssyncset.done $0x0  }
0xab: {  	[sflag:s20] =	ssyncadd.s32 $0xFFFFEC00  }
0xac: {  	[spmem:s1] =	stream.indirect.scatter.add.f32 [tilespmem:s15], [sflag:$0x3], $0x80, s23, s21, $0xb8;
	[tilespmem:$0x1D000] =	vst v63  }
0xad: {  	s2 =	simm.s32 $0x0;
	_ =	swait.ge [sflag:s16], $0x1400  }
0xae: {  	v5 =	vor.u32 s2, v1;
	[sflag:s16] =	ssyncset.done $0x0  }
0xaf: {  	v4 =	vmulhi.u32 $0xCCCCCCCD, v5;
	[sflag:s16] =	ssyncadd.s32 $0xFFFFEC00  }
0xb0: {  	[tilespmem:s15], [sflag:$0x1] =	stream.linear.gather [hbm4b:s7+s2], $0x1400, $0x38;
	[tilespmem:$0x1D000] =	vst v63  }
0xb1: {  	v6 =	vshrl.u32 v4, $0x5;
	_ =	swait.ge [sflag:s22], $0x1400  }
0xb2: {  	v4 =	vmul.u32 $0xFFFFFFD8, v6;
	[sflag:s22] =	ssyncset.done $0x0  }
0xb3: {  	[sflag:s22] =	ssyncadd.s32 $0xFFFFEC00  }
0xb4: {  	v7 =	vmov s2;
	v8 =	vadd.s32 v5, v4;
	[spmem:s1] =	stream.indirect.scatter.add.f32 [tilespmem:s19], [sflag:$0x3], $0x80, s25, s21, $0xb8;
	[tilespmem:$0x1D000] =	vst v63  }
0xb5: {  	vm0 =	veq.s32 v7, v1;
	vm1 =	vne.s32 v8, $0x0;
	_ =	swait.ge [sflag:s16], $0x1400  }
0xb6: {  	s31 =	simm.s32 $0x10;
	vm0 =	vmand vm0, vm1;
	[sflag:s16] =	ssyncset.done $0x0  }
0xb7: {  	v4 =	vor.u32 s31, v1;
	v7 =	vsel vm0, $0xFFFFFFFF, v2;
	[sflag:s16] =	ssyncadd.s32 $0xFFFFEC00  }
0xb8: {  	v9 =	vmulhi.u32 $0xCCCCCCCD, v4;
	v6 =	vadd.s32 v7, v6;
	_ =	swait.ge [sflag:s20], $0x1400  }
0xb9: {  	vm1 =	vlt.u32 v5, $0x1388;
	v6 =	vshll.u32 v6, $0x7;
	[sflag:s20] =	ssyncset.done $0x0  }
0xba: {  	v5 =	vshrl.u32 v9, $0x5;
	v7 =	vor.u32 v8, v6;
	[sflag:s20] =	ssyncadd.s32 $0xFFFFEC00  }
0xbb: {  	v6 =	vmul.u32 $0xFFFFFFD8, v5;
	[spmem:s1] =	stream.indirect.scatter.add.f32 [tilespmem:s15], [sflag:$0x3], $0x80, s26, s21, $0xb8;
	[tilespmem:$0x1D000] =	vst v63  }
0xbc: {  	_ =	swait.ge [sflag:s16], $0x1400  }
0xbd: {  	v8 =	vmov s31;
	v6 =	vadd.s32 v4, v6;
	[sflag:s16] =	ssyncset.done $0x0  }
0xbe: {  	vm0 =	veq.s32 v8, v1;
	vm2 =	vne.s32 v6, $0x0;
	[sflag:s16] =	ssyncadd.s32 $0xFFFFEC00  }
0xbf: {  	s30 =	simm.s32 $0x20;
	vm2 =	vmand vm0, vm2;
	v7 =	vld.idx.msk [tilespmem:v7+s18+$0x0], vm1  }
0xc0: {  	s11 =	simm.s32 $0x30;
	v8 =	vor.u32 s30, v1;
	vm0 =	vmmov vm1;
	v9 =	vsel vm2, $0xFFFFFFFF, v2  }
.LBB2_8:
0xc1: {  	p0 =	sne.s32 s11, $0x1380;
	v10 =	vmulhi.u32 $0xCCCCCCCD, v8;
	v5 =	vadd.s32 v9, v5  }
0xc2: {  	vm1 =	vlt.u32 v4, $0x1388;
	v4 =	vmov v8;
	v9 =	vshll.u32 v5, $0x7  }
0xc3: {  	v5 =	vshrl.u32 v10, $0x5;
	v8 =	vor.u32 v6, v9  }
0xc4: {  	v6 =	vmul.u32 $0xFFFFFFD8, v5  }
.Ltmp3:
0xc5: {  	(pc) =	sbr.rel @p0 .LBB2_8-.Ltmp3, $4  }
0xc6: {  	v9 =	vmov s30;
	s30 =	smov.u32 s11;
	v6 =	vadd.s32 v4, v6  }
0xc7: {  	vm2 =	veq.s32 v9, v1;
	vm3 =	vne.s32 v6, $0x0;
	[tilespmem:v7+s28+$0x0] =	vst.idx.add.f32.msk vm0, v3;
	vm0 =	vmmov vm1  }
0xc8: {  	vm2 =	vmand vm2, vm3;
	v7 =	vld.idx.msk [tilespmem:v8+s18+$0x0], vm1  }
0xc9: {  	s11 =	sadd.s32 $0x10, s11;
	v8 =	vor.u32 s30, v1;
	v9 =	vsel vm2, $0xFFFFFFFF, v2  }
0xca: {  	_ = 	snop  }
0xcb: {  	v10 =	vmulhi.u32 $0xCCCCCCCD, v8;
	v5 =	vadd.s32 v9, v5  }
0xcc: {  	vm1 =	vlt.u32 v4, $0x1388;
	v4 =	vshll.u32 v5, $0x7  }
0xcd: {  	v5 =	vshrl.u32 v10, $0x5;
	v4 =	vor.u32 v6, v4  }
0xce: {  	v61 =	vmul.u32 $0xFFFFFFD8, v5;
	_ =	sdelay $0x1  }
0xcf: {  	v62 =	vmov s30;
	v6 =	vadd.s32 v8, v61  }
0xd0: {  	vm2 =	veq.s32 v62, v1;
	[tilespmem:v7+s28+$0x0] =	vst.idx.add.f32.msk vm0, v3;
	vm3 =	vne.s32 v6, $0x0  }
0xd1: {  	vm12 =	vmand vm2, vm3;
	v4 =	vld.idx.msk [tilespmem:v4+s18+$0x0], vm1  }
0xd2: {  	v63 =	vsel vm12, $0xFFFFFFFF, v2  }
0xd3: {  	vm13 =	vmmov vm1;
	v5 =	vadd.s32 v63, v5  }
0xd4: {  	vm14 =	vlt.u32 v8, $0x1388;
	v5 =	vshll.u32 v5, $0x7  }
0xd5: {  	v5 =	vor.u32 v6, v5;
	_ =	sdelay $0x3  }
0xd6: {  	[tilespmem:v4+s28+$0x0] =	vst.idx.add.f32.msk vm13, v3  }
0xd7: {  	v4 =	vld.idx.msk [tilespmem:v5+s18+$0x0], vm14;
	_ =	sdelay $0x7  }
0xd8: {  	s2 =	simm.s32 $0x0;
	s4 =	rddreg [dreg:$0x7];
	[tilespmem:v4+s28+$0x0] =	vst.idx.add.f32.msk vm14, v3  }
0xd9: {  	[tilespmem:s18], [sflag:$0x3] =	stream.linear.gather [hbm4b:s4+s2], $0x3E80, $0x38;
	[tilespmem:$0x1D000] =	vst v63  }
0xda: {  	_ =	swait.ge [sflag:s16], $0x3E80  }
0xdb: {  	[sflag:s16] =	ssyncset.done $0x0  }
0xdc: {  	s11 =	rddreg [dreg:$0x8];
	[sflag:s16] =	ssyncadd.s32 $0xFFFFC180  }
0xdd: {  	[tilespmem:s15], [sflag:$0x1] =	stream.linear.gather [hbm4b:s11+s2], $0x1400, $0x38;
	[tilespmem:$0x1D000] =	vst v63  }
0xde: {  	s11 =	rddreg [dreg:$0x9]  }
0xdf: {  	[tilespmem:s19], [sflag:$0x2] =	stream.linear.gather [hbm4b:s11+s2], $0x1400, $0x38;
	[tilespmem:$0x1D000] =	vst v63  }
0xe0: {  	_ =	swait.ge [sflag:s20], $0x1400  }
0xe1: {  	[sflag:s20] =	ssyncset.done $0x0  }
0xe2: {  	s11 =	simm.s32 $0x14000;
	[sflag:s20] =	ssyncadd.s32 $0xFFFFEC00  }
0xe3: {  	[spmem:s1] =	stream.indirect.scatter.add.f32 [tilespmem:s15], [sflag:$0x3], $0x80, s11, s21, $0xb8;
	[tilespmem:$0x1D000] =	vst v63  }
0xe4: {  	_ =	swait.ge [sflag:s16], $0x1400  }
0xe5: {  	[sflag:s16] =	ssyncset.done $0x0  }
0xe6: {  	s4 =	sadd.s32 $0xFFFFFD80, s12;
	[sflag:s16] =	ssyncadd.s32 $0xFFFFEC00  }
0xe7: {  	[tilespmem:s15], [sflag:$0x1] =	stream.linear.gather [hbm4b:s4+s3], $0x1400, $0x38;
	[tilespmem:$0x1D000] =	vst v63  }
0xe8: {  	_ =	swait.ge [sflag:s22], $0x1400  }
0xe9: {  	[sflag:s22] =	ssyncset.done $0x0  }
0xea: {  	s11 =	simm.s32 $0x14080;
	[sflag:s22] =	ssyncadd.s32 $0xFFFFEC00  }
0xeb: {  	[spmem:s1] =	stream.indirect.scatter.add.f32 [tilespmem:s19], [sflag:$0x3], $0x80, s11, s21, $0xb8;
	[tilespmem:$0x1D000] =	vst v63  }
0xec: {  	_ =	swait.ge [sflag:s16], $0x1400  }
0xed: {  	s30 =	simm.s32 $0x400;
	[sflag:s16] =	ssyncset.done $0x0  }
0xee: {  	s31 =	sadd.s32 $0x500, s12;
	vm15 =	vmmov vm14;
	s11 =	smov.u32 s12;
	[sflag:s16] =	ssyncadd.s32 $0xFFFFEC00  }
.LBB2_10:
0xef: {  	[tilespmem:s19], [sflag:$0x2] =	stream.linear.gather [hbm4b:s11+s3], $0x1400, $0x38;
	[tilespmem:$0x1D000] =	vst v63  }
0xf0: {  	s2 =	smov.u32 s30;
	s11 =	smov.u32 s31  }
0xf1: {  	p0 =	sne.s32 s30, $0xF000;
	s30 =	sadd.s32 $0x400, s30;
	_ =	swait.ge [sflag:s20], $0x1400  }
0xf2: {  	s2 =	sshra.s32 s2, $0x2;
	[sflag:s20] =	ssyncset.done $0x0  }
0xf3: {  	s4 =	sadd.s32 $0x14000, s2;
	[sflag:s20] =	ssyncadd.s32 $0xFFFFEC00  }
0xf4: {  	[spmem:s1] =	stream.indirect.scatter.add.f32 [tilespmem:s15], [sflag:$0x3], $0x80, s4, s21, $0xb8;
	[tilespmem:$0x1D000] =	vst v63  }
0xf5: {  	_ =	swait.ge [sflag:s16], $0x1400  }
0xf6: {  	[sflag:s16] =	ssyncset.done $0x0  }
0xf7: {  	s4 =	sadd.s32 $0xFFFFFD80, s31;
	[sflag:s16] =	ssyncadd.s32 $0xFFFFEC00  }
0xf8: {  	[tilespmem:s15], [sflag:$0x1] =	stream.linear.gather [hbm4b:s4+s3], $0x1400, $0x38;
	[tilespmem:$0x1D000] =	vst v63  }
0xf9: {  	_ =	swait.ge [sflag:s22], $0x1400  }
0xfa: {  	[sflag:s22] =	ssyncset.done $0x0  }
.Ltmp4:
0xfb: {  	s2 =	sadd.s32 $0x14080, s2;
	[sflag:s22] =	ssyncadd.s32 $0xFFFFEC00;
	(pc) =	sbr.rel @p0 .LBB2_10-.Ltmp4, $4  }
0xfc: {  	[spmem:s1] =	stream.indirect.scatter.add.f32 [tilespmem:s19], [sflag:$0x3], $0x80, s2, s21, $0xb8;
	[tilespmem:$0x1D000] =	vst v63  }
0xfd: {  	_ =	swait.ge [sflag:s16], $0x1400  }
0xfe: {  	[sflag:s16] =	ssyncset.done $0x0  }
0xff: {  	s31 =	sadd.s32 $0x500, s31;
	[sflag:s16] =	ssyncadd.s32 $0xFFFFEC00  }
0x100: {  	[tilespmem:s19], [sflag:$0x2] =	stream.linear.gather [hbm4b:s11+s3], $0x1400, $0x38;
	[tilespmem:$0x1D000] =	vst v63  }
0x101: {  	_ =	swait.ge [sflag:s20], $0x1400  }
0x102: {  	[sflag:s20] =	ssyncset.done $0x0  }
0x103: {  	[sflag:s20] =	ssyncadd.s32 $0xFFFFEC00  }
0x104: {  	[spmem:s1] =	stream.indirect.scatter.add.f32 [tilespmem:s15], [sflag:$0x3], $0x80, s23, s21, $0xb8;
	[tilespmem:$0x1D000] =	vst v63  }
0x105: {  	s2 =	simm.s32 $0x0;
	_ =	swait.ge [sflag:s16], $0x1400  }
0x106: {  	v5 =	vor.u32 s2, v1;
	[sflag:s16] =	ssyncset.done $0x0  }
0x107: {  	v4 =	vmulhi.u32 $0xCCCCCCCD, v5;
	[sflag:s16] =	ssyncadd.s32 $0xFFFFEC00  }
0x108: {  	[tilespmem:s15], [sflag:$0x1] =	stream.linear.gather [hbm4b:s8+s2], $0x1400, $0x38;
	[tilespmem:$0x1D000] =	vst v63  }
0x109: {  	v6 =	vshrl.u32 v4, $0x5;
	_ =	swait.ge [sflag:s22], $0x1400  }
0x10a: {  	v4 =	vmul.u32 $0xFFFFFFD8, v6;
	[sflag:s22] =	ssyncset.done $0x0  }
0x10b: {  	[sflag:s22] =	ssyncadd.s32 $0xFFFFEC00  }
0x10c: {  	v7 =	vmov s2;
	v8 =	vadd.s32 v5, v4;
	[spmem:s1] =	stream.indirect.scatter.add.f32 [tilespmem:s19], [sflag:$0x3], $0x80, s25, s21, $0xb8;
	[tilespmem:$0x1D000] =	vst v63  }
0x10d: {  	vm0 =	veq.s32 v7, v1;
	vm1 =	vne.s32 v8, $0x0;
	_ =	swait.ge [sflag:s16], $0x1400  }
0x10e: {  	s31 =	simm.s32 $0x10;
	vm0 =	vmand vm0, vm1;
	[sflag:s16] =	ssyncset.done $0x0  }
0x10f: {  	v4 =	vor.u32 s31, v1;
	v7 =	vsel vm0, $0xFFFFFFFF, v2;
	[sflag:s16] =	ssyncadd.s32 $0xFFFFEC00  }
0x110: {  	v9 =	vmulhi.u32 $0xCCCCCCCD, v4;
	v6 =	vadd.s32 v7, v6;
	_ =	swait.ge [sflag:s20], $0x1400  }
0x111: {  	vm1 =	vlt.u32 v5, $0x1388;
	v6 =	vshll.u32 v6, $0x7;
	[sflag:s20] =	ssyncset.done $0x0  }
0x112: {  	v5 =	vshrl.u32 v9, $0x5;
	v7 =	vor.u32 v8, v6;
	[sflag:s20] =	ssyncadd.s32 $0xFFFFEC00  }
0x113: {  	v6 =	vmul.u32 $0xFFFFFFD8, v5;
	[spmem:s1] =	stream.indirect.scatter.add.f32 [tilespmem:s15], [sflag:$0x3], $0x80, s26, s21, $0xb8;
	[tilespmem:$0x1D000] =	vst v63  }
0x114: {  	_ =	swait.ge [sflag:s16], $0x1400  }
0x115: {  	v8 =	vmov s31;
	v6 =	vadd.s32 v4, v6;
	[sflag:s16] =	ssyncset.done $0x0  }
0x116: {  	vm0 =	veq.s32 v8, v1;
	vm2 =	vne.s32 v6, $0x0;
	[sflag:s16] =	ssyncadd.s32 $0xFFFFEC00  }
0x117: {  	s30 =	simm.s32 $0x20;
	vm2 =	vmand vm0, vm2;
	v7 =	vld.idx.msk [tilespmem:v7+s18+$0x0], vm1  }
0x118: {  	s11 =	simm.s32 $0x30;
	v8 =	vor.u32 s30, v1;
	vm0 =	vmmov vm1;
	v9 =	vsel vm2, $0xFFFFFFFF, v2  }
.LBB2_12:
0x119: {  	p0 =	sne.s32 s11, $0x1380;
	v10 =	vmulhi.u32 $0xCCCCCCCD, v8;
	v5 =	vadd.s32 v9, v5  }
0x11a: {  	vm1 =	vlt.u32 v4, $0x1388;
	v4 =	vmov v8;
	v9 =	vshll.u32 v5, $0x7  }
0x11b: {  	v5 =	vshrl.u32 v10, $0x5;
	v8 =	vor.u32 v6, v9  }
0x11c: {  	v6 =	vmul.u32 $0xFFFFFFD8, v5  }
.Ltmp5:
0x11d: {  	(pc) =	sbr.rel @p0 .LBB2_12-.Ltmp5, $4  }
0x11e: {  	v9 =	vmov s30;
	s30 =	smov.u32 s11;
	v6 =	vadd.s32 v4, v6  }
0x11f: {  	vm2 =	veq.s32 v9, v1;
	vm3 =	vne.s32 v6, $0x0;
	[tilespmem:v7+s28+$0x0] =	vst.idx.add.f32.msk vm0, v3;
	vm0 =	vmmov vm1  }
0x120: {  	vm2 =	vmand vm2, vm3;
	v7 =	vld.idx.msk [tilespmem:v8+s18+$0x0], vm1  }
0x121: {  	s11 =	sadd.s32 $0x10, s11;
	v8 =	vor.u32 s30, v1;
	v9 =	vsel vm2, $0xFFFFFFFF, v2  }
0x122: {  	_ = 	snop  }
0x123: {  	v10 =	vmulhi.u32 $0xCCCCCCCD, v8;
	v5 =	vadd.s32 v9, v5  }
0x124: {  	vm1 =	vlt.u32 v4, $0x1388;
	v4 =	vshll.u32 v5, $0x7  }
0x125: {  	v5 =	vshrl.u32 v10, $0x5;
	v4 =	vor.u32 v6, v4  }
0x126: {  	v61 =	vmul.u32 $0xFFFFFFD8, v5;
	_ =	sdelay $0x1  }
0x127: {  	v62 =	vmov s30;
	v6 =	vadd.s32 v8, v61  }
0x128: {  	vm2 =	veq.s32 v62, v1;
	[tilespmem:v7+s28+$0x0] =	vst.idx.add.f32.msk vm0, v3;
	vm3 =	vne.s32 v6, $0x0  }
0x129: {  	vm12 =	vmand vm2, vm3;
	v4 =	vld.idx.msk [tilespmem:v4+s18+$0x0], vm1  }
0x12a: {  	v63 =	vsel vm12, $0xFFFFFFFF, v2  }
0x12b: {  	vm13 =	vmmov vm1;
	v5 =	vadd.s32 v63, v5  }
0x12c: {  	vm14 =	vlt.u32 v8, $0x1388;
	v5 =	vshll.u32 v5, $0x7  }
0x12d: {  	v5 =	vor.u32 v6, v5;
	_ =	sdelay $0x3  }
0x12e: {  	[tilespmem:v4+s28+$0x0] =	vst.idx.add.f32.msk vm13, v3  }
0x12f: {  	v4 =	vld.idx.msk [tilespmem:v5+s18+$0x0], vm14;
	_ =	sdelay $0x7  }
0x130: {  	s2 =	simm.s32 $0x0;
	s4 =	rddreg [dreg:$0xa];
	[tilespmem:v4+s28+$0x0] =	vst.idx.add.f32.msk vm14, v3  }
0x131: {  	[tilespmem:s18], [sflag:$0x3] =	stream.linear.gather [hbm4b:s4+s2], $0x3E80, $0x38;
	[tilespmem:$0x1D000] =	vst v63  }
0x132: {  	_ =	swait.ge [sflag:s16], $0x3E80  }
0x133: {  	[sflag:s16] =	ssyncset.done $0x0  }
0x134: {  	s11 =	rddreg [dreg:$0xb];
	[sflag:s16] =	ssyncadd.s32 $0xFFFFC180  }
0x135: {  	[tilespmem:s15], [sflag:$0x1] =	stream.linear.gather [hbm4b:s11+s2], $0x1400, $0x38;
	[tilespmem:$0x1D000] =	vst v63  }
0x136: {  	s11 =	rddreg [dreg:$0xc]  }
0x137: {  	[tilespmem:s19], [sflag:$0x2] =	stream.linear.gather [hbm4b:s11+s2], $0x1400, $0x38;
	[tilespmem:$0x1D000] =	vst v63  }
0x138: {  	_ =	swait.ge [sflag:s20], $0x1400  }
0x139: {  	[sflag:s20] =	ssyncset.done $0x0  }
0x13a: {  	s11 =	simm.s32 $0x14000;
	[sflag:s20] =	ssyncadd.s32 $0xFFFFEC00  }
0x13b: {  	[spmem:s1] =	stream.indirect.scatter.add.f32 [tilespmem:s15], [sflag:$0x3], $0x80, s11, s21, $0xb8;
	[tilespmem:$0x1D000] =	vst v63  }
0x13c: {  	_ =	swait.ge [sflag:s16], $0x1400  }
0x13d: {  	[sflag:s16] =	ssyncset.done $0x0  }
0x13e: {  	s4 =	sadd.s32 $0xFFFFFD80, s13;
	[sflag:s16] =	ssyncadd.s32 $0xFFFFEC00  }
0x13f: {  	[tilespmem:s15], [sflag:$0x1] =	stream.linear.gather [hbm4b:s4+s3], $0x1400, $0x38;
	[tilespmem:$0x1D000] =	vst v63  }
0x140: {  	_ =	swait.ge [sflag:s22], $0x1400  }
0x141: {  	[sflag:s22] =	ssyncset.done $0x0  }
0x142: {  	s11 =	simm.s32 $0x14080;
	[sflag:s22] =	ssyncadd.s32 $0xFFFFEC00  }
0x143: {  	[spmem:s1] =	stream.indirect.scatter.add.f32 [tilespmem:s19], [sflag:$0x3], $0x80, s11, s21, $0xb8;
	[tilespmem:$0x1D000] =	vst v63  }
0x144: {  	_ =	swait.ge [sflag:s16], $0x1400  }
0x145: {  	s30 =	simm.s32 $0x400;
	[sflag:s16] =	ssyncset.done $0x0  }
0x146: {  	s31 =	sadd.s32 $0x500, s13;
	vm15 =	vmmov vm14;
	s11 =	smov.u32 s13;
	[sflag:s16] =	ssyncadd.s32 $0xFFFFEC00  }
.LBB2_14:
0x147: {  	[tilespmem:s19], [sflag:$0x2] =	stream.linear.gather [hbm4b:s11+s3], $0x1400, $0x38;
	[tilespmem:$0x1D000] =	vst v63  }
0x148: {  	s2 =	smov.u32 s30;
	s11 =	smov.u32 s31  }
0x149: {  	p0 =	sne.s32 s30, $0xF000;
	s30 =	sadd.s32 $0x400, s30;
	_ =	swait.ge [sflag:s20], $0x1400  }
0x14a: {  	s2 =	sshra.s32 s2, $0x2;
	[sflag:s20] =	ssyncset.done $0x0  }
0x14b: {  	s4 =	sadd.s32 $0x14000, s2;
	[sflag:s20] =	ssyncadd.s32 $0xFFFFEC00  }
0x14c: {  	[spmem:s1] =	stream.indirect.scatter.add.f32 [tilespmem:s15], [sflag:$0x3], $0x80, s4, s21, $0xb8;
	[tilespmem:$0x1D000] =	vst v63  }
0x14d: {  	_ =	swait.ge [sflag:s16], $0x1400  }
0x14e: {  	[sflag:s16] =	ssyncset.done $0x0  }
0x14f: {  	s4 =	sadd.s32 $0xFFFFFD80, s31;
	[sflag:s16] =	ssyncadd.s32 $0xFFFFEC00  }
0x150: {  	[tilespmem:s15], [sflag:$0x1] =	stream.linear.gather [hbm4b:s4+s3], $0x1400, $0x38;
	[tilespmem:$0x1D000] =	vst v63  }
0x151: {  	_ =	swait.ge [sflag:s22], $0x1400  }
0x152: {  	[sflag:s22] =	ssyncset.done $0x0  }
.Ltmp6:
0x153: {  	s2 =	sadd.s32 $0x14080, s2;
	[sflag:s22] =	ssyncadd.s32 $0xFFFFEC00;
	(pc) =	sbr.rel @p0 .LBB2_14-.Ltmp6, $4  }
0x154: {  	[spmem:s1] =	stream.indirect.scatter.add.f32 [tilespmem:s19], [sflag:$0x3], $0x80, s2, s21, $0xb8;
	[tilespmem:$0x1D000] =	vst v63  }
0x155: {  	_ =	swait.ge [sflag:s16], $0x1400  }
0x156: {  	[sflag:s16] =	ssyncset.done $0x0  }
0x157: {  	s31 =	sadd.s32 $0x500, s31;
	[sflag:s16] =	ssyncadd.s32 $0xFFFFEC00  }
0x158: {  	[tilespmem:s19], [sflag:$0x2] =	stream.linear.gather [hbm4b:s11+s3], $0x1400, $0x38;
	[tilespmem:$0x1D000] =	vst v63  }
0x159: {  	_ =	swait.ge [sflag:s20], $0x1400  }
0x15a: {  	[sflag:s20] =	ssyncset.done $0x0  }
0x15b: {  	[sflag:s20] =	ssyncadd.s32 $0xFFFFEC00  }
0x15c: {  	[spmem:s1] =	stream.indirect.scatter.add.f32 [tilespmem:s15], [sflag:$0x3], $0x80, s23, s21, $0xb8;
	[tilespmem:$0x1D000] =	vst v63  }
0x15d: {  	s2 =	simm.s32 $0x0;
	_ =	swait.ge [sflag:s16], $0x1400  }
0x15e: {  	v5 =	vor.u32 s2, v1;
	[sflag:s16] =	ssyncset.done $0x0  }
0x15f: {  	v4 =	vmulhi.u32 $0xCCCCCCCD, v5;
	[sflag:s16] =	ssyncadd.s32 $0xFFFFEC00  }
0x160: {  	[tilespmem:s15], [sflag:$0x1] =	stream.linear.gather [hbm4b:s9+s2], $0x1400, $0x38;
	[tilespmem:$0x1D000] =	vst v63  }
0x161: {  	v6 =	vshrl.u32 v4, $0x5;
	_ =	swait.ge [sflag:s22], $0x1400  }
0x162: {  	v4 =	vmul.u32 $0xFFFFFFD8, v6;
	[sflag:s22] =	ssyncset.done $0x0  }
0x163: {  	[sflag:s22] =	ssyncadd.s32 $0xFFFFEC00  }
0x164: {  	v7 =	vmov s2;
	v8 =	vadd.s32 v5, v4;
	[spmem:s1] =	stream.indirect.scatter.add.f32 [tilespmem:s19], [sflag:$0x3], $0x80, s25, s21, $0xb8;
	[tilespmem:$0x1D000] =	vst v63  }
0x165: {  	vm0 =	veq.s32 v7, v1;
	vm1 =	vne.s32 v8, $0x0;
	_ =	swait.ge [sflag:s16], $0x1400  }
0x166: {  	s31 =	simm.s32 $0x10;
	vm0 =	vmand vm0, vm1;
	[sflag:s16] =	ssyncset.done $0x0  }
0x167: {  	v4 =	vor.u32 s31, v1;
	v7 =	vsel vm0, $0xFFFFFFFF, v2;
	[sflag:s16] =	ssyncadd.s32 $0xFFFFEC00  }
0x168: {  	v9 =	vmulhi.u32 $0xCCCCCCCD, v4;
	v6 =	vadd.s32 v7, v6;
	_ =	swait.ge [sflag:s20], $0x1400  }
0x169: {  	vm1 =	vlt.u32 v5, $0x1388;
	v6 =	vshll.u32 v6, $0x7;
	[sflag:s20] =	ssyncset.done $0x0  }
0x16a: {  	v5 =	vshrl.u32 v9, $0x5;
	v7 =	vor.u32 v8, v6;
	[sflag:s20] =	ssyncadd.s32 $0xFFFFEC00  }
0x16b: {  	v6 =	vmul.u32 $0xFFFFFFD8, v5;
	[spmem:s1] =	stream.indirect.scatter.add.f32 [tilespmem:s15], [sflag:$0x3], $0x80, s26, s21, $0xb8;
	[tilespmem:$0x1D000] =	vst v63  }
0x16c: {  	_ =	swait.ge [sflag:s16], $0x1400  }
0x16d: {  	v8 =	vmov s31;
	v6 =	vadd.s32 v4, v6;
	[sflag:s16] =	ssyncset.done $0x0  }
0x16e: {  	vm0 =	veq.s32 v8, v1;
	vm2 =	vne.s32 v6, $0x0;
	[sflag:s16] =	ssyncadd.s32 $0xFFFFEC00  }
0x16f: {  	s30 =	simm.s32 $0x20;
	vm2 =	vmand vm0, vm2;
	v7 =	vld.idx.msk [tilespmem:v7+s18+$0x0], vm1  }
0x170: {  	s11 =	simm.s32 $0x30;
	v8 =	vor.u32 s30, v1;
	vm0 =	vmmov vm1;
	v9 =	vsel vm2, $0xFFFFFFFF, v2  }
.LBB2_16:
0x171: {  	p0 =	sne.s32 s11, $0x1380;
	v10 =	vmulhi.u32 $0xCCCCCCCD, v8;
	v5 =	vadd.s32 v9, v5  }
0x172: {  	vm1 =	vlt.u32 v4, $0x1388;
	v4 =	vmov v8;
	v9 =	vshll.u32 v5, $0x7  }
0x173: {  	v5 =	vshrl.u32 v10, $0x5;
	v8 =	vor.u32 v6, v9  }
0x174: {  	v6 =	vmul.u32 $0xFFFFFFD8, v5  }
.Ltmp7:
0x175: {  	(pc) =	sbr.rel @p0 .LBB2_16-.Ltmp7, $4  }
0x176: {  	v9 =	vmov s30;
	s30 =	smov.u32 s11;
	v6 =	vadd.s32 v4, v6  }
0x177: {  	vm2 =	veq.s32 v9, v1;
	vm3 =	vne.s32 v6, $0x0;
	[tilespmem:v7+s28+$0x0] =	vst.idx.add.f32.msk vm0, v3;
	vm0 =	vmmov vm1  }
0x178: {  	vm2 =	vmand vm2, vm3;
	v7 =	vld.idx.msk [tilespmem:v8+s18+$0x0], vm1  }
0x179: {  	s11 =	sadd.s32 $0x10, s11;
	v8 =	vor.u32 s30, v1;
	v9 =	vsel vm2, $0xFFFFFFFF, v2  }
0x17a: {  	_ = 	snop  }
0x17b: {  	v10 =	vmulhi.u32 $0xCCCCCCCD, v8;
	v5 =	vadd.s32 v9, v5  }
0x17c: {  	vm1 =	vlt.u32 v4, $0x1388;
	v4 =	vshll.u32 v5, $0x7  }
0x17d: {  	v5 =	vshrl.u32 v10, $0x5;
	v4 =	vor.u32 v6, v4  }
0x17e: {  	v61 =	vmul.u32 $0xFFFFFFD8, v5;
	_ =	sdelay $0x1  }
0x17f: {  	v62 =	vmov s30;
	v6 =	vadd.s32 v8, v61  }
0x180: {  	vm2 =	veq.s32 v62, v1;
	[tilespmem:v7+s28+$0x0] =	vst.idx.add.f32.msk vm0, v3;
	vm3 =	vne.s32 v6, $0x0  }
0x181: {  	vm12 =	vmand vm2, vm3;
	v4 =	vld.idx.msk [tilespmem:v4+s18+$0x0], vm1  }
0x182: {  	v63 =	vsel vm12, $0xFFFFFFFF, v2  }
0x183: {  	vm13 =	vmmov vm1;
	v5 =	vadd.s32 v63, v5  }
0x184: {  	vm14 =	vlt.u32 v8, $0x1388;
	v5 =	vshll.u32 v5, $0x7  }
0x185: {  	v5 =	vor.u32 v6, v5;
	_ =	sdelay $0x3  }
0x186: {  	[tilespmem:v4+s28+$0x0] =	vst.idx.add.f32.msk vm13, v3  }
0x187: {  	v4 =	vld.idx.msk [tilespmem:v5+s18+$0x0], vm14;
	_ =	sdelay $0x7  }
0x188: {  	s2 =	simm.s32 $0x0;
	s4 =	rddreg [dreg:$0xd];
	[tilespmem:v4+s28+$0x0] =	vst.idx.add.f32.msk vm14, v3  }
0x189: {  	[tilespmem:s18], [sflag:$0x3] =	stream.linear.gather [hbm4b:s4+s2], $0x3E80, $0x38;
	[tilespmem:$0x1D000] =	vst v63  }
0x18a: {  	_ =	swait.ge [sflag:s16], $0x3E80  }
0x18b: {  	[sflag:s16] =	ssyncset.done $0x0  }
0x18c: {  	s11 =	rddreg [dreg:$0xe];
	[sflag:s16] =	ssyncadd.s32 $0xFFFFC180  }
0x18d: {  	[tilespmem:s15], [sflag:$0x1] =	stream.linear.gather [hbm4b:s11+s2], $0x1400, $0x38;
	[tilespmem:$0x1D000] =	vst v63  }
0x18e: {  	s11 =	rddreg [dreg:$0xf]  }
0x18f: {  	[tilespmem:s19], [sflag:$0x2] =	stream.linear.gather [hbm4b:s11+s2], $0x1400, $0x38;
	[tilespmem:$0x1D000] =	vst v63  }
0x190: {  	_ =	swait.ge [sflag:s20], $0x1400  }
0x191: {  	[sflag:s20] =	ssyncset.done $0x0  }
0x192: {  	s11 =	simm.s32 $0x14000;
	[sflag:s20] =	ssyncadd.s32 $0xFFFFEC00  }
0x193: {  	[spmem:s1] =	stream.indirect.scatter.add.f32 [tilespmem:s15], [sflag:$0x3], $0x80, s11, s21, $0xb8;
	[tilespmem:$0x1D000] =	vst v63  }
0x194: {  	_ =	swait.ge [sflag:s16], $0x1400  }
0x195: {  	[sflag:s16] =	ssyncset.done $0x0  }
0x196: {  	s4 =	sadd.s32 $0xFFFFFD80, s14;
	[sflag:s16] =	ssyncadd.s32 $0xFFFFEC00  }
0x197: {  	[tilespmem:s15], [sflag:$0x1] =	stream.linear.gather [hbm4b:s4+s3], $0x1400, $0x38;
	[tilespmem:$0x1D000] =	vst v63  }
0x198: {  	_ =	swait.ge [sflag:s22], $0x1400  }
0x199: {  	[sflag:s22] =	ssyncset.done $0x0  }
0x19a: {  	s11 =	simm.s32 $0x14080;
	[sflag:s22] =	ssyncadd.s32 $0xFFFFEC00  }
0x19b: {  	[spmem:s1] =	stream.indirect.scatter.add.f32 [tilespmem:s19], [sflag:$0x3], $0x80, s11, s21, $0xb8;
	[tilespmem:$0x1D000] =	vst v63  }
0x19c: {  	_ =	swait.ge [sflag:s16], $0x1400  }
0x19d: {  	s30 =	simm.s32 $0x400;
	[sflag:s16] =	ssyncset.done $0x0  }
0x19e: {  	s31 =	sadd.s32 $0x500, s14;
	vm15 =	vmmov vm14;
	s11 =	smov.u32 s14;
	[sflag:s16] =	ssyncadd.s32 $0xFFFFEC00  }
.LBB2_18:
0x19f: {  	[tilespmem:s19], [sflag:$0x2] =	stream.linear.gather [hbm4b:s11+s3], $0x1400, $0x38;
	[tilespmem:$0x1D000] =	vst v63  }
0x1a0: {  	s2 =	smov.u32 s30;
	s11 =	smov.u32 s31  }
0x1a1: {  	p0 =	sne.s32 s30, $0xF000;
	s30 =	sadd.s32 $0x400, s30;
	_ =	swait.ge [sflag:s20], $0x1400  }
0x1a2: {  	s2 =	sshra.s32 s2, $0x2;
	[sflag:s20] =	ssyncset.done $0x0  }
0x1a3: {  	s4 =	sadd.s32 $0x14000, s2;
	[sflag:s20] =	ssyncadd.s32 $0xFFFFEC00  }
0x1a4: {  	[spmem:s1] =	stream.indirect.scatter.add.f32 [tilespmem:s15], [sflag:$0x3], $0x80, s4, s21, $0xb8;
	[tilespmem:$0x1D000] =	vst v63  }
0x1a5: {  	_ =	swait.ge [sflag:s16], $0x1400  }
0x1a6: {  	[sflag:s16] =	ssyncset.done $0x0  }
0x1a7: {  	s4 =	sadd.s32 $0xFFFFFD80, s31;
	[sflag:s16] =	ssyncadd.s32 $0xFFFFEC00  }
0x1a8: {  	[tilespmem:s15], [sflag:$0x1] =	stream.linear.gather [hbm4b:s4+s3], $0x1400, $0x38;
	[tilespmem:$0x1D000] =	vst v63  }
0x1a9: {  	_ =	swait.ge [sflag:s22], $0x1400  }
0x1aa: {  	[sflag:s22] =	ssyncset.done $0x0  }
.Ltmp8:
0x1ab: {  	s2 =	sadd.s32 $0x14080, s2;
	[sflag:s22] =	ssyncadd.s32 $0xFFFFEC00;
	(pc) =	sbr.rel @p0 .LBB2_18-.Ltmp8, $4  }
0x1ac: {  	[spmem:s1] =	stream.indirect.scatter.add.f32 [tilespmem:s19], [sflag:$0x3], $0x80, s2, s21, $0xb8;
	[tilespmem:$0x1D000] =	vst v63  }
0x1ad: {  	_ =	swait.ge [sflag:s16], $0x1400  }
0x1ae: {  	[sflag:s16] =	ssyncset.done $0x0  }
0x1af: {  	s31 =	sadd.s32 $0x500, s31;
	[sflag:s16] =	ssyncadd.s32 $0xFFFFEC00  }
0x1b0: {  	[tilespmem:s19], [sflag:$0x2] =	stream.linear.gather [hbm4b:s11+s3], $0x1400, $0x38;
	[tilespmem:$0x1D000] =	vst v63  }
0x1b1: {  	_ =	swait.ge [sflag:s20], $0x1400  }
0x1b2: {  	[sflag:s20] =	ssyncset.done $0x0  }
0x1b3: {  	[sflag:s20] =	ssyncadd.s32 $0xFFFFEC00  }
0x1b4: {  	[spmem:s1] =	stream.indirect.scatter.add.f32 [tilespmem:s15], [sflag:$0x3], $0x80, s23, s21, $0xb8;
	[tilespmem:$0x1D000] =	vst v63  }
0x1b5: {  	s2 =	simm.s32 $0x0;
	_ =	swait.ge [sflag:s16], $0x1400  }
0x1b6: {  	v5 =	vor.u32 s2, v1;
	[sflag:s16] =	ssyncset.done $0x0  }
0x1b7: {  	v4 =	vmulhi.u32 $0xCCCCCCCD, v5;
	[sflag:s16] =	ssyncadd.s32 $0xFFFFEC00  }
0x1b8: {  	[tilespmem:s15], [sflag:$0x1] =	stream.linear.gather [hbm4b:s10+s2], $0x1400, $0x38;
	[tilespmem:$0x1D000] =	vst v63  }
0x1b9: {  	v6 =	vshrl.u32 v4, $0x5;
	_ =	swait.ge [sflag:s22], $0x1400  }
0x1ba: {  	v4 =	vmul.u32 $0xFFFFFFD8, v6;
	[sflag:s22] =	ssyncset.done $0x0  }
0x1bb: {  	[sflag:s22] =	ssyncadd.s32 $0xFFFFEC00  }
0x1bc: {  	v7 =	vmov s2;
	v8 =	vadd.s32 v5, v4;
	[spmem:s1] =	stream.indirect.scatter.add.f32 [tilespmem:s19], [sflag:$0x3], $0x80, s25, s21, $0xb8;
	[tilespmem:$0x1D000] =	vst v63  }
0x1bd: {  	vm0 =	veq.s32 v7, v1;
	vm1 =	vne.s32 v8, $0x0;
	_ =	swait.ge [sflag:s16], $0x1400  }
0x1be: {  	s31 =	simm.s32 $0x10;
	vm0 =	vmand vm0, vm1;
	[sflag:s16] =	ssyncset.done $0x0  }
0x1bf: {  	v4 =	vor.u32 s31, v1;
	v7 =	vsel vm0, $0xFFFFFFFF, v2;
	[sflag:s16] =	ssyncadd.s32 $0xFFFFEC00  }
0x1c0: {  	v9 =	vmulhi.u32 $0xCCCCCCCD, v4;
	v6 =	vadd.s32 v7, v6;
	_ =	swait.ge [sflag:s20], $0x1400  }
0x1c1: {  	vm1 =	vlt.u32 v5, $0x1388;
	v6 =	vshll.u32 v6, $0x7;
	[sflag:s20] =	ssyncset.done $0x0  }
0x1c2: {  	v5 =	vshrl.u32 v9, $0x5;
	v7 =	vor.u32 v8, v6;
	[sflag:s20] =	ssyncadd.s32 $0xFFFFEC00  }
0x1c3: {  	v6 =	vmul.u32 $0xFFFFFFD8, v5;
	[spmem:s1] =	stream.indirect.scatter.add.f32 [tilespmem:s15], [sflag:$0x3], $0x80, s26, s21, $0xb8;
	[tilespmem:$0x1D000] =	vst v63  }
0x1c4: {  	_ =	swait.ge [sflag:s16], $0x1400  }
0x1c5: {  	v8 =	vmov s31;
	v6 =	vadd.s32 v4, v6;
	[sflag:s16] =	ssyncset.done $0x0  }
0x1c6: {  	vm0 =	veq.s32 v8, v1;
	vm2 =	vne.s32 v6, $0x0;
	[sflag:s16] =	ssyncadd.s32 $0xFFFFEC00  }
0x1c7: {  	s30 =	simm.s32 $0x20;
	vm2 =	vmand vm0, vm2;
	v7 =	vld.idx.msk [tilespmem:v7+s18+$0x0], vm1  }
0x1c8: {  	s11 =	simm.s32 $0x30;
	v8 =	vor.u32 s30, v1;
	vm0 =	vmmov vm1;
	v9 =	vsel vm2, $0xFFFFFFFF, v2  }
.LBB2_20:
0x1c9: {  	p0 =	sne.s32 s11, $0x1380;
	v10 =	vmulhi.u32 $0xCCCCCCCD, v8;
	v5 =	vadd.s32 v9, v5  }
0x1ca: {  	vm1 =	vlt.u32 v4, $0x1388;
	v4 =	vmov v8;
	v9 =	vshll.u32 v5, $0x7  }
0x1cb: {  	v5 =	vshrl.u32 v10, $0x5;
	v8 =	vor.u32 v6, v9  }
0x1cc: {  	v6 =	vmul.u32 $0xFFFFFFD8, v5  }
.Ltmp9:
0x1cd: {  	(pc) =	sbr.rel @p0 .LBB2_20-.Ltmp9, $4  }
0x1ce: {  	v9 =	vmov s30;
	s30 =	smov.u32 s11;
	v6 =	vadd.s32 v4, v6  }
0x1cf: {  	vm2 =	veq.s32 v9, v1;
	vm3 =	vne.s32 v6, $0x0;
	[tilespmem:v7+s28+$0x0] =	vst.idx.add.f32.msk vm0, v3;
	vm0 =	vmmov vm1  }
0x1d0: {  	vm2 =	vmand vm2, vm3;
	v7 =	vld.idx.msk [tilespmem:v8+s18+$0x0], vm1  }
0x1d1: {  	s11 =	sadd.s32 $0x10, s11;
	v8 =	vor.u32 s30, v1;
	v9 =	vsel vm2, $0xFFFFFFFF, v2  }
0x1d2: {  	_ = 	snop  }
0x1d3: {  	v10 =	vmulhi.u32 $0xCCCCCCCD, v8;
	v5 =	vadd.s32 v9, v5  }
0x1d4: {  	vm1 =	vlt.u32 v4, $0x1388;
	v4 =	vshll.u32 v5, $0x7  }
0x1d5: {  	v5 =	vshrl.u32 v10, $0x5;
	v4 =	vor.u32 v6, v4  }
0x1d6: {  	v61 =	vmul.u32 $0xFFFFFFD8, v5;
	_ =	sdelay $0x1  }
0x1d7: {  	v62 =	vmov s30;
	v6 =	vadd.s32 v8, v61  }
0x1d8: {  	vm2 =	veq.s32 v62, v1;
	[tilespmem:v7+s28+$0x0] =	vst.idx.add.f32.msk vm0, v3;
	vm3 =	vne.s32 v6, $0x0  }
0x1d9: {  	vm12 =	vmand vm2, vm3;
	v4 =	vld.idx.msk [tilespmem:v4+s18+$0x0], vm1  }
0x1da: {  	v63 =	vsel vm12, $0xFFFFFFFF, v2  }
0x1db: {  	vm13 =	vmmov vm1;
	v5 =	vadd.s32 v63, v5  }
0x1dc: {  	vm14 =	vlt.u32 v8, $0x1388;
	v5 =	vshll.u32 v5, $0x7  }
0x1dd: {  	v5 =	vor.u32 v6, v5;
	_ =	sdelay $0x3  }
0x1de: {  	[tilespmem:v4+s28+$0x0] =	vst.idx.add.f32.msk vm13, v3  }
0x1df: {  	v4 =	vld.idx.msk [tilespmem:v5+s18+$0x0], vm14;
	_ =	sdelay $0x7  }
0x1e0: {  	[tilespmem:v4+s28+$0x0] =	vst.idx.add.f32.msk vm14, v3  }
0x1e1: {  	[bflag:$0x0] =	sbarrier.arrive $0xFFFF  }
0x1e2: {  	[tilespmem:s15], [sflag:$0x3] =	stream.linear.gather [spmem:s17], $0x1400, $0x38;
	[tilespmem:$0x1D000] =	vst v63  }
0x1e3: {  	_ =	swait.ge [sflag:s16], $0x1400  }
0x1e4: {  	[sflag:s16] =	ssyncset.done $0x0  }
0x1e5: {  	s2 =	sadd.s32 $0x0, s24;
	[sflag:s16] =	ssyncadd.s32 $0xFFFFEC00  }
0x1e6: {  	[hbm4b:s2+s3] =	stream.linear.scatter [tilespmem:s15], [sflag:$0x3], $0x1400, $0x38;
	[tilespmem:$0x1D000] =	vst v63  }
0x1e7: {  	_ =	swait.ge [sflag:s16], $0x1400  }
0x1e8: {  	s11 =	simm.s32 $0x280;
	s30 =	smov.u32 s17;
	vm15 =	vmmov vm14;
	[sflag:s16] =	ssyncset.done $0x0  }
.LBB2_22:
0x1e9: {  	p0 =	sne.s32 s11, $0x2580;
	[sflag:s16] =	ssyncadd.s32 $0xFFFFEC00;
	s30 =	sadd.s32 $0x1400, s30  }
0x1ea: {  	[tilespmem:s15], [sflag:$0x3] =	stream.linear.gather [spmem:s30], $0x1400, $0x38;
	[tilespmem:$0x1D000] =	vst v63  }
0x1eb: {  	s2 =	smov.u32 s11;
	s11 =	sadd.s32 $0x280, s11;
	_ =	swait.ge [sflag:s16], $0x1400  }
.Ltmp10:
0x1ec: {  	[sflag:s16] =	ssyncset.done $0x0;
	(pc) =	sbr.rel @p0 .LBB2_22-.Ltmp10, $4  }
0x1ed: {  	s2 =	sadd.s32 s2, s24;
	[sflag:s16] =	ssyncadd.s32 $0xFFFFEC00  }
0x1ee: {  	[hbm4b:s2+s3] =	stream.linear.scatter [tilespmem:s15], [sflag:$0x3], $0x1400, $0x38;
	[tilespmem:$0x1D000] =	vst v63  }
0x1ef: {  	_ =	swait.ge [sflag:s16], $0x1400  }
0x1f0: {  	[sflag:s16] =	ssyncset.done $0x0  }
0x1f1: {  	[sflag:s16] =	ssyncadd.s32 $0xFFFFEC00;
	s2 =	rddreg [dreg:$0x10]  }
0x1f2: {  	[hbm4b:s2+s3] =	stream.linear.scatter [tilespmem:s28], [sflag:$0x3], $0x2800, $0x38;
	[tilespmem:$0x1D000] =	vst v63  }
0x1f3: {  	_ =	swait.ge [sflag:s16], $0x2800  }
0x1f4: {  	s29 =	sadd.s32 $0x1, s29;
	s31 =	rddreg [dreg:$0x11]  }
0x1f5: {  	p0 =	sne.s32 s29, s31  }
.Ltmp11:
0x1f6: {  	_ = 	snop;
	(pc) =	sbr.rel @p0 .LBB2_1-.Ltmp11, $3  }
0x1f7: {  	_ =	sdelay $0x1  }
0x1f8: {  	[sflag:s16] =	ssyncset.done $0x0  }
0x1f9: {  	[sflag:s16] =	ssyncadd.s32 $0xFFFFD800  }
0x1fa: {  	_ =	sfence.sel $0x180000  }
0x1fb: {  	[bflag:$0x0] =	sbarrier.arrive $0xFFFF  }
0x1fc: {  	_ =	strace $0x90000047  }
0x1fd: {  	s0 =	stileid.u32;
	[bflag:$0x2] =	sbarrier.arrive $0xFFFF  }
0x1fe: {  	p0 =	sne.s32 s0, $0x0;
	s0 =	rddreg [dreg:$0x4]  }
0x1ff: {  	s0 =	sadd.s32 @!p0 $0x100000, s0  }
0x200: {  	[sflag:s0] =	ssyncadd.tile.s32 @!p0 $0x1;
	_ =	shalt  }
.Lfunc_end2:
_tile_overlayer_lowered:
.L_overlay_start_2:
0x201: {  	(tag) =	ssettag $0x2  }
0x202: {  	s0 =	rddreg [dreg:$0x0];
	s2 =	stileid.u32  }
0x203: {  	s1 =	rddreg [dreg:$0x1];
	p0 =	sne.s32 s2, $0x0  }
0x204: {  	s3 =	rddreg [dreg:$0x2];
	[bflag:$0x3] =	sbarrier.arrive $0xFFFF;
	s2 =	simm.s32 @!p0 $0x1C03  }
0x205: {  	[timem:s3], [sflag:s2] =	dma.local @!p0 [hbm:s0], s1  }
0x206: {  	s0 =	simm.s32 @!p0 $0x3  }
0x207: {  	_ =	swait.ge @!p0 [sflag:s0], s1  }
0x208: {  	s1 =	ssub.s32 @!p0 $0x0, s1;
	[sflag:s0] =	ssyncset.done @!p0 $0x0  }
0x209: {  	[sflag:s0] =	ssyncadd.s32 @!p0 s1  }
0x20a: {  	[bflag:$0x3] =	sbarrier.arrive $0xFFFF  }
0x20b: {  	_ =	shalt  }

// kernel: kernel.8.cloned.1.call-start
scs
__scs_entry_jumppad:
0x0: {  	(pc) =	sbr.rel $0x88, $3  }
0x1: {  	(tag) =	ssettag $0x0;
	lr =	simm.s32 $0x1  }
0x2: {  	[smem:$0x3F99] =	sst lr;
	_ =	strace $0xD0000000  }
0x3: {  	_ = 	snop  }
0x4: {  	_ = 	snop  }
0x5: {  	_ = 	snop  }
0x6: {  	_ = 	snop  }
0x7: {  	_ = 	snop  }
__scs_overlays_trampoline_lowered:
0x8: {  	[smem:$0x3FA8] =	sst s0  }
0x9: {  	[smem:$0x3FA9] =	sst s1  }
0xa: {  	[smem:$0x3FAA] =	sst s2  }
0xb: {  	[smem:$0x3FAB] =	sst s3  }
0xc: {  	[smem:$0x3FAC] =	sst s4  }
0xd: {  	[smem:$0x3FAD] =	sst s5  }
0xe: {  	[smem:$0x3FAE] =	sst s6  }
0xf: {  	[smem:$0x3FAF] =	sst s7  }
0x10: {  	[smem:$0x3FB0] =	sst s8  }
0x11: {  	[smem:$0x3FB1] =	sst s9;
	s0 =	simm.s32 @!p0 $0x0  }
0x12: {  	s1 =	sld [smem:$0x3F97];
	s0 =	simm.s32 @p0 $0x1  }
0x13: {  	[smem:$0x3FB2] =	sst s0;
	s0 =	simm.s32 @!p1 $0x0  }
0x14: {  	s2 =	sld [smem:$0x3F96];
	s0 =	simm.s32 @p1 $0x1  }
0x15: {  	[smem:$0x3FB3] =	sst s0;
	s0 =	simm.s32 @!p2 $0x0  }
0x16: {  	s3 =	sld [smem:$0x3FDB];
	s0 =	simm.s32 @p2 $0x1  }
0x17: {  	s4 =	simm.s32 $0x1BF5;
	[smem:$0x3FB5] =	sst s0  }
0x18: {  	s0 =	sld [smem:$0x3F98];
	_ =	swait.ge [sflag:s4], $0x0  }
0x19: {  	s7 =	sld [smem:$0x3F99]  }
0x1a: {  	s8 =	sadd.s32 $0xFFFFE003, lr  }
0x1b: {  	s9 =	sadd.s32 $0xFFFFFEF7, lr;
	s5 =	simm.s32 $0xFFFFFFFF;
	p2 =	slt.u32 s8, $0xFFFFF086  }
0x1c: {  	p1 =	slt.u32 s9, $0xF7A;
	s5 =	simm.s32 @!p2 $0x0  }
0x1d: {  	s5 =	simm.s32 @p1 $0x1;
	p0 =	seq.s32 s7, s2  }
0x1e: {  	s7 =	smul.u32 @!p0 $0xF7A, s2;
	p2 =	seq.s32 @!p0 s5, $0x0  }
0x1f: {  	s9 =	smul.u32 $0xF7A, s1;
	s8 =	simm.s32 @!p0 $0x1BF5;
	p2 =	por !p2, p0  }
0x20: {  	[sflag:s8] =	ssyncset.s32 @!p0 $0xFFFFF086;
	s6 =	sadd.s32 @!p0 s3, s7;
	s7 =	simm.s32 @!p0 $0x108  }
0x21: {  	s3 =	sadd.s32 s3, s9;
	s6 =	sadd.s32 @!p0 $0x88, s6;
	s7 =	simm.s32 @p2 $0x1082  }
0x22: {  	[simem:s7], [sflag:s8] =	dma.local @!p0 [hbm:s6], $0xF7A  }
0x23: {  	s9 =	sor.u32 $0xD0000000, s2;
	s6 =	simm.s32 $0x108;
	_ =	swait.ge @!p0 [sflag:s8], $0x0  }
0x24: {  	s3 =	sadd.s32 $0x88, s3;
	s6 =	simm.s32 @!p1 $0x1082;
	[sflag:s4] =	ssyncset.s32 $0xFFFFF086  }
0x25: {  	[simem:s6], [sflag:s4] =	dma.local [hbm:s3], $0xF7A  }
0x26: {  	[smem:$0x3F99] =	sst s1;
	(tag) =	ssettag s2;
	_ =	strace s9  }
0x27: {  	s1 =	sld [smem:$0x3FA9]  }
0x28: {  	s2 =	sld [smem:$0x3FAA]  }
0x29: {  	s4 =	sld [smem:$0x3FAC]  }
0x2a: {  	p0 =	seq.s32 s5, $0x0;
	s5 =	sld [smem:$0x3FAD]  }
0x2b: {  	s6 =	sld [smem:$0x3FAE]  }
0x2c: {  	s7 =	sld [smem:$0x3FAF]  }
0x2d: {  	s3 =	simm.s32 $0x108;
	s8 =	sld [smem:$0x3FB0]  }
0x2e: {  	s3 =	simm.s32 @!p0 $0x1082;
	s9 =	sld [smem:$0x3FB1]  }
0x2f: {  	lr =	sadd.s32 s0, s3;
	s0 =	sld [smem:$0x3FA8]  }
0x30: {  	s3 =	sld [smem:$0x3FAB]  }
0x31: {  	[smem:$0x3FB4] =	sst s10  }
0x32: {  	s10 =	sld [smem:$0x3FB2];
	_ =	sdelay $0x3  }
0x33: {  	p0 =	seq.s32 s10, $0x1;
	s10 =	sld [smem:$0x3FB4];
	_ =	sdelay $0x3  }
0x34: {  	[smem:$0x3FB4] =	sst s10  }
0x35: {  	s10 =	sld [smem:$0x3FB3];
	_ =	sdelay $0x3  }
0x36: {  	p1 =	seq.s32 s10, $0x1;
	s10 =	sld [smem:$0x3FB4];
	_ =	sdelay $0x3  }
0x37: {  	[smem:$0x3FB4] =	sst s10  }
0x38: {  	s10 =	sld [smem:$0x3FB5]  }
0x39: {  	_ = 	snop;
	(pc) =	sbr.ind lr, $3  }
0x3a: {  	_ = 	snop  }
0x3b: {  	_ = 	snop  }
0x3c: {  	p2 =	seq.s32 s10, $0x1;
	s10 =	sld [smem:$0x3FB4]  }
0x3d: {  	_ =	shalt  }
0x3e: {  	_ =	shalt  }
0x3f: {  	_ =	shalt  }
0x40: {  	_ =	shalt  }
0x41: {  	_ =	shalt  }
0x42: {  	_ =	shalt  }
0x43: {  	_ =	shalt  }
0x44: {  	_ =	shalt  }
0x45: {  	_ =	shalt  }
0x46: {  	_ =	shalt  }
0x47: {  	_ =	shalt  }
0x48: {  	_ =	shalt  }
0x49: {  	_ =	shalt  }
0x4a: {  	_ =	shalt  }
0x4b: {  	_ =	shalt  }
0x4c: {  	_ =	shalt  }
0x4d: {  	_ =	shalt  }
0x4e: {  	_ =	shalt  }
0x4f: {  	_ =	shalt  }
0x50: {  	_ =	shalt  }
0x51: {  	_ =	shalt  }
0x52: {  	_ =	shalt  }
0x53: {  	_ =	shalt  }
0x54: {  	_ =	shalt  }
0x55: {  	_ =	shalt  }
0x56: {  	_ =	shalt  }
0x57: {  	_ =	shalt  }
0x58: {  	_ =	shalt  }
0x59: {  	_ =	shalt  }
0x5a: {  	_ =	shalt  }
0x5b: {  	_ =	shalt  }
0x5c: {  	_ =	shalt  }
0x5d: {  	_ =	shalt  }
0x5e: {  	_ =	shalt  }
0x5f: {  	_ =	shalt  }
0x60: {  	_ =	shalt  }
0x61: {  	_ =	shalt  }
0x62: {  	_ =	shalt  }
0x63: {  	_ =	shalt  }
0x64: {  	_ =	shalt  }
0x65: {  	_ =	shalt  }
0x66: {  	_ =	shalt  }
0x67: {  	_ =	shalt  }
0x68: {  	_ =	shalt  }
0x69: {  	_ =	shalt  }
0x6a: {  	_ =	shalt  }
0x6b: {  	_ =	shalt  }
0x6c: {  	_ =	shalt  }
0x6d: {  	_ =	shalt  }
0x6e: {  	_ =	shalt  }
0x6f: {  	_ =	shalt  }
0x70: {  	_ =	shalt  }
0x71: {  	_ =	shalt  }
0x72: {  	_ =	shalt  }
0x73: {  	_ =	shalt  }
0x74: {  	_ =	shalt  }
0x75: {  	_ =	shalt  }
0x76: {  	_ =	shalt  }
0x77: {  	_ =	shalt  }
0x78: {  	_ =	shalt  }
0x79: {  	_ =	shalt  }
0x7a: {  	_ =	shalt  }
0x7b: {  	_ =	shalt  }
0x7c: {  	_ =	shalt  }
0x7d: {  	_ =	shalt  }
0x7e: {  	_ =	shalt  }
0x7f: {  	_ =	shalt  }
0x80: {  	_ =	shalt  }
0x81: {  	_ =	shalt  }
0x82: {  	_ =	shalt  }
0x83: {  	_ =	shalt  }
0x84: {  	_ =	shalt  }
0x85: {  	_ =	shalt  }
0x86: {  	_ =	shalt  }
0x87: {  	_ =	shalt  }
.Lfunc_end0:
.L_simem_size_0:
called_computation.1_lowered:
.L_overlay_start_0:
0x88: {  	s2 =	sld [smem:$0x3FD9]  }
0x89: {  	s3 =	sld [smem:$0x3FFE];
	_ =	sdelay $0x1  }
0x8a: {  	s1 =	srdreg.scid  }
0x8b: {  	s0 =	sand.u32 $0x1, s1  }
0x8c: {  	s14 =	sshll.u32 s0, $0xA;
	s2 =	sadd.s32 s3, s2  }
0x8d: {  	s2 =	sadd.s32 s2, s14  }
0x8e: {  	[smem:$0x3FC0] =	sst s2  }
0x8f: {  	_ = 	snop  }
0x90: {  	s2 =	sld [smem:$0x3FD0];
	_ =	sdelay $0x2  }
0x91: {  	s15 =	simm.s32 $0xA;
	s4 =	simm.s32 $0x10  }
0x92: {  	[smem:s4], [sflag:s15] =	dma.local [hbm:s2], $0x1  }
0x93: {  	_ =	swait.eq [sflag:s15], $0x1  }
0x94: {  	[sflag:s15] =	ssyncset.done $0x0  }
0x95: {  	s16 =	sld [smem:$0x10];
	[sflag:s15] =	ssyncadd.s32 $0xFFFFFFFF  }
0x96: {  	s17 =	sld [smem:$0x11];
	(tm) =	ssettm $0x1  }
0x97: {  	s18 =	sld [smem:$0x3FFB];
	_ =	sdelay $0x3  }
0x98: {  	_ =	strace s18  }
0x99: {  	s4 =	sld [smem:$0x3FFC];
	_ =	sdelay $0x3  }
0x9a: {  	_ =	strace s4  }
0x9b: {  	s4 =	sld [smem:$0x3FFD];
	_ =	sdelay $0x3  }
0x9c: {  	_ =	strace s4  }
0x9d: {  	_ =	strace $0x8FFFFFFF  }
0x9e: {  	s19 =	sld [smem:$0x3FDB];
	_ =	sdelay $0x1  }
0x9f: {  	s5 =	simm.s32 $_scs_section_size  }
0xa0: {  	s6 =	simm.s32 $_size__tile_overlayer_lowered;
	s7 =	simm.s32 $_tile_overlayer_lowered  }
0xa1: {  	s22 =	simm.s32 $0x1BFF;
	s21 =	sshll.u32 s7, $0x1;
	s4 =	sadd.s32 s5, s19  }
0xa2: {  	s8 =	simm.s32 $0x0;
	s20 =	sshll.u32 s6, $0x1;
	s6 =	sadd.s32 s21, s4  }
0xa3: {  	[timem:s8], [sflag:s22] =	dma.local [hbm:s6], s20  }
0xa4: {  	_ =	swait.ge [sflag:s22], s20  }
0xa5: {  	s5 =	ssub.s32 $0x0, s20;
	[sflag:s22] =	ssyncset.done $0x0  }
0xa6: {  	[sflag:s22] =	ssyncadd.s32 s5;
	_ =	sdelay $0x1  }
0xa7: {  	s23 =	simm.s32 $0x1B8B  }
0xa8: {  	_ =	swait.ge [sflag:s23], $0x1  }
0xa9: {  	[sflag:s23] =	ssyncset.done $0x0  }
0xaa: {  	s25 =	simm.s32 $0x1B8E;
	s24 =	sld [smem:$0x3FFE];
	[sflag:s23] =	ssyncadd.s32 $0xFFFFFFFF  }
0xab: {  	s26 =	simm.s32 $execute0_lowered;
	[smem:$0x3FD2] =	sst s25  }
0xac: {  	s6 =	sshll.u32 s26, $0x1;
	_ =	strace $0x80000049;
	[dreg:$0x1] =	wrdreg $0xFFFFFFFF  }
0xad: {  	s28 =	simm.s32 $_size_execute0_lowered;
	s4 =	sadd.s32 s4, s6;
	[dreg:$0x0] =	wrdreg $0x0  }
0xae: {  	s6 =	sshll.u32 s28, $0x1;
	[dreg:$0x2] =	wrdreg s4  }
0xaf: {  	[dreg:$0x3] =	wrdreg s6  }
0xb0: {  	[dreg:$0x4] =	wrdreg $0xC0  }
0xb1: {  	_ =	task [dreg:s8], $0x5FFFF  }
0xb2: {  	[dreg:$0x1] =	wrdreg $0xFFFFFFFF  }
0xb3: {  	[dreg:$0x0] =	wrdreg $0x60  }
0xb4: {  	[dreg:$0x2] =	wrdreg s24  }
0xb5: {  	[dreg:$0x3] =	wrdreg s17  }
0xb6: {  	[dreg:$0x4] =	wrdreg s16  }
0xb7: {  	[dreg:$0x5] =	wrdreg $0x9  }
0xb8: {  	_ =	task.clear_ibuf [dreg:s8], $0x6FFFF;
	_ =	strace $0x90000049  }
0xb9: {  	s29 =	simm.s32 $0x9;
	_ =	strace $0x8000004B  }
0xba: {  	_ =	swait.ge [sflag:s29], $0x1  }
0xbb: {  	[sflag:s29] =	ssyncadd.s32 $0xFFFFFFFF  }
0xbc: {  	_ =	strace $0x9000004B  }
0xbd: {  	_ =	sfence  }
0xbe: {  	s30 =	sld [smem:$0x0];
	_ =	sdelay $0x2  }
0xbf: {  	s31 =	sshll.u32 s1, $0xD;
	s1 =	sshrl.u32 s1, $0x2  }
0xc0: {  	s3 =	sand.u32 $0x4000, s31;
	s1 =	sadd.s32 s1, s30  }
0xc1: {  	s0 =	sor.u32 s3, s0;
	s1 =	sshll.u32 s1, $0x11  }
0xc2: {  	s0 =	sor.u32 s1, s0  }
0xc3: {  	s0 =	sadd.s32 $0x8F2B, s0  }
0xc4: {  	[sflag:s0] =	ssyncadd.remote.s32 $0x1  }
0xc5: {  	_ =	sfence.sel $0xFFFF  }
0xc6: {  	[dreg:$0x0] =	wrdreg $0xFFFFFFFF;
	(pc) =	sbr.abs _section_cstart, $3  }
0xc7: {  	[dreg:$0x1] =	wrdreg $0xFFFFFFFF  }
0xc8: {  	_ =	task.clear_ibuf [dreg:s8], $0x2FFFF;
	_ =	strace $0x9FFFFFFF  }
0xc9: {  	(tm) =	ssettm $0x7FFFFFFF  }
tec
execute0_lowered:
.L_overlay_start_1:
0x0: {  	(tag) =	ssettag $0x1  }
0x1: {  	s0 =	rddreg [dreg:$0x0]  }
0x2: {  	s1 =	rddreg [dreg:$0x1]  }
0x3: {  	s7 =	rddreg [dreg:$0x2];
	s2 =	simm.s32 $0x0  }
0x4: {  	s3 =	srdreg.scid;
	s15 =	stileid.u32;
	s17 =	simm.s32 $0x4000  }
0x5: {  	s18 =	simm.s32 $0x8000;
	s19 =	simm.s32 $0x50;
	s28 =	simm.s32 $0x1  }
0x6: {  	s29 =	simm.s32 $0x400;
	s30 =	simm.s32 $0x800;
	s31 =	simm.s32 $0x2  }
0x7: {  	s10 =	sand.u32 $0x1, s3;
	s4 =	sshll.u32 s15, $0x1;
	s23 =	smul.u32 $0x9C400, s15  }
0x8: {  	[smem:$0x7FF] =	sst s2;
	s8 =	sor.u32 s10, s4;
	s16 =	smul.u32 $0x4E200, s10  }
0x9: {  	s3 =	sadd.s32 $0x1A00, s0;
	s14 =	sadd.s32 $0x80, s1;
	s9 =	smul.u32 $0x2710, s8  }
0xa: {  	_ =	strace $0x8000004A;
	s5 =	ssub.s32 $0x2, s10;
	s12 =	smul.u32 $0x271000, s8  }
0xb: {  	s4 =	sshll.u32 s8, $0xB;
	s11 =	sshrl.u32 s5, $0x1;
	s13 =	smul.u32 $0x4E200, s8  }
0xc: {  	s25 =	sadd.s32 s23, s1;
	s23 =	simm.s32 $0x14780;
	s6 =	sadd.s32 s4, s0  }
0xd: {  	s4 =	sadd.s32 $0x29A00, s0;
	s20 =	ssub.s32 s5, s11;
	s0 =	sadd.s32 s16, s25  }
0xe: {  	s16 =	simm.s32 $0x3;
	s25 =	simm.s32 $0x16F80;
	s5 =	sadd.s32 $0x5BA00, s6  }
0xf: {  	s6 =	sadd.s32 $0x4BA00, s6;
	s9 =	sshrl.u32 s9, $0x3;
	s21 =	sshrl.u32 s12, $0x3  }
0x10: {  	s24 =	sadd.s32 $0x4C400, s13;
	s10 =	smax.u32 s20, $0x1;
	s26 =	sadd.s32 $0x4CE00, s13  }
0x11: {  	s15 =	sadd.s32 $0xA80, s0;
	s20 =	simm.s32 $0xF780;
	s7 =	sadd.s32 s7, s9  }
0x12: {  	s22 =	sadd.s32 s1, s21;
	s11 =	sadd.s32 s1, s24;
	s12 =	sadd.s32 s24, s14  }
0x13: {  	s13 =	sadd.s32 s1, s26;
	s14 =	sadd.s32 s26, s14;
	s21 =	simm.s32 $0x11F80  }
0x14: {  	s8 =	sadd.s32 $0x4D800, s22;
	s9 =	sadd.s32 $0x4D880, s22;
	s22 =	simm.s32 $0x0  }
.LBB2_1:
0x15: {  	[tilespmem:s2], [sflag:$0x3] =	stream.linear.gather [hbm4b:s5+s2], $0x3E80, $0x38;
	[tilespmem:$0x19780] =	vst v63  }
0x16: {  	_ =	swait.ge [sflag:s16], $0x3E80  }
0x17: {  	[sflag:s16] =	ssyncset.done $0x0  }
0x18: {  	[sflag:s16] =	ssyncadd.s32 $0xFFFFC180  }
0x19: {  	[tilespmem:s17], [sflag:$0x3] =	stream.linear.gather [hbm4b:s6+s2], $0x3E80, $0x38;
	[tilespmem:$0x19780] =	vst v63  }
0x1a: {  	_ =	swait.ge [sflag:s16], $0x3E80  }
0x1b: {  	[sflag:s16] =	ssyncset.done $0x0  }
0x1c: {  	[sflag:s16] =	ssyncadd.s32 $0xFFFFC180  }
0x1d: {  	[tilespmem:s18], [sflag:$0x3] =	stream.linear.gather [hbm4b:s4+s2], $0x5000, $0x38;
	[tilespmem:$0x19780] =	vst v63  }
0x1e: {  	_ =	swait.ge [sflag:s16], $0x5000  }
0x1f: {  	[sflag:s16] =	ssyncset.done $0x0  }
0x20: {  	[sflag:s16] =	ssyncadd.s32 $0xFFFFB000  }
0x21: {  	[tilespmem:s20], [sflag:$0x1] =	stream.indirect.gather [hbm4b:s3+s19], $0x80, s2, s19, $0xb8;
	[tilespmem:$0x19780] =	vst v63  }
0x22: {  	_ = 	snop  }
0x23: {  	[tilespmem:s21], [sflag:$0x1] =	stream.indirect.gather [hbm4b:s3+s19], $0x80, s17, s19, $0xb8;
	[tilespmem:$0x19780] =	vst v63  }
0x24: {  	s0 =	simm.s32 $0x80  }
0x25: {  	[tilespmem:s23], [sflag:$0x2] =	stream.indirect.gather [hbm4b:s3+s19], $0x80, s0, s19, $0xb8;
	[tilespmem:$0x19780] =	vst v63  }
0x26: {  	s26 =	simm.s32 $0x4080  }
0x27: {  	[tilespmem:s25], [sflag:$0x2] =	stream.indirect.gather [hbm4b:s3+s19], $0x80, s26, s19, $0xb8;
	[tilespmem:$0x19780] =	vst v63  }
0x28: {  	s24 =	simm.s32 $0x100;
	s26 =	simm.s32 $0xD020  }
.LBB2_2:
0x29: {  	s0 =	sshra.s32 s24, $0x2  }
0x2a: {  	v0 =	vld [tilespmem:s0+$0xFFFFFFC0]  }
0x2b: {  	v1 =	vld [tilespmem:s0+$0x3FC0];
	_ =	sdelay $0x4  }
0x2c: {  	v0 =	vshll.u32 v0, $0x1;
	v1 =	vshll.u32 v1, $0x1  }
0x2d: {  	v1 =	vor.u32 $0x1, v1;
	_ =	sdelay $0x3  }
0x2e: {  	v0 =	vld.idx.msk [tilespmem:v0+s18+$0x0], $0xffff  }
0x2f: {  	v1 =	vld.idx.msk [tilespmem:v1+s18+$0x0], $0xffff;
	_ =	sdelay $0x4  }
0x30: {  	v0 =	vadd.f32 v1, v0;
	_ =	sdelay $0x1  }
0x31: {  	[tilespmem:s26+$0xFFFFFFE0] =	vst v0  }
0x32: {  	v0 =	vld [tilespmem:s0+$0xFFFFFFD0]  }
0x33: {  	v60 =	vld [tilespmem:s0+$0x3FD0];
	_ =	sdelay $0x4  }
0x34: {  	v0 =	vshll.u32 v0, $0x1;
	v1 =	vshll.u32 v60, $0x1  }
0x35: {  	v1 =	vor.u32 $0x1, v1;
	_ =	sdelay $0x3  }
0x36: {  	v0 =	vld.idx.msk [tilespmem:v0+s18+$0x0], $0xffff  }
0x37: {  	v1 =	vld.idx.msk [tilespmem:v1+s18+$0x0], $0xffff;
	_ =	sdelay $0x4  }
0x38: {  	v0 =	vadd.f32 v1, v0;
	_ =	sdelay $0x1  }
0x39: {  	[tilespmem:s26+$0xFFFFFFF0] =	vst v0  }
0x3a: {  	v0 =	vld [tilespmem:s0+$0xFFFFFFE0]  }
0x3b: {  	v61 =	vld [tilespmem:s0+$0x3FE0];
	_ =	sdelay $0x4  }
0x3c: {  	v0 =	vshll.u32 v0, $0x1;
	v1 =	vshll.u32 v61, $0x1  }
0x3d: {  	v1 =	vor.u32 $0x1, v1;
	_ =	sdelay $0x3  }
0x3e: {  	v0 =	vld.idx.msk [tilespmem:v0+s18+$0x0], $0xffff  }
0x3f: {  	v1 =	vld.idx.msk [tilespmem:v1+s18+$0x0], $0xffff;
	_ =	sdelay $0x4  }
0x40: {  	v0 =	vadd.f32 v1, v0;
	_ =	sdelay $0x1  }
0x41: {  	[tilespmem:s26+$0x0] =	vst v0  }
0x42: {  	v0 =	vld [tilespmem:s0+$0xFFFFFFF0]  }
0x43: {  	v62 =	vld [tilespmem:s0+$0x3FF0];
	_ =	sdelay $0x4  }
0x44: {  	v0 =	vshll.u32 v0, $0x1;
	v1 =	vshll.u32 v62, $0x1  }
0x45: {  	v1 =	vor.u32 $0x1, v1;
	_ =	sdelay $0x3  }
0x46: {  	v0 =	vld.idx.msk [tilespmem:v0+s18+$0x0], $0xffff  }
0x47: {  	v1 =	vld.idx.msk [tilespmem:v1+s18+$0x0], $0xffff;
	_ =	sdelay $0x4  }
0x48: {  	v0 =	vadd.f32 v1, v0;
	_ =	sdelay $0x1  }
0x49: {  	[tilespmem:s26+$0x10] =	vst v0  }
0x4a: {  	v0 =	vld [tilespmem:s0+$0x0]  }
0x4b: {  	v63 =	vld [tilespmem:s0+$0x4000];
	_ =	sdelay $0x4  }
0x4c: {  	v0 =	vshll.u32 v0, $0x1;
	v1 =	vshll.u32 v63, $0x1  }
0x4d: {  	v1 =	vor.u32 $0x1, v1;
	_ =	sdelay $0x3  }
0x4e: {  	v0 =	vld.idx.msk [tilespmem:v0+s18+$0x0], $0xffff  }
0x4f: {  	v1 =	vld.idx.msk [tilespmem:v1+s18+$0x0], $0xffff;
	_ =	sdelay $0x1  }
0x50: {  	p0 =	sne.s32 s24, $0xF900  }
.Ltmp0:
0x51: {  	_ = 	snop;
	(pc) =	sbr.rel @p0 .LBB2_2-.Ltmp0, $3  }
0x52: {  	_ = 	snop  }
0x53: {  	v0 =	vadd.f32 v1, v0;
	_ =	sdelay $0x1  }
0x54: {  	s24 =	sadd.s32 $0x200, s24;
	[tilespmem:s26+$0x20] =	vst v0;
	s26 =	sadd.s32 $0x50, s26  }
0x55: {  	s0 =	simm.s32 $0x0;
	s1 =	simm.s32 $0xD000  }
0x56: {  	[hbm4b:s7+s0] =	stream.linear.scatter [tilespmem:s1], [sflag:$0x3], $0x2710, $0x38;
	[tilespmem:$0x19780] =	vst v63  }
0x57: {  	_ =	swait.ge [sflag:s16], $0x2710  }
0x58: {  	[sflag:s16] =	ssyncset.done $0x0  }
0x59: {  	[sflag:s16] =	ssyncadd.s32 $0xFFFFD8F0  }
0x5a: {  	_ =	swait.ge [sflag:s28], $0x5000  }
0x5b: {  	[sflag:s28] =	ssyncset.done $0x0  }
0x5c: {  	s1 =	sadd.s32 $0xFFFFF580, s15;
	[sflag:s28] =	ssyncadd.s32 $0xFFFFB000  }
0x5d: {  	[hbm4b:s1+s29] =	stream.strided.scatter [tilespmem:s20], [sflag:$0x3], $0x2800, s30, s29, $0x38;
	[tilespmem:$0x19780] =	vst v63  }
0x5e: {  	_ =	swait.ge [sflag:s16], $0x2800  }
0x5f: {  	[sflag:s16] =	ssyncset.done $0x0  }
0x60: {  	s24 =	sadd.s32 $0xFFFFF600, s15;
	[sflag:s16] =	ssyncadd.s32 $0xFFFFD800  }
0x61: {  	[hbm4b:s24+s29] =	stream.strided.scatter [tilespmem:s21], [sflag:$0x3], $0x2800, s30, s29, $0x38;
	[tilespmem:$0x19780] =	vst v63  }
0x62: {  	_ =	swait.ge [sflag:s16], $0x2800  }
0x63: {  	[sflag:s16] =	ssyncset.done $0x0  }
0x64: {  	s26 =	simm.s32 $0x100;
	[sflag:s16] =	ssyncadd.s32 $0xFFFFD800  }
0x65: {  	[tilespmem:s20], [sflag:$0x1] =	stream.indirect.gather [hbm4b:s3+s19], $0x80, s26, s19, $0xb8;
	[tilespmem:$0x19780] =	vst v63  }
0x66: {  	s1 =	simm.s32 $0x4100  }
0x67: {  	[tilespmem:s21], [sflag:$0x1] =	stream.indirect.gather [hbm4b:s3+s19], $0x80, s1, s19, $0xb8;
	[tilespmem:$0x19780] =	vst v63  }
0x68: {  	_ =	swait.ge [sflag:s31], $0x5000  }
0x69: {  	[sflag:s31] =	ssyncset.done $0x0  }
0x6a: {  	s24 =	sadd.s32 $0xFFFFFF80, s15;
	[sflag:s31] =	ssyncadd.s32 $0xFFFFB000  }
0x6b: {  	[hbm4b:s24+s29] =	stream.strided.scatter [tilespmem:s23], [sflag:$0x3], $0x2800, s30, s29, $0x38;
	[tilespmem:$0x19780] =	vst v63  }
0x6c: {  	_ =	swait.ge [sflag:s16], $0x2800  }
0x6d: {  	[sflag:s16] =	ssyncset.done $0x0  }
0x6e: {  	[sflag:s16] =	ssyncadd.s32 $0xFFFFD800  }
0x6f: {  	[hbm4b:s15+s29] =	stream.strided.scatter [tilespmem:s25], [sflag:$0x3], $0x2800, s30, s29, $0x38;
	[tilespmem:$0x19780] =	vst v63  }
0x70: {  	_ =	swait.ge [sflag:s16], $0x2800  }
0x71: {  	[sflag:s16] =	ssyncset.done $0x0  }
0x72: {  	s26 =	simm.s32 $0x180;
	[sflag:s16] =	ssyncadd.s32 $0xFFFFD800  }
0x73: {  	[tilespmem:s23], [sflag:$0x2] =	stream.indirect.gather [hbm4b:s3+s19], $0x80, s26, s19, $0xb8;
	[tilespmem:$0x19780] =	vst v63  }
0x74: {  	s0 =	simm.s32 $0x4180;
	s24 =	simm.s32 $0x400;
	s26 =	sadd.s32 $0x1400, s15  }
.LBB2_4:
0x75: {  	[tilespmem:s25], [sflag:$0x2] =	stream.indirect.gather [hbm4b:s3+s19], $0x80, s0, s19, $0xb8;
	[tilespmem:$0x19780] =	vst v63  }
0x76: {  	s0 =	smov.u32 s24  }
0x77: {  	p0 =	sne.s32 s24, $0xF000;
	s24 =	sadd.s32 $0x400, s24;
	_ =	swait.ge [sflag:s28], $0x5000  }
0x78: {  	[sflag:s28] =	ssyncset.done $0x0  }
0x79: {  	s1 =	sadd.s32 $0xFFFFF580, s26;
	[sflag:s28] =	ssyncadd.s32 $0xFFFFB000  }
0x7a: {  	[hbm4b:s1+s29] =	stream.strided.scatter [tilespmem:s20], [sflag:$0x3], $0x2800, s30, s29, $0x38;
	[tilespmem:$0x19780] =	vst v63  }
0x7b: {  	_ =	swait.ge [sflag:s16], $0x2800  }
0x7c: {  	[sflag:s16] =	ssyncset.done $0x0  }
0x7d: {  	s1 =	sadd.s32 $0xFFFFF600, s26;
	[sflag:s16] =	ssyncadd.s32 $0xFFFFD800  }
0x7e: {  	[hbm4b:s1+s29] =	stream.strided.scatter [tilespmem:s21], [sflag:$0x3], $0x2800, s30, s29, $0x38;
	[tilespmem:$0x19780] =	vst v63  }
0x7f: {  	_ =	swait.ge [sflag:s16], $0x2800  }
0x80: {  	s0 =	sshra.s32 s0, $0x2;
	[sflag:s16] =	ssyncset.done $0x0  }
0x81: {  	s1 =	sadd.s32 $0x100, s0;
	[sflag:s16] =	ssyncadd.s32 $0xFFFFD800  }
0x82: {  	[tilespmem:s20], [sflag:$0x1] =	stream.indirect.gather [hbm4b:s3+s19], $0x80, s1, s19, $0xb8;
	[tilespmem:$0x19780] =	vst v63  }
0x83: {  	s1 =	sadd.s32 $0x4100, s0  }
0x84: {  	[tilespmem:s21], [sflag:$0x1] =	stream.indirect.gather [hbm4b:s3+s19], $0x80, s1, s19, $0xb8;
	[tilespmem:$0x19780] =	vst v63  }
0x85: {  	_ =	swait.ge [sflag:s31], $0x5000  }
0x86: {  	[sflag:s31] =	ssyncset.done $0x0  }
0x87: {  	s1 =	sadd.s32 $0xFFFFFF80, s26;
	[sflag:s31] =	ssyncadd.s32 $0xFFFFB000  }
0x88: {  	[hbm4b:s1+s29] =	stream.strided.scatter [tilespmem:s23], [sflag:$0x3], $0x2800, s30, s29, $0x38;
	[tilespmem:$0x19780] =	vst v63  }
0x89: {  	_ =	swait.ge [sflag:s16], $0x2800  }
0x8a: {  	[sflag:s16] =	ssyncset.done $0x0  }
0x8b: {  	[sflag:s16] =	ssyncadd.s32 $0xFFFFD800  }
0x8c: {  	[hbm4b:s26+s29] =	stream.strided.scatter [tilespmem:s25], [sflag:$0x3], $0x2800, s30, s29, $0x38;
	[tilespmem:$0x19780] =	vst v63  }
.Ltmp1:
0x8d: {  	_ =	swait.ge [sflag:s16], $0x2800;
	(pc) =	sbr.rel @p0 .LBB2_4-.Ltmp1, $4  }
0x8e: {  	[sflag:s16] =	ssyncset.done $0x0  }
0x8f: {  	s1 =	sadd.s32 $0x180, s0;
	[sflag:s16] =	ssyncadd.s32 $0xFFFFD800  }
0x90: {  	[tilespmem:s23], [sflag:$0x2] =	stream.indirect.gather [hbm4b:s3+s19], $0x80, s1, s19, $0xb8;
	[tilespmem:$0x19780] =	vst v63  }
0x91: {  	s0 =	sadd.s32 $0x4180, s0;
	s26 =	sadd.s32 $0x1400, s26  }
0x92: {  	[tilespmem:s25], [sflag:$0x2] =	stream.indirect.gather [hbm4b:s3+s19], $0x80, s0, s19, $0xb8;
	[tilespmem:$0x19780] =	vst v63  }
0x93: {  	_ =	swait.ge [sflag:s28], $0x5000  }
0x94: {  	[sflag:s28] =	ssyncset.done $0x0  }
0x95: {  	[sflag:s28] =	ssyncadd.s32 $0xFFFFB000  }
0x96: {  	[hbm4b:s11+s29] =	stream.strided.scatter [tilespmem:s20], [sflag:$0x3], $0x2800, s30, s29, $0x38;
	[tilespmem:$0x19780] =	vst v63  }
0x97: {  	_ =	swait.ge [sflag:s16], $0x2800  }
0x98: {  	[sflag:s16] =	ssyncset.done $0x0  }
0x99: {  	[sflag:s16] =	ssyncadd.s32 $0xFFFFD800  }
0x9a: {  	[hbm4b:s12+s29] =	stream.strided.scatter [tilespmem:s21], [sflag:$0x3], $0x2800, s30, s29, $0x38;
	[tilespmem:$0x19780] =	vst v63  }
0x9b: {  	_ =	swait.ge [sflag:s16], $0x2800  }
0x9c: {  	[sflag:s16] =	ssyncset.done $0x0  }
0x9d: {  	s24 =	simm.s32 $0x3E00;
	[sflag:s16] =	ssyncadd.s32 $0xFFFFD800  }
0x9e: {  	[tilespmem:s20], [sflag:$0x1] =	stream.indirect.gather [hbm4b:s3+s19], $0x80, s24, s19, $0xb8;
	[tilespmem:$0x19780] =	vst v63  }
0x9f: {  	s26 =	simm.s32 $0x7E00  }
0xa0: {  	[tilespmem:s21], [sflag:$0x1] =	stream.indirect.gather [hbm4b:s3+s19], $0x80, s26, s19, $0xb8;
	[tilespmem:$0x19780] =	vst v63  }
0xa1: {  	_ =	swait.ge [sflag:s31], $0x5000  }
0xa2: {  	[sflag:s31] =	ssyncset.done $0x0  }
0xa3: {  	[sflag:s31] =	ssyncadd.s32 $0xFFFFB000  }
0xa4: {  	[hbm4b:s13+s29] =	stream.strided.scatter [tilespmem:s23], [sflag:$0x3], $0x2800, s30, s29, $0x38;
	[tilespmem:$0x19780] =	vst v63  }
0xa5: {  	_ =	swait.ge [sflag:s16], $0x2800  }
0xa6: {  	[sflag:s16] =	ssyncset.done $0x0  }
0xa7: {  	[sflag:s16] =	ssyncadd.s32 $0xFFFFD800  }
0xa8: {  	[hbm4b:s14+s29] =	stream.strided.scatter [tilespmem:s25], [sflag:$0x3], $0x2800, s30, s29, $0x38;
	[tilespmem:$0x19780] =	vst v63  }
0xa9: {  	_ =	swait.ge [sflag:s16], $0x2800  }
0xaa: {  	[sflag:s16] =	ssyncset.done $0x0  }
0xab: {  	[sflag:s16] =	ssyncadd.s32 $0xFFFFD800  }
0xac: {  	_ =	swait.ge [sflag:s28], $0x5000  }
0xad: {  	[sflag:s28] =	ssyncset.done $0x0  }
0xae: {  	[sflag:s28] =	ssyncadd.s32 $0xFFFFB000  }
0xaf: {  	[hbm4b:s8+s29] =	stream.strided.scatter [tilespmem:s20], [sflag:$0x3], $0x2800, s30, s29, $0x38;
	[tilespmem:$0x19780] =	vst v63  }
0xb0: {  	s22 =	sadd.s32 $0x1, s22;
	_ =	swait.ge [sflag:s16], $0x2800  }
0xb1: {  	p0 =	sne.s32 s22, s10;
	[sflag:s16] =	ssyncset.done $0x0  }
.Ltmp2:
0xb2: {  	[sflag:s16] =	ssyncadd.s32 $0xFFFFD800;
	(pc) =	sbr.rel @p0 .LBB2_1-.Ltmp2, $4  }
0xb3: {  	[hbm4b:s9+s29] =	stream.strided.scatter [tilespmem:s21], [sflag:$0x3], $0x2800, s30, s29, $0x38;
	[tilespmem:$0x19780] =	vst v63  }
0xb4: {  	_ =	swait.ge [sflag:s16], $0x2800  }
0xb5: {  	[sflag:s16] =	ssyncset.done $0x0  }
0xb6: {  	[sflag:s16] =	ssyncadd.s32 $0xFFFFD800  }
0xb7: {  	_ =	sfence.sel $0x180000  }
0xb8: {  	[bflag:$0x0] =	sbarrier.arrive $0xFFFF  }
0xb9: {  	_ =	strace $0x9000004A  }
0xba: {  	s0 =	stileid.u32;
	[bflag:$0x2] =	sbarrier.arrive $0xFFFF  }
0xbb: {  	p0 =	sne.s32 s0, $0x0;
	s0 =	rddreg [dreg:$0x3]  }
0xbc: {  	s0 =	sadd.s32 @!p0 $0x100000, s0  }
0xbd: {  	[sflag:s0] =	ssyncadd.tile.s32 @!p0 $0x1;
	_ =	shalt  }
.Lfunc_end2:
_tile_overlayer_lowered:
.L_overlay_start_2:
0xbe: {  	(tag) =	ssettag $0x2  }
0xbf: {  	s0 =	rddreg [dreg:$0x0];
	s2 =	stileid.u32  }
0xc0: {  	s1 =	rddreg [dreg:$0x1];
	p0 =	sne.s32 s2, $0x0  }
0xc1: {  	s3 =	rddreg [dreg:$0x2];
	[bflag:$0x3] =	sbarrier.arrive $0xFFFF;
	s2 =	simm.s32 @!p0 $0x1C03  }
0xc2: {  	[timem:s3], [sflag:s2] =	dma.local @!p0 [hbm:s0], s1  }
0xc3: {  	s0 =	simm.s32 @!p0 $0x3  }
0xc4: {  	_ =	swait.ge @!p0 [sflag:s0], s1  }
0xc5: {  	s1 =	ssub.s32 @!p0 $0x0, s1;
	[sflag:s0] =	ssyncset.done @!p0 $0x0  }
0xc6: {  	[sflag:s0] =	ssyncadd.s32 @!p0 s1  }
0xc7: {  	[bflag:$0x3] =	sbarrier.arrive $0xFFFF  }
0xc8: {  	_ =	shalt  }

</sc_bundles>
